<compile_context>
chip_gen: v7x
topology: tpu7x:2x2x1
jax: 0.10.2.dev20260603
libtpu: 0.0.44.dev20260713+nightly
codegen_flags: <defaults>
</compile_context>

<pallas_src>
import jax
import jax.numpy as jnp
from jax.experimental import pallas as pl
from jax.experimental.pallas import tpu as pltpu
from jax.experimental.pallas import tpu_sc as plsc

D = 768
H = 12
HD = D // H
E = 16
V = 32000
HOR = 16
FF = 3072
S = 512
NEG = -1e30
FT = 512
NFT = FF // FT
PT = 1536
NPT = D * HOR // PT
VT = 3200
NVT = V // VT


NW = 32
BPW = S // NW


def _emb_body(table_hbm, idx_hbm, out_hbm, idx_v, rows_v, sem):
    wid = jax.lax.axis_index("s") * 2 + jax.lax.axis_index("c")
    base = wid * BPW
    pltpu.sync_copy(idx_hbm.at[pl.ds(base, BPW)], idx_v)
    pltpu.async_copy(table_hbm.at[idx_v], rows_v, sem).wait()
    pltpu.sync_copy(rows_v, out_hbm.at[pl.ds(base, BPW)])


def _run_emb(table, ids):
    mesh = plsc.VectorSubcoreMesh(core_axis_name="c", subcore_axis_name="s")
    return pl.kernel(
        _emb_body,
        mesh=mesh,
        out_type=jax.ShapeDtypeStruct((S, D), jnp.float32),
        scratch_types=[
            pltpu.VMEM((BPW,), jnp.int32),
            pltpu.VMEM((BPW, D), jnp.float32),
            pltpu.SemaphoreType.DMA,
        ],
    )(table, ids)


def _bf(x):
    return x.astype(jnp.bfloat16)


def _mm(a, b, trans_b=True):
    dn = (((1,), (1,)), ((), ())) if trans_b else (((1,), (0,)), ((), ()))
    return jax.lax.dot_general(_bf(a), _bf(b), dn,
                               preferred_element_type=jnp.float32)


def _ln_in(x, g, b):
    m = jnp.mean(x, axis=-1, keepdims=True)
    v = jnp.mean((x - m) ** 2, axis=-1, keepdims=True)
    return (x - m) * jax.lax.rsqrt(v + 1e-5) * g + b


def _attn_in(x, wq, bq, wk, bk, wv, bv, wo, bo, causal):
    q = _mm(x, wq) + bq
    k = _mm(x, wk) + bk
    v = _mm(x, wv) + bv
    scale = 1.0 / (HD ** 0.5)
    outs = []
    if causal:
        row = jax.lax.broadcasted_iota(jnp.int32, (S, S), 0)
        col = jax.lax.broadcasted_iota(jnp.int32, (S, S), 1)
        cm = col > row
    for h in range(H):
        sl = slice(h * HD, (h + 1) * HD)
        a = _mm(q[:, sl], k[:, sl]) * scale
        if causal:
            a = jnp.where(cm, NEG, a)
        a = a - jnp.max(a, axis=-1, keepdims=True)
        ea = jnp.exp(a)
        p = ea * (1.0 / jnp.sum(ea, axis=-1, keepdims=True))
        outs.append(_mm(p, v[:, sl], trans_b=False))
    o = jnp.concatenate(outs, axis=-1)
    return _mm(o, wo) + bo


def _block_body(x_ref, wq, bq, wk, bk, wv, bv, wo, bo,
                w1, b1, w2, b2, ga, bea, gf, bef,
                out_ref, xa_ref, acc_ref, *, is_top):
    s = pl.program_id(0)

    @pl.when(s == 0)
    def _():
        x = x_ref[...]
        a = _attn_in(x, wq[...], bq[...], wk[...], bk[...], wv[...], bv[...],
                     wo[...], bo[...], causal=is_top)
        xa_ref[...] = _ln_in(x + a, ga[...], bea[...])

    @pl.when(s > 0)
    def _():
        hh = _mm(xa_ref[...], w1[...]) + b1[...]
        if is_top:
            act = 0.5 * hh * (1.0 + jax.lax.erf(hh * (2.0 ** -0.5)))
        else:
            act = jnp.maximum(hh, 0.0)
        part = _mm(act, w2[...])
        acc_ref[...] = jnp.where(s == 1, part, acc_ref[...] + part)

    @pl.when(s == NFT)
    def _():
        f = acc_ref[...] + b2[...]
        if is_top:
            out_ref[...] = xa_ref[...] + f
        else:
            out_ref[...] = _ln_in(xa_ref[...] + f, gf[...], bef[...])


def _run_block(x, p, is_top):
    r2 = lambda a: a.reshape(1, -1)
    if is_top:
        ga, bea, gf, bef = p['g'], p['be'], p['g'], p['be']
    else:
        ga, bea, gf, bef = p['g1'], p['be1'], p['g2'], p['be2']
    c = lambda s: (0, 0)
    body = lambda *refs: _block_body(*refs, is_top=is_top)
    return pl.pallas_call(
        body,
        grid=(NFT + 1,),
        in_specs=[
            pl.BlockSpec((S, D), c),
            pl.BlockSpec((D, D), c), pl.BlockSpec((1, D), c),
            pl.BlockSpec((D, D), c), pl.BlockSpec((1, D), c),
            pl.BlockSpec((D, D), c), pl.BlockSpec((1, D), c),
            pl.BlockSpec((D, D), c), pl.BlockSpec((1, D), c),
            pl.BlockSpec((FT, D),
                         lambda s: (jnp.clip(s - 1, 0, NFT - 1), 0)),
            pl.BlockSpec((1, FT),
                         lambda s: (0, jnp.clip(s - 1, 0, NFT - 1))),
            pl.BlockSpec((D, FT),
                         lambda s: (0, jnp.clip(s - 1, 0, NFT - 1))),
            pl.BlockSpec((1, D), c),
            pl.BlockSpec((1, D), c), pl.BlockSpec((1, D), c),
            pl.BlockSpec((1, D), c), pl.BlockSpec((1, D), c),
        ],
        out_specs=pl.BlockSpec((S, D), c),
        out_shape=jax.ShapeDtypeStruct((S, D), jnp.float32),
        scratch_shapes=[
            pltpu.VMEM((S, D), jnp.float32),
            pltpu.VMEM((S, D), jnp.float32),
        ],
    )(x, p['Wq'], r2(p['bq']), p['Wk'], r2(p['bk']), p['Wv'], r2(p['bv']),
      p['Wo'], r2(p['bo']), p['W1'], r2(p['b1']), p['W2'], r2(p['b2']),
      ga.reshape(1, -1), bea.reshape(1, -1),
      gf.reshape(1, -1), bef.reshape(1, -1))


def _pair_body(x_ref,
               wqA, bqA, wkA, bkA, wvA, bvA, woA, boA,
               w1A, b1A, w2A, b2A, gaA, beaA, gfA, befA,
               wqB, wkB, wvB, woB,
               bqB, bkB, bvB, boB,
               w1B, b1B, w2B, b2B, gaB, beaB, gfB, befB,
               out_ref, xa_ref, acc_ref, xblk_ref, abuf, sems, *, is_top):
    s = pl.program_id(0)
    hbmB = (wqB, wkB, wvB, woB)

    @pl.when(s == 0)
    def _():
        for j in range(4):
            pltpu.make_async_copy(hbmB[j], abuf.at[j], sems.at[j]).start()
        x = x_ref[...]
        a = _attn_in(x, wqA[...], bqA[...], wkA[...], bkA[...], wvA[...],
                     bvA[...], woA[...], boA[...], causal=is_top)
        xa_ref[...] = _ln_in(x + a, gaA[...], beaA[...])

    for half, (w1, b1, w2, b2, gf, bef) in enumerate(
            ((w1A, b1A, w2A, b2A, gfA, befA),
             (w1B, b1B, w2B, b2B, gfB, befB))):
        base = half * (NFT + 1)

        @pl.when((s > base) & (s <= base + NFT))
        def _(w1=w1, b1=b1, w2=w2, base=base):
            hh = _mm(xa_ref[...], w1[...]) + b1[...]
            if is_top:
                act = 0.5 * hh * (1.0 + jax.lax.erf(hh * (2.0 ** -0.5)))
            else:
                act = jnp.maximum(hh, 0.0)
            part = _mm(act, w2[...])
            acc_ref[...] = jnp.where(s == base + 1, part, acc_ref[...] + part)

        @pl.when(s == base + NFT)
        def _(b2=b2, gf=gf, bef=bef, half=half):
            f = acc_ref[...] + b2[...]
            if is_top:
                res = xa_ref[...] + f
            else:
                res = _ln_in(xa_ref[...] + f, gf[...], bef[...])
            if half == 0:
                xblk_ref[...] = res
            else:
                out_ref[...] = res

    @pl.when(s == NFT + 1)
    def _():
        for j in range(4):
            pltpu.make_async_copy(hbmB[j], abuf.at[j], sems.at[j]).wait()
        x = xblk_ref[...]
        a = _attn_in(x, abuf[0], bqB[...], abuf[1], bkB[...], abuf[2],
                     bvB[...], abuf[3], boB[...], causal=is_top)
        xa_ref[...] = _ln_in(x + a, gaB[...], beaB[...])


def _run_pair(x, pA, pB, is_top):
    r2 = lambda a: a.reshape(1, -1)

    def lnp(p):
        if is_top:
            return p['g'], p['be'], p['g'], p['be']
        return p['g1'], p['be1'], p['g2'], p['be2']

    gaA, beaA, gfA, befA = lnp(pA)
    gaB, beaB, gfB, befB = lnp(pB)
    c = lambda s: (0, 0)
    sm = lambda: pl.BlockSpec((1, D), c)
    dd = lambda: pl.BlockSpec((D, D), c)
    hbm = lambda: pl.BlockSpec(memory_space=pltpu.MemorySpace.HBM)
    w1sp = lambda base: pl.BlockSpec(
        (FT, D), lambda s, base=base: (jnp.clip(s - base - 1, 0, NFT - 1), 0))
    b1sp = lambda base: pl.BlockSpec(
        (1, FT), lambda s, base=base: (0, jnp.clip(s - base - 1, 0, NFT - 1)))
    w2sp = lambda base: pl.BlockSpec(
        (D, FT), lambda s, base=base: (0, jnp.clip(s - base - 1, 0, NFT - 1)))

    body = lambda *refs: _pair_body(*refs, is_top=is_top)
    in_specs = (
        [pl.BlockSpec((S, D), c)]
        + [dd(), sm(), dd(), sm(), dd(), sm(), dd(), sm()]
        + [w1sp(0), b1sp(0), w2sp(0), sm(), sm(), sm(), sm(), sm()]
        + [hbm(), hbm(), hbm(), hbm()]
        + [sm(), sm(), sm(), sm()]
        + [w1sp(NFT + 1), b1sp(NFT + 1), w2sp(NFT + 1),
           sm(), sm(), sm(), sm(), sm()]
    )
    args = (
        [x,
         pA['Wq'], r2(pA['bq']), pA['Wk'], r2(pA['bk']),
         pA['Wv'], r2(pA['bv']), pA['Wo'], r2(pA['bo']),
         pA['W1'], r2(pA['b1']), pA['W2'], r2(pA['b2']),
         r2(gaA), r2(beaA), r2(gfA), r2(befA),
         pB['Wq'], pB['Wk'], pB['Wv'], pB['Wo'],
         r2(pB['bq']), r2(pB['bk']), r2(pB['bv']), r2(pB['bo']),
         pB['W1'], r2(pB['b1']), pB['W2'], r2(pB['b2']),
         r2(gaB), r2(beaB), r2(gfB), r2(befB)]
    )
    return pl.pallas_call(
        body,
        grid=(2 * (NFT + 1),),
        in_specs=in_specs,
        out_specs=pl.BlockSpec((S, D), c),
        out_shape=jax.ShapeDtypeStruct((S, D), jnp.float32),
        scratch_shapes=[
            pltpu.VMEM((S, D), jnp.float32),
            pltpu.VMEM((S, D), jnp.float32),
            pltpu.VMEM((S, D), jnp.float32),
            pltpu.VMEM((4, D, D), jnp.float32),
            pltpu.SemaphoreType.DMA((4,)),
        ],
    )(*args)


def _lattice_body(x_ref, wg_ref, we_ref, wo_ref, bo_ref, g_ref, b_ref,
                  out_ref, acc_ref, eidx_ref):
    e = pl.program_id(0)
    x = x_ref[...]

    @pl.when(e == 0)
    def _():
        rl = _mm(x, wg_ref[...])
        eidx_ref[...] = jnp.argmax(rl, axis=-1, keepdims=True).astype(jnp.int32)

    ys = _mm(x, we_ref[0], trans_b=False)
    sel = eidx_ref[...] == e
    prev = jnp.where(e == 0, jnp.zeros_like(ys), acc_ref[...])
    acc_ref[...] = jnp.where(sel, ys, prev)

    @pl.when(e == E - 1)
    def _():
        lo = _mm(acc_ref[...], wo_ref[...]) + bo_ref[...]
        out_ref[...] = _ln_in(x + lo, g_ref[...], b_ref[...])


def _run_lattice(x, lat):
    r2 = lambda a: a.reshape(1, -1)
    return pl.pallas_call(
        _lattice_body,
        grid=(E,),
        in_specs=[
            pl.BlockSpec((S, D), lambda e: (0, 0)),
            pl.BlockSpec((E, D), lambda e: (0, 0)),
            pl.BlockSpec((1, D, D), lambda e: (e, 0, 0)),
            pl.BlockSpec((D, D), lambda e: (0, 0)),
            pl.BlockSpec((1, D), lambda e: (0, 0)),
            pl.BlockSpec((1, D), lambda e: (0, 0)),
            pl.BlockSpec((1, D), lambda e: (0, 0)),
        ],
        out_specs=pl.BlockSpec((S, D), lambda e: (0, 0)),
        out_shape=jax.ShapeDtypeStruct((S, D), jnp.float32),
        scratch_shapes=[
            pltpu.VMEM((S, D), jnp.float32),
            pltpu.VMEM((S, 1), jnp.int32),
        ],
    )(x, lat['Wg'], lat['W'], lat['Wo'], r2(lat['bo']), r2(lat['g']),
      r2(lat['b']))


def _head_body(xl_ref, wh_ref, bh_ref, wp_ref, wc1_ref, bc1_ref,
               wc2_ref, bc2_ref, logits_ref, conf_ref, proj_ref, projm_ref):
    s = pl.program_id(0)

    @pl.when(s < NPT)
    def _():
        pr = _mm(xl_ref[...], wh_ref[...]) + bh_ref[...]
        proj_ref[:, pl.ds(s * PT, PT)] = pr

    @pl.when(s == NPT)
    def _():
        projm_ref[...] = proj_ref[...].reshape(HOR, D)

    @pl.when(s >= NPT)
    def _():
        logits_ref[...] = _mm(projm_ref[...], wp_ref[...])

    @pl.when(s == NPT + NVT - 1)
    def _():
        h = jnp.maximum(_mm(xl_ref[...], wc1_ref[...]) + bc1_ref[...], 0.0)
        conf_ref[...] = jax.nn.sigmoid(_mm(h, wc2_ref[...]) + bc2_ref[...])


def _run_head(x, pred):
    xl = x[S - 1:S, :]
    r2 = lambda a: a.reshape(1, -1)
    c = lambda s: (0, 0)
    logits, conf = pl.pallas_call(
        _head_body,
        grid=(NPT + NVT,),
        in_specs=[
            pl.BlockSpec((1, D), c),
            pl.BlockSpec((PT, D),
                         lambda s: (jnp.clip(s, 0, NPT - 1), 0)),
            pl.BlockSpec((1, PT),
                         lambda s: (0, jnp.clip(s, 0, NPT - 1))),
            pl.BlockSpec((VT, D),
                         lambda s: (jnp.clip(s - NPT, 0, NVT - 1), 0)),
            pl.BlockSpec((D // 4, D), c),
            pl.BlockSpec((1, D // 4), c),
            pl.BlockSpec((HOR, D // 4), c),
            pl.BlockSpec((1, HOR), c),
        ],
        out_specs=[
            pl.BlockSpec((HOR, VT),
                         lambda s: (0, jnp.clip(s - NPT, 0, NVT - 1))),
            pl.BlockSpec((1, HOR), c),
        ],
        out_shape=[
            jax.ShapeDtypeStruct((HOR, V), jnp.float32),
            jax.ShapeDtypeStruct((1, HOR), jnp.float32),
        ],
        scratch_shapes=[pltpu.VMEM((1, D * HOR), jnp.float32),
                        pltpu.VMEM((HOR, D), jnp.float32)],
    )(xl, pred['Wh'], r2(pred['bh']), pred['Wp'], pred['Wc1'],
      r2(pred['bc1']), pred['Wc2'], r2(pred['bc2']))
    return logits.reshape(1, HOR, V), conf


def kernel(input_ids, params):
    ids = input_ids.reshape(S)
    x = _run_emb(params['tok_emb'], ids) + params['pos_emb'][:S]
    x = _run_pair(x, params['bottom'][0], params['bottom'][1], is_top=False)
    x = _run_lattice(x, params['lat'])
    x = _run_pair(x, params['top'][0], params['top'][1], is_top=True)
    logits, conf = _run_head(x, params['pred'])
    return (logits, conf)

# --- scband reference (transcript-rebuilt; emitter-appended) ---
"""Pipeline reference for scband-hstv4-hyper-lattice-26817775796988 (READ-ONLY COPY).

The authoritative reference and input builder live on the scoring server;
editing this copy changes nothing except your own understanding.
"""

import jax, jax.numpy as jnp
import numpy as np

D=768; H=12; E=16; V=32000; HOR=16; FF=3072; S=512; B=1; MAXS=8192; NHALF=2

def _ln(x,g,b):
    m=jnp.mean(x,axis=-1,keepdims=True)
    v=jnp.var(x,axis=-1,keepdims=True)
    return (x-m)/jnp.sqrt(v+1e-5)*g+b

def _attn(x,p,causal,nh=H):
    Bx,Sx,Dx=x.shape; hd=Dx//nh
    q=(x@p['Wq'].T+p['bq']).reshape(Bx,Sx,nh,hd).transpose(0,2,1,3)
    k=(x@p['Wk'].T+p['bk']).reshape(Bx,Sx,nh,hd).transpose(0,2,1,3)
    v=(x@p['Wv'].T+p['bv']).reshape(Bx,Sx,nh,hd).transpose(0,2,1,3)
    a=jnp.matmul(q,k.transpose(0,1,3,2))/(hd**0.5)
    if causal:
        m=jnp.triu(jnp.ones((Sx,Sx),dtype=bool),1)
        a=jnp.where(m[None,None,:,:],-1e30,a)
    a=jax.nn.softmax(a,axis=-1)
    o=jnp.matmul(a,v).transpose(0,2,1,3).reshape(Bx,Sx,Dx)
    return o@p['Wo'].T+p['bo']

def _forward(params,ids):
    Sx=ids.shape[1]
    x=params['tok_emb'][ids]+params['pos_emb'][:Sx][None,:,:]
    for p in params['bottom']:
        x=_ln(x+_attn(x,p,False),p['g1'],p['be1'])
        f=jax.nn.relu(x@p['W1'].T+p['b1'])@p['W2'].T+p['b2']
        x=_ln(x+f,p['g2'],p['be2'])
    lp=params['lat']
    rl=x@lp['Wg'].T
    K=max(1,int(E*0.1))
    tv,ti=jax.lax.top_k(rl,K)
    sc=jax.nn.softmax(tv,axis=-1)
    # dense-mixture form of lattice_weights[indices] weighted sum; same math as
    # x_expanded @ (selected_weights * scores).sum(dim=2) without materializing [B,S,k,D,D]
    w=jnp.sum(sc[...,None]*jax.nn.one_hot(ti,E,dtype=x.dtype),axis=2)
    ys=jnp.einsum('bsd,edf->bsef',x,lp['W'])
    lo=jnp.einsum('bse,bsef->bsf',w,ys)
    x=_ln(x+lo@lp['Wo'].T+lp['bo'],lp['g'],lp['b'])
    for p in params['top']:
        h=_ln(x+_attn(x,p,True),p['g'],p['be'])
        x=h+(jax.nn.gelu(h@p['W1'].T+p['b1'],approximate=False)@p['W2'].T+p['b2'])
    pp=params['pred']
    xl=x[:,-1,:]
    proj=(xl@pp['Wh'].T+pp['bh']).reshape(-1,HOR,D)
    logits=proj@pp['Wp'].T
    conf=jax.nn.sigmoid(jax.nn.relu(xl@pp['Wc1'].T+pp['bc1'])@pp['Wc2'].T+pp['bc2'])
    return (logits,conf)

def setup_inputs():
    key=jax.random.key(0)
    cnt=[0]
    def nk():
        cnt[0]+=1
        return jax.random.fold_in(key,cnt[0])
    def rn(shape,s=0.02):
        return (jax.random.normal(nk(),shape)*s).astype(jnp.float32)
    def z(shape):
        return jnp.zeros(shape,jnp.float32)
    def on(shape):
        return jnp.ones(shape,jnp.float32)
    def blk():
        return {'Wq':rn((D,D)),'Wk':rn((D,D)),'Wv':rn((D,D)),'Wo':rn((D,D)),'bq':z((D,)),'bk':z((D,)),'bv':z((D,)),'bo':z((D,)),'W1':rn((FF,D)),'b1':z((FF,)),'W2':rn((D,FF)),'b2':z((D,))}
    bottom=[]
    for _ in range(NHALF):
        p=blk(); p.update({'g1':on((D,)),'be1':z((D,)),'g2':on((D,)),'be2':z((D,))}); bottom.append(p)
    top=[]
    for _ in range(NHALF):
        p=blk(); p.update({'g':on((D,)),'be':z((D,))}); top.append(p)
    lat={'Wg':rn((E,D)),'W':rn((E,D,D)),'Wo':rn((D,D)),'bo':z((D,)),'g':on((D,)),'b':z((D,))}
    pred={'Wh':rn((D*HOR,D)),'bh':z((D*HOR,)),'Wp':rn((V,D)),'Wc1':rn((D//4,D)),'bc1':z((D//4,)),'Wc2':rn((HOR,D//4)),'bc2':z((HOR,))}
    params={'tok_emb':rn((V,D)),'pos_emb':rn((MAXS,D)),'bottom':bottom,'top':top,'lat':lat,'pred':pred}
    ids=jax.random.randint(nk(),(B,S),0,V)
    return {'input_ids':ids,'params':params}

def reference(input_ids,params):
    return _forward(params,input_ids)

if __name__ == "__main__":
    import jax
    _d = setup_inputs()
    print(jax.jit(kernel)(*tuple(_d.values())))

</pallas_src>

<mosaic_0001>
#map = affine_map<(d0, d1) -> (0, 0)>
#map1 = affine_map<(d0, d1) -> (0)>
module attributes {stable_mosaic.version = 14 : i64} {
  func.func @_emb_body(%arg0: i32, %arg1: i32, %arg2: memref<32000x768xf32, #tpu.memory_space<hbm>>, %arg3: memref<512xi32, #tpu.memory_space<hbm>>, %arg4: memref<512x768xf32, #tpu.memory_space<hbm>>, %arg5: memref<16xi32, #tpu.memory_space<vmem>>, %arg6: memref<16x768xf32, #tpu.memory_space<vmem>>, %arg7: memref<!tpu.dma_semaphore, #tpu.memory_space<semaphore_mem>>) attributes {dimension_semantics = [#tpu.dimension_semantics<core_parallel>, #tpu.dimension_semantics<subcore_parallel>], iteration_bounds = array<i64: 2, 16>, scalar_prefetch = 0 : i64, scratch_operands = 3 : i64, tpu.core_type = #tpu.core_type<sc_vector_subcore>, window_params = [{transform_indices = #map}, {transform_indices = #map1}, {transform_indices = #map}]} {
    %mul3A = arith.constant 2 : i32
    %mul3A_0 = arith.muli %arg1, %mul3A : i32
    %add3A = arith.addi %mul3A_0, %arg0 : i32
    %mul3A_1 = arith.constant 16 : i32
    %mul3A_2 = arith.muli %add3A, %mul3A_1 : i32
    "tpu.region"() ({
      %run_scoped3A = tpu.sem_alloc : memref<!tpu.dma_semaphore, #tpu.memory_space<semaphore_mem>>
      %dma_start3A_7 = tpu.memref_slice %arg3[%mul3A_2] : memref<512xi32, #tpu.memory_space<hbm>> -> memref<16xi32, #tpu.memory_space<hbm>>
      %dma_start3A_8 = tpu.memref_slice %arg3[%mul3A_2] : memref<512xi32, #tpu.memory_space<hbm>> -> memref<16xi32, #tpu.memory_space<hbm>>
      tpu.enqueue_dma source(%dma_start3A_8 : memref<16xi32, #tpu.memory_space<hbm>>) target(%arg5 : memref<16xi32, #tpu.memory_space<vmem>>) target_semaphore(%run_scoped3A : memref<!tpu.dma_semaphore, #tpu.memory_space<semaphore_mem>>)
      %dma_wait3A_9 = tpu.memref_slice %arg3[%mul3A_2] : memref<512xi32, #tpu.memory_space<hbm>> -> memref<16xi32, #tpu.memory_space<hbm>>
      %dma_wait3A_10 = tpu.memref_slice %arg3[%mul3A_2] : memref<512xi32, #tpu.memory_space<hbm>> -> memref<16xi32, #tpu.memory_space<hbm>>
      tpu.wait_dma2 semaphore(%run_scoped3A : memref<!tpu.dma_semaphore, #tpu.memory_space<semaphore_mem>>) src(%dma_wait3A_10 : memref<16xi32, #tpu.memory_space<hbm>>) dst(%arg5 : memref<16xi32, #tpu.memory_space<vmem>>)
      tpu.yield
    }) : () -> ()
    %dma_start3A = arith.constant 0 : i32
    %dma_start3A_3 = arith.constant 0 : i32
    %dma_start3A_4 = tpu.memref_slice %arg2[%dma_start3A, %dma_start3A_3] : memref<32000x768xf32, #tpu.memory_space<hbm>> -> memref<32000x768xf32, #tpu.memory_space<hbm>>
    tpu.enqueue_indirect_dma source(%dma_start3A_4 : memref<32000x768xf32, #tpu.memory_space<hbm>>) target(%arg6 : memref<16x768xf32, #tpu.memory_space<vmem>>) offsets(%arg5 : memref<16xi32, #tpu.memory_space<vmem>>) semaphore(%arg7 : memref<!tpu.dma_semaphore, #tpu.memory_space<semaphore_mem>>)
    %dma_wait3A = arith.constant 0 : i32
    %dma_wait3A_5 = arith.constant 0 : i32
    %dma_wait3A_6 = tpu.memref_slice %arg2[%dma_wait3A, %dma_wait3A_5] : memref<32000x768xf32, #tpu.memory_space<hbm>> -> memref<32000x768xf32, #tpu.memory_space<hbm>>
    tpu.wait_indirect_dma semaphore(%arg7 : memref<!tpu.dma_semaphore, #tpu.memory_space<semaphore_mem>>) src(%dma_wait3A_6 : memref<32000x768xf32, #tpu.memory_space<hbm>>) dst(%arg6 : memref<16x768xf32, #tpu.memory_space<vmem>>)
    "tpu.region"() ({
      %run_scoped3A = tpu.sem_alloc : memref<!tpu.dma_semaphore, #tpu.memory_space<semaphore_mem>>
      %dma_start3A_7 = arith.constant 0 : i32
      %dma_start3A_8 = tpu.memref_slice %arg4[%mul3A_2, %dma_start3A_7] : memref<512x768xf32, #tpu.memory_space<hbm>> -> memref<16x768xf32, #tpu.memory_space<hbm>>
      %dma_start3A_9 = arith.constant 0 : i32
      %dma_start3A_10 = tpu.memref_slice %arg4[%mul3A_2, %dma_start3A_9] : memref<512x768xf32, #tpu.memory_space<hbm>> -> memref<16x768xf32, #tpu.memory_space<hbm>>
      tpu.enqueue_dma source(%arg6 : memref<16x768xf32, #tpu.memory_space<vmem>>) target(%dma_start3A_10 : memref<16x768xf32, #tpu.memory_space<hbm>>) target_semaphore(%run_scoped3A : memref<!tpu.dma_semaphore, #tpu.memory_space<semaphore_mem>>)
      %dma_wait3A_11 = arith.constant 0 : i32
      %dma_wait3A_12 = tpu.memref_slice %arg4[%mul3A_2, %dma_wait3A_11] : memref<512x768xf32, #tpu.memory_space<hbm>> -> memref<16x768xf32, #tpu.memory_space<hbm>>
      %dma_wait3A_13 = arith.constant 0 : i32
      %dma_wait3A_14 = tpu.memref_slice %arg4[%mul3A_2, %dma_wait3A_13] : memref<512x768xf32, #tpu.memory_space<hbm>> -> memref<16x768xf32, #tpu.memory_space<hbm>>
      tpu.wait_dma2 semaphore(%run_scoped3A : memref<!tpu.dma_semaphore, #tpu.memory_space<semaphore_mem>>) src(%arg6 : memref<16x768xf32, #tpu.memory_space<vmem>>) dst(%dma_wait3A_14 : memref<16x768xf32, #tpu.memory_space<hbm>>)
      tpu.yield
    }) : () -> ()
    return
  }
}

module attributes {stable_mosaic.version = 14 : i64} {
  func.func @_lambda_(%arg0: i32, %arg1: memref<512x768xf32, #tpu.memory_space<vmem>>, %arg2: memref<768x768xf32, #tpu.memory_space<vmem>>, %arg3: memref<1x768xf32, #tpu.memory_space<vmem>>, %arg4: memref<768x768xf32, #tpu.memory_space<vmem>>, %arg5: memref<1x768xf32, #tpu.memory_space<vmem>>, %arg6: memref<768x768xf32, #tpu.memory_space<vmem>>, %arg7: memref<1x768xf32, #tpu.memory_space<vmem>>, %arg8: memref<768x768xf32, #tpu.memory_space<vmem>>, %arg9: memref<1x768xf32, #tpu.memory_space<vmem>>, %arg10: memref<512x768xf32, #tpu.memory_space<vmem>>, %arg11: memref<1x512xf32, #tpu.memory_space<vmem>>, %arg12: memref<768x512xf32, #tpu.memory_space<vmem>>, %arg13: memref<1x768xf32, #tpu.memory_space<vmem>>, %arg14: memref<1x768xf32, #tpu.memory_space<vmem>>, %arg15: memref<1x768xf32, #tpu.memory_space<vmem>>, %arg16: memref<1x768xf32, #tpu.memory_space<vmem>>, %arg17: memref<1x768xf32, #tpu.memory_space<vmem>>, %arg18: memref<768x768xf32, #tpu.memory_space<hbm>>, %arg19: memref<768x768xf32, #tpu.memory_space<hbm>>, %arg20: memref<768x768xf32, #tpu.memory_space<hbm>>, %arg21: memref<768x768xf32, #tpu.memory_space<hbm>>, %arg22: memref<1x768xf32, #tpu.memory_space<vmem>>, %arg23: memref<1x768xf32, #tpu.memory_space<vmem>>, %arg24: memref<1x768xf32, #tpu.memory_space<vmem>>, %arg25: memref<1x768xf32, #tpu.memory_space<vmem>>, %arg26: memref<512x768xf32, #tpu.memory_space<vmem>>, %arg27: memref<1x512xf32, #tpu.memory_space<vmem>>, %arg28: memref<768x512xf32, #tpu.memory_space<vmem>>, %arg29: memref<1x768xf32, #tpu.memory_space<vmem>>, %arg30: memref<1x768xf32, #tpu.memory_space<vmem>>, %arg31: memref<1x768xf32, #tpu.memory_space<vmem>>, %arg32: memref<1x768xf32, #tpu.memory_space<vmem>>, %arg33: memref<1x768xf32, #tpu.memory_space<vmem>>, %arg34: memref<512x768xf32, #tpu.memory_space<vmem>>, %arg35: memref<512x768xf32, #tpu.memory_space<vmem>>, %arg36: memref<512x768xf32, #tpu.memory_space<vmem>>, %arg37: memref<512x768xf32, #tpu.memory_space<vmem>>, %arg38: memref<4x768x768xf32, #tpu.memory_space<vmem>>, %arg39: memref<4x!tpu.dma_semaphore, #tpu.memory_space<semaphore_mem>>) attributes {dimension_semantics = [#tpu.dimension_semantics<arbitrary>], iteration_bounds = array<i64: 14>, scalar_prefetch = 0 : i64, scratch_operands = 5 : i64, tpu.core_type = #tpu.core_type<tc>, window_params = [{pipeline_mode = #tpu.pipeline_mode<synchronous>, transform_indices = @transform_0, window_bounds = array<i64: 512, 768>}, {pipeline_mode = #tpu.pipeline_mode<synchronous>, transform_indices = @transform_1, window_bounds = array<i64: 768, 768>}, {pipeline_mode = #tpu.pipeline_mode<synchronous>, transform_indices = @transform_2, window_bounds = array<i64: 1, 768>}, {pipeline_mode = #tpu.pipeline_mode<synchronous>, transform_indices = @transform_3, window_bounds = array<i64: 768, 768>}, {pipeline_mode = #tpu.pipeline_mode<synchronous>, transform_indices = @transform_4, window_bounds = array<i64: 1, 768>}, {pipeline_mode = #tpu.pipeline_mode<synchronous>, transform_indices = @transform_5, window_bounds = array<i64: 768, 768>}, {pipeline_mode = #tpu.pipeline_mode<synchronous>, transform_indices = @transform_6, window_bounds = array<i64: 1, 768>}, {pipeline_mode = #tpu.pipeline_mode<synchronous>, transform_indices = @transform_7, window_bounds = array<i64: 768, 768>}, {pipeline_mode = #tpu.pipeline_mode<synchronous>, transform_indices = @transform_8, window_bounds = array<i64: 1, 768>}, {transform_indices = @transform_9, window_bounds = array<i64: 512, 768>}, {transform_indices = @transform_10, window_bounds = array<i64: 1, 512>}, {transform_indices = @transform_11, window_bounds = array<i64: 768, 512>}, {pipeline_mode = #tpu.pipeline_mode<synchronous>, transform_indices = @transform_12, window_bounds = array<i64: 1, 768>}, {pipeline_mode = #tpu.pipeline_mode<synchronous>, transform_indices = @transform_13, window_bounds = array<i64: 1, 768>}, {pipeline_mode = #tpu.pipeline_mode<synchronous>, transform_indices = @transform_14, window_bounds = array<i64: 1, 768>}, {pipeline_mode = #tpu.pipeline_mode<synchronous>, transform_indices = @transform_15, window_bounds = array<i64: 1, 768>}, {pipeline_mode = #tpu.pipeline_mode<synchronous>, transform_indices = @transform_16, window_bounds = array<i64: 1, 768>}, {}, {}, {}, {}, {pipeline_mode = #tpu.pipeline_mode<synchronous>, transform_indices = @transform_21, window_bounds = array<i64: 1, 768>}, {pipeline_mode = #tpu.pipeline_mode<synchronous>, transform_indices = @transform_22, window_bounds = array<i64: 1, 768>}, {pipeline_mode = #tpu.pipeline_mode<synchronous>, transform_indices = @transform_23, window_bounds = array<i64: 1, 768>}, {pipeline_mode = #tpu.pipeline_mode<synchronous>, transform_indices = @transform_24, window_bounds = array<i64: 1, 768>}, {transform_indices = @transform_25, window_bounds = array<i64: 512, 768>}, {transform_indices = @transform_26, window_bounds = array<i64: 1, 512>}, {transform_indices = @transform_27, window_bounds = array<i64: 768, 512>}, {pipeline_mode = #tpu.pipeline_mode<synchronous>, transform_indices = @transform_28, window_bounds = array<i64: 1, 768>}, {pipeline_mode = #tpu.pipeline_mode<synchronous>, transform_indices = @transform_29, window_bounds = array<i64: 1, 768>}, {pipeline_mode = #tpu.pipeline_mode<synchronous>, transform_indices = @transform_30, window_bounds = array<i64: 1, 768>}, {pipeline_mode = #tpu.pipeline_mode<synchronous>, transform_indices = @transform_31, window_bounds = array<i64: 1, 768>}, {pipeline_mode = #tpu.pipeline_mode<synchronous>, transform_indices = @transform_32, window_bounds = array<i64: 1, 768>}, {pipeline_mode = #tpu.pipeline_mode<synchronous>, transform_indices = @transform_33, window_bounds = array<i64: 512, 768>}]} {
    %eq3A = arith.constant 0 : i32
    %eq3A_0 = arith.cmpi eq, %arg0, %eq3A : i32
    %convert_element_type3A = arith.extui %eq3A_0 : i1 to i32
    %cond3A = arith.constant 0 : i32
    %cond3A_1 = arith.cmpi ne, %convert_element_type3A, %cond3A : i32
    scf.if %cond3A_1 {
      %dma_start3A = arith.constant 0 : i32
      %dma_start3A_30 = arith.constant 0 : i32
      %dma_start3A_31 = tpu.memref_slice %arg39[%dma_start3A_30] : memref<4x!tpu.dma_semaphore, #tpu.memory_space<semaphore_mem>> -> memref<1x!tpu.dma_semaphore, #tpu.memory_space<semaphore_mem>>
      %dma_start3A_32 = tpu.memref_squeeze %dma_start3A_31 : memref<1x!tpu.dma_semaphore, #tpu.memory_space<semaphore_mem>> -> memref<!tpu.dma_semaphore, #tpu.memory_space<semaphore_mem>>
      %dma_start3A_33 = arith.constant 0 : i32
      %dma_start3A_34 = arith.constant 0 : i32
      %dma_start3A_35 = tpu.memref_slice %arg38[%dma_start3A, %dma_start3A_33, %dma_start3A_34] : memref<4x768x768xf32, #tpu.memory_space<vmem>> -> memref<1x768x768xf32, #tpu.memory_space<vmem>>
      %dma_start3A_36 = tpu.memref_squeeze %dma_start3A_35 : memref<1x768x768xf32, #tpu.memory_space<vmem>> -> memref<768x768xf32, #tpu.memory_space<vmem>>
      tpu.enqueue_dma source(%arg18 : memref<768x768xf32, #tpu.memory_space<hbm>>) target(%dma_start3A_36 : memref<768x768xf32, #tpu.memory_space<vmem>>) target_semaphore(%dma_start3A_32 : memref<!tpu.dma_semaphore, #tpu.memory_space<semaphore_mem>>)
      %dma_start3A_37 = arith.constant 1 : i32
      %dma_start3A_38 = arith.constant 1 : i32
      %dma_start3A_39 = tpu.memref_slice %arg39[%dma_start3A_38] : memref<4x!tpu.dma_semaphore, #tpu.memory_space<semaphore_mem>> -> memref<1x!tpu.dma_semaphore, #tpu.memory_space<semaphore_mem>>
      %dma_start3A_40 = tpu.memref_squeeze %dma_start3A_39 : memref<1x!tpu.dma_semaphore, #tpu.memory_space<semaphore_mem>> -> memref<!tpu.dma_semaphore, #tpu.memory_space<semaphore_mem>>
      %dma_start3A_41 = arith.constant 0 : i32
      %dma_start3A_42 = arith.constant 0 : i32
      %dma_start3A_43 = tpu.memref_slice %arg38[%dma_start3A_37, %dma_start3A_41, %dma_start3A_42] : memref<4x768x768xf32, #tpu.memory_space<vmem>> -> memref<1x768x768xf32, #tpu.memory_space<vmem>>
      %dma_start3A_44 = tpu.memref_squeeze %dma_start3A_43 : memref<1x768x768xf32, #tpu.memory_space<vmem>> -> memref<768x768xf32, #tpu.memory_space<vmem>>
      tpu.enqueue_dma source(%arg19 : memref<768x768xf32, #tpu.memory_space<hbm>>) target(%dma_start3A_44 : memref<768x768xf32, #tpu.memory_space<vmem>>) target_semaphore(%dma_start3A_40 : memref<!tpu.dma_semaphore, #tpu.memory_space<semaphore_mem>>)
      %dma_start3A_45 = arith.constant 2 : i32
      %dma_start3A_46 = arith.constant 2 : i32
      %dma_start3A_47 = tpu.memref_slice %arg39[%dma_start3A_46] : memref<4x!tpu.dma_semaphore, #tpu.memory_space<semaphore_mem>> -> memref<1x!tpu.dma_semaphore, #tpu.memory_space<semaphore_mem>>
      %dma_start3A_48 = tpu.memref_squeeze %dma_start3A_47 : memref<1x!tpu.dma_semaphore, #tpu.memory_space<semaphore_mem>> -> memref<!tpu.dma_semaphore, #tpu.memory_space<semaphore_mem>>
      %dma_start3A_49 = arith.constant 0 : i32
      %dma_start3A_50 = arith.constant 0 : i32
      %dma_start3A_51 = tpu.memref_slice %arg38[%dma_start3A_45, %dma_start3A_49, %dma_start3A_50] : memref<4x768x768xf32, #tpu.memory_space<vmem>> -> memref<1x768x768xf32, #tpu.memory_space<vmem>>
      %dma_start3A_52 = tpu.memref_squeeze %dma_start3A_51 : memref<1x768x768xf32, #tpu.memory_space<vmem>> -> memref<768x768xf32, #tpu.memory_space<vmem>>
      tpu.enqueue_dma source(%arg20 : memref<768x768xf32, #tpu.memory_space<hbm>>) target(%dma_start3A_52 : memref<768x768xf32, #tpu.memory_space<vmem>>) target_semaphore(%dma_start3A_48 : memref<!tpu.dma_semaphore, #tpu.memory_space<semaphore_mem>>)
      %dma_start3A_53 = arith.constant 3 : i32
      %dma_start3A_54 = arith.constant 3 : i32
      %dma_start3A_55 = tpu.memref_slice %arg39[%dma_start3A_54] : memref<4x!tpu.dma_semaphore, #tpu.memory_space<semaphore_mem>> -> memref<1x!tpu.dma_semaphore, #tpu.memory_space<semaphore_mem>>
      %dma_start3A_56 = tpu.memref_squeeze %dma_start3A_55 : memref<1x!tpu.dma_semaphore, #tpu.memory_space<semaphore_mem>> -> memref<!tpu.dma_semaphore, #tpu.memory_space<semaphore_mem>>
      %dma_start3A_57 = arith.constant 0 : i32
      %dma_start3A_58 = arith.constant 0 : i32
      %dma_start3A_59 = tpu.memref_slice %arg38[%dma_start3A_53, %dma_start3A_57, %dma_start3A_58] : memref<4x768x768xf32, #tpu.memory_space<vmem>> -> memref<1x768x768xf32, #tpu.memory_space<vmem>>
      %dma_start3A_60 = tpu.memref_squeeze %dma_start3A_59 : memref<1x768x768xf32, #tpu.memory_space<vmem>> -> memref<768x768xf32, #tpu.memory_space<vmem>>
      tpu.enqueue_dma source(%arg21 : memref<768x768xf32, #tpu.memory_space<hbm>>) target(%dma_start3A_60 : memref<768x768xf32, #tpu.memory_space<vmem>>) target_semaphore(%dma_start3A_56 : memref<!tpu.dma_semaphore, #tpu.memory_space<semaphore_mem>>)
      %get3A = arith.constant 0 : index
      %get3A_61 = arith.constant 0 : index
      %get3A_62 = vector.load %arg1[%get3A, %get3A_61] : memref<512x768xf32, #tpu.memory_space<vmem>>, vector<512x768xf32>
      %get3A_63 = arith.constant 0 : index
      %get3A_64 = arith.constant 0 : index
      %get3A_65 = vector.load %arg2[%get3A_63, %get3A_64] : memref<768x768xf32, #tpu.memory_space<vmem>>, vector<768x768xf32>
      %get3A_66 = arith.constant 0 : index
      %get3A_67 = arith.constant 0 : index
      %get3A_68 = vector.load %arg3[%get3A_66, %get3A_67] : memref<1x768xf32, #tpu.memory_space<vmem>>, vector<1x768xf32>
      %get3A_69 = arith.constant 0 : index
      %get3A_70 = arith.constant 0 : index
      %get3A_71 = vector.load %arg4[%get3A_69, %get3A_70] : memref<768x768xf32, #tpu.memory_space<vmem>>, vector<768x768xf32>
      %get3A_72 = arith.constant 0 : index
      %get3A_73 = arith.constant 0 : index
      %get3A_74 = vector.load %arg5[%get3A_72, %get3A_73] : memref<1x768xf32, #tpu.memory_space<vmem>>, vector<1x768xf32>
      %get3A_75 = arith.constant 0 : index
      %get3A_76 = arith.constant 0 : index
      %get3A_77 = vector.load %arg6[%get3A_75, %get3A_76] : memref<768x768xf32, #tpu.memory_space<vmem>>, vector<768x768xf32>
      %get3A_78 = arith.constant 0 : index
      %get3A_79 = arith.constant 0 : index
      %get3A_80 = vector.load %arg7[%get3A_78, %get3A_79] : memref<1x768xf32, #tpu.memory_space<vmem>>, vector<1x768xf32>
      %get3A_81 = arith.constant 0 : index
      %get3A_82 = arith.constant 0 : index
      %get3A_83 = vector.load %arg8[%get3A_81, %get3A_82] : memref<768x768xf32, #tpu.memory_space<vmem>>, vector<768x768xf32>
      %get3A_84 = arith.constant 0 : index
      %get3A_85 = arith.constant 0 : index
      %get3A_86 = vector.load %arg9[%get3A_84, %get3A_85] : memref<1x768xf32, #tpu.memory_space<vmem>>, vector<1x768xf32>
      %convert_element_type3A_87 = arith.truncf %get3A_62 : vector<512x768xf32> to vector<512x768xbf16>
      %convert_element_type3A_88 = arith.truncf %get3A_65 : vector<768x768xf32> to vector<768x768xbf16>
      %dot_general3A = arith.constant dense<0.000000e+00> : vector<512x768xf32>
      %dot_general3A_89 = tpu.matmul %convert_element_type3A_87, %convert_element_type3A_88, %dot_general3A {dimension_numbers = #tpu.dot_dimension_numbers<[1], [1], [0], [0], [0, 0, 1, 0], [], []>, transpose_lhs_hint = false} : vector<512x768xbf16>, vector<768x768xbf16>, vector<512x768xf32> -> vector<512x768xf32>
      %add3A = vector.broadcast %get3A_68 : vector<1x768xf32> to vector<512x768xf32>
      %add3A_90 = arith.addf %dot_general3A_89, %add3A : vector<512x768xf32>
      %convert_element_type3A_91 = arith.truncf %get3A_62 : vector<512x768xf32> to vector<512x768xbf16>
      %convert_element_type3A_92 = arith.truncf %get3A_71 : vector<768x768xf32> to vector<768x768xbf16>
      %dot_general3A_93 = arith.constant dense<0.000000e+00> : vector<512x768xf32>
      %dot_general3A_94 = tpu.matmul %convert_element_type3A_91, %convert_element_type3A_92, %dot_general3A_93 {dimension_numbers = #tpu.dot_dimension_numbers<[1], [1], [0], [0], [0, 0, 1, 0], [], []>, transpose_lhs_hint = false} : vector<512x768xbf16>, vector<768x768xbf16>, vector<512x768xf32> -> vector<512x768xf32>
      %add3A_95 = vector.broadcast %get3A_74 : vector<1x768xf32> to vector<512x768xf32>
      %add3A_96 = arith.addf %dot_general3A_94, %add3A_95 : vector<512x768xf32>
      %convert_element_type3A_97 = arith.truncf %get3A_62 : vector<512x768xf32> to vector<512x768xbf16>
      %convert_element_type3A_98 = arith.truncf %get3A_77 : vector<768x768xf32> to vector<768x768xbf16>
      %dot_general3A_99 = arith.constant dense<0.000000e+00> : vector<512x768xf32>
      %dot_general3A_100 = tpu.matmul %convert_element_type3A_97, %convert_element_type3A_98, %dot_general3A_99 {dimension_numbers = #tpu.dot_dimension_numbers<[1], [1], [0], [0], [0, 0, 1, 0], [], []>, transpose_lhs_hint = false} : vector<512x768xbf16>, vector<768x768xbf16>, vector<512x768xf32> -> vector<512x768xf32>
      %add3A_101 = vector.broadcast %get3A_80 : vector<1x768xf32> to vector<512x768xf32>
      %add3A_102 = arith.addf %dot_general3A_100, %add3A_101 : vector<512x768xf32>
      %slice3A = vector.extract_strided_slice %add3A_90 {offsets = [0, 0], sizes = [512, 64], strides = [1, 1]} : vector<512x768xf32> to vector<512x64xf32>
      %slice3A_103 = vector.extract_strided_slice %add3A_96 {offsets = [0, 0], sizes = [512, 64], strides = [1, 1]} : vector<512x768xf32> to vector<512x64xf32>
      %convert_element_type3A_104 = arith.truncf %slice3A : vector<512x64xf32> to vector<512x64xbf16>
      %convert_element_type3A_105 = arith.truncf %slice3A_103 : vector<512x64xf32> to vector<512x64xbf16>
      %dot_general3A_106 = arith.constant dense<0.000000e+00> : vector<512x512xf32>
      %dot_general3A_107 = tpu.matmul %convert_element_type3A_104, %convert_element_type3A_105, %dot_general3A_106 {dimension_numbers = #tpu.dot_dimension_numbers<[1], [1], [0], [0], [0, 0, 1, 0], [], []>, transpose_lhs_hint = false} : vector<512x64xbf16>, vector<512x64xbf16>, vector<512x512xf32> -> vector<512x512xf32>
      %mul3A = arith.constant 1.250000e-01 : f32
      %mul3A_108 = vector.broadcast %mul3A : f32 to vector<512x512xf32>
      %mul3A_109 = arith.mulf %dot_general3A_107, %mul3A_108 : vector<512x512xf32>
      %reduce_max3A = arith.constant dense<0xFF800000> : vector<512xf32>
      %reduce_max3A_110 = vector.multi_reduction <maximumf>, %mul3A_109, %reduce_max3A [1] : vector<512x512xf32> to vector<512xf32>
      %broadcast_in_dim3A = vector.shape_cast %reduce_max3A_110 : vector<512xf32> to vector<512x1xf32>
      %sub3A = vector.broadcast %broadcast_in_dim3A : vector<512x1xf32> to vector<512x512xf32>
      %sub3A_111 = arith.subf %mul3A_109, %sub3A : vector<512x512xf32>
      %exp3A = math.exp %sub3A_111 : vector<512x512xf32>
      %reduce_sum3A = arith.constant dense<0.000000e+00> : vector<512xf32>
      %reduce_sum3A_112 = vector.multi_reduction <add>, %exp3A, %reduce_sum3A [1] : vector<512x512xf32> to vector<512xf32>
      %broadcast_in_dim3A_113 = vector.shape_cast %reduce_sum3A_112 : vector<512xf32> to vector<512x1xf32>
      %div3A = arith.constant 1.000000e+00 : f32
      %div3A_114 = vector.broadcast %div3A : f32 to vector<512x1xf32>
      %div3A_115 = arith.divf %div3A_114, %broadcast_in_dim3A_113 : vector<512x1xf32>
      %mul3A_116 = vector.broadcast %div3A_115 : vector<512x1xf32> to vector<512x512xf32>
      %mul3A_117 = arith.mulf %exp3A, %mul3A_116 : vector<512x512xf32>
      %slice3A_118 = vector.extract_strided_slice %add3A_102 {offsets = [0, 0], sizes = [512, 64], strides = [1, 1]} : vector<512x768xf32> to vector<512x64xf32>
      %convert_element_type3A_119 = arith.truncf %mul3A_117 : vector<512x512xf32> to vector<512x512xbf16>
      %convert_element_type3A_120 = arith.truncf %slice3A_118 : vector<512x64xf32> to vector<512x64xbf16>
      %dot_general3A_121 = arith.constant dense<0.000000e+00> : vector<512x64xf32>
      %dot_general3A_122 = tpu.matmul %convert_element_type3A_119, %convert_element_type3A_120, %dot_general3A_121 {dimension_numbers = #tpu.dot_dimension_numbers<[1], [0], [0], [1], [0, 0, 1, 1], [], []>, transpose_lhs_hint = false} : vector<512x512xbf16>, vector<512x64xbf16>, vector<512x64xf32> -> vector<512x64xf32>
      %slice3A_123 = vector.extract_strided_slice %add3A_90 {offsets = [0, 64], sizes = [512, 64], strides = [1, 1]} : vector<512x768xf32> to vector<512x64xf32>
      %slice3A_124 = vector.extract_strided_slice %add3A_96 {offsets = [0, 64], sizes = [512, 64], strides = [1, 1]} : vector<512x768xf32> to vector<512x64xf32>
      %convert_element_type3A_125 = arith.truncf %slice3A_123 : vector<512x64xf32> to vector<512x64xbf16>
      %convert_element_type3A_126 = arith.truncf %slice3A_124 : vector<512x64xf32> to vector<512x64xbf16>
      %dot_general3A_127 = arith.constant dense<0.000000e+00> : vector<512x512xf32>
      %dot_general3A_128 = tpu.matmul %convert_element_type3A_125, %convert_element_type3A_126, %dot_general3A_127 {dimension_numbers = #tpu.dot_dimension_numbers<[1], [1], [0], [0], [0, 0, 1, 0], [], []>, transpose_lhs_hint = false} : vector<512x64xbf16>, vector<512x64xbf16>, vector<512x512xf32> -> vector<512x512xf32>
      %mul3A_129 = arith.constant 1.250000e-01 : f32
      %mul3A_130 = vector.broadcast %mul3A_129 : f32 to vector<512x512xf32>
      %mul3A_131 = arith.mulf %dot_general3A_128, %mul3A_130 : vector<512x512xf32>
      %reduce_max3A_132 = arith.constant dense<0xFF800000> : vector<512xf32>
      %reduce_max3A_133 = vector.multi_reduction <maximumf>, %mul3A_131, %reduce_max3A_132 [1] : vector<512x512xf32> to vector<512xf32>
      %broadcast_in_dim3A_134 = vector.shape_cast %reduce_max3A_133 : vector<512xf32> to vector<512x1xf32>
      %sub3A_135 = vector.broadcast %broadcast_in_dim3A_134 : vector<512x1xf32> to vector<512x512xf32>
      %sub3A_136 = arith.subf %mul3A_131, %sub3A_135 : vector<512x512xf32>
      %exp3A_137 = math.exp %sub3A_136 : vector<512x512xf32>
      %reduce_sum3A_138 = arith.constant dense<0.000000e+00> : vector<512xf32>
      %reduce_sum3A_139 = vector.multi_reduction <add>, %exp3A_137, %reduce_sum3A_138 [1] : vector<512x512xf32> to vector<512xf32>
      %broadcast_in_dim3A_140 = vector.shape_cast %reduce_sum3A_139 : vector<512xf32> to vector<512x1xf32>
      %div3A_141 = arith.constant 1.000000e+00 : f32
      %div3A_142 = vector.broadcast %div3A_141 : f32 to vector<512x1xf32>
      %div3A_143 = arith.divf %div3A_142, %broadcast_in_dim3A_140 : vector<512x1xf32>
      %mul3A_144 = vector.broadcast %div3A_143 : vector<512x1xf32> to vector<512x512xf32>
      %mul3A_145 = arith.mulf %exp3A_137, %mul3A_144 : vector<512x512xf32>
      %slice3A_146 = vector.extract_strided_slice %add3A_102 {offsets = [0, 64], sizes = [512, 64], strides = [1, 1]} : vector<512x768xf32> to vector<512x64xf32>
      %convert_element_type3A_147 = arith.truncf %mul3A_145 : vector<512x512xf32> to vector<512x512xbf16>
      %convert_element_type3A_148 = arith.truncf %slice3A_146 : vector<512x64xf32> to vector<512x64xbf16>
      %dot_general3A_149 = arith.constant dense<0.000000e+00> : vector<512x64xf32>
      %dot_general3A_150 = tpu.matmul %convert_element_type3A_147, %convert_element_type3A_148, %dot_general3A_149 {dimension_numbers = #tpu.dot_dimension_numbers<[1], [0], [0], [1], [0, 0, 1, 1], [], []>, transpose_lhs_hint = false} : vector<512x512xbf16>, vector<512x64xbf16>, vector<512x64xf32> -> vector<512x64xf32>
      %slice3A_151 = vector.extract_strided_slice %add3A_90 {offsets = [0, 128], sizes = [512, 64], strides = [1, 1]} : vector<512x768xf32> to vector<512x64xf32>
      %slice3A_152 = vector.extract_strided_slice %add3A_96 {offsets = [0, 128], sizes = [512, 64], strides = [1, 1]} : vector<512x768xf32> to vector<512x64xf32>
      %convert_element_type3A_153 = arith.truncf %slice3A_151 : vector<512x64xf32> to vector<512x64xbf16>
      %convert_element_type3A_154 = arith.truncf %slice3A_152 : vector<512x64xf32> to vector<512x64xbf16>
      %dot_general3A_155 = arith.constant dense<0.000000e+00> : vector<512x512xf32>
      %dot_general3A_156 = tpu.matmul %convert_element_type3A_153, %convert_element_type3A_154, %dot_general3A_155 {dimension_numbers = #tpu.dot_dimension_numbers<[1], [1], [0], [0], [0, 0, 1, 0], [], []>, transpose_lhs_hint = false} : vector<512x64xbf16>, vector<512x64xbf16>, vector<512x512xf32> -> vector<512x512xf32>
      %mul3A_157 = arith.constant 1.250000e-01 : f32
      %mul3A_158 = vector.broadcast %mul3A_157 : f32 to vector<512x512xf32>
      %mul3A_159 = arith.mulf %dot_general3A_156, %mul3A_158 : vector<512x512xf32>
      %reduce_max3A_160 = arith.constant dense<0xFF800000> : vector<512xf32>
      %reduce_max3A_161 = vector.multi_reduction <maximumf>, %mul3A_159, %reduce_max3A_160 [1] : vector<512x512xf32> to vector<512xf32>
      %broadcast_in_dim3A_162 = vector.shape_cast %reduce_max3A_161 : vector<512xf32> to vector<512x1xf32>
      %sub3A_163 = vector.broadcast %broadcast_in_dim3A_162 : vector<512x1xf32> to vector<512x512xf32>
      %sub3A_164 = arith.subf %mul3A_159, %sub3A_163 : vector<512x512xf32>
      %exp3A_165 = math.exp %sub3A_164 : vector<512x512xf32>
      %reduce_sum3A_166 = arith.constant dense<0.000000e+00> : vector<512xf32>
      %reduce_sum3A_167 = vector.multi_reduction <add>, %exp3A_165, %reduce_sum3A_166 [1] : vector<512x512xf32> to vector<512xf32>
      %broadcast_in_dim3A_168 = vector.shape_cast %reduce_sum3A_167 : vector<512xf32> to vector<512x1xf32>
      %div3A_169 = arith.constant 1.000000e+00 : f32
      %div3A_170 = vector.broadcast %div3A_169 : f32 to vector<512x1xf32>
      %div3A_171 = arith.divf %div3A_170, %broadcast_in_dim3A_168 : vector<512x1xf32>
      %mul3A_172 = vector.broadcast %div3A_171 : vector<512x1xf32> to vector<512x512xf32>
      %mul3A_173 = arith.mulf %exp3A_165, %mul3A_172 : vector<512x512xf32>
      %slice3A_174 = vector.extract_strided_slice %add3A_102 {offsets = [0, 128], sizes = [512, 64], strides = [1, 1]} : vector<512x768xf32> to vector<512x64xf32>
      %convert_element_type3A_175 = arith.truncf %mul3A_173 : vector<512x512xf32> to vector<512x512xbf16>
      %convert_element_type3A_176 = arith.truncf %slice3A_174 : vector<512x64xf32> to vector<512x64xbf16>
      %dot_general3A_177 = arith.constant dense<0.000000e+00> : vector<512x64xf32>
      %dot_general3A_178 = tpu.matmul %convert_element_type3A_175, %convert_element_type3A_176, %dot_general3A_177 {dimension_numbers = #tpu.dot_dimension_numbers<[1], [0], [0], [1], [0, 0, 1, 1], [], []>, transpose_lhs_hint = false} : vector<512x512xbf16>, vector<512x64xbf16>, vector<512x64xf32> -> vector<512x64xf32>
      %slice3A_179 = vector.extract_strided_slice %add3A_90 {offsets = [0, 192], sizes = [512, 64], strides = [1, 1]} : vector<512x768xf32> to vector<512x64xf32>
      %slice3A_180 = vector.extract_strided_slice %add3A_96 {offsets = [0, 192], sizes = [512, 64], strides = [1, 1]} : vector<512x768xf32> to vector<512x64xf32>
      %convert_element_type3A_181 = arith.truncf %slice3A_179 : vector<512x64xf32> to vector<512x64xbf16>
      %convert_element_type3A_182 = arith.truncf %slice3A_180 : vector<512x64xf32> to vector<512x64xbf16>
      %dot_general3A_183 = arith.constant dense<0.000000e+00> : vector<512x512xf32>
      %dot_general3A_184 = tpu.matmul %convert_element_type3A_181, %convert_element_type3A_182, %dot_general3A_183 {dimension_numbers = #tpu.dot_dimension_numbers<[1], [1], [0], [0], [0, 0, 1, 0], [], []>, transpose_lhs_hint = false} : vector<512x64xbf16>, vector<512x64xbf16>, vector<512x512xf32> -> vector<512x512xf32>
      %mul3A_185 = arith.constant 1.250000e-01 : f32
      %mul3A_186 = vector.broadcast %mul3A_185 : f32 to vector<512x512xf32>
      %mul3A_187 = arith.mulf %dot_general3A_184, %mul3A_186 : vector<512x512xf32>
      %reduce_max3A_188 = arith.constant dense<0xFF800000> : vector<512xf32>
      %reduce_max3A_189 = vector.multi_reduction <maximumf>, %mul3A_187, %reduce_max3A_188 [1] : vector<512x512xf32> to vector<512xf32>
      %broadcast_in_dim3A_190 = vector.shape_cast %reduce_max3A_189 : vector<512xf32> to vector<512x1xf32>
      %sub3A_191 = vector.broadcast %broadcast_in_dim3A_190 : vector<512x1xf32> to vector<512x512xf32>
      %sub3A_192 = arith.subf %mul3A_187, %sub3A_191 : vector<512x512xf32>
      %exp3A_193 = math.exp %sub3A_192 : vector<512x512xf32>
      %reduce_sum3A_194 = arith.constant dense<0.000000e+00> : vector<512xf32>
      %reduce_sum3A_195 = vector.multi_reduction <add>, %exp3A_193, %reduce_sum3A_194 [1] : vector<512x512xf32> to vector<512xf32>
      %broadcast_in_dim3A_196 = vector.shape_cast %reduce_sum3A_195 : vector<512xf32> to vector<512x1xf32>
      %div3A_197 = arith.constant 1.000000e+00 : f32
      %div3A_198 = vector.broadcast %div3A_197 : f32 to vector<512x1xf32>
      %div3A_199 = arith.divf %div3A_198, %broadcast_in_dim3A_196 : vector<512x1xf32>
      %mul3A_200 = vector.broadcast %div3A_199 : vector<512x1xf32> to vector<512x512xf32>
      %mul3A_201 = arith.mulf %exp3A_193, %mul3A_200 : vector<512x512xf32>
      %slice3A_202 = vector.extract_strided_slice %add3A_102 {offsets = [0, 192], sizes = [512, 64], strides = [1, 1]} : vector<512x768xf32> to vector<512x64xf32>
      %convert_element_type3A_203 = arith.truncf %mul3A_201 : vector<512x512xf32> to vector<512x512xbf16>
      %convert_element_type3A_204 = arith.truncf %slice3A_202 : vector<512x64xf32> to vector<512x64xbf16>
      %dot_general3A_205 = arith.constant dense<0.000000e+00> : vector<512x64xf32>
      %dot_general3A_206 = tpu.matmul %convert_element_type3A_203, %convert_element_type3A_204, %dot_general3A_205 {dimension_numbers = #tpu.dot_dimension_numbers<[1], [0], [0], [1], [0, 0, 1, 1], [], []>, transpose_lhs_hint = false} : vector<512x512xbf16>, vector<512x64xbf16>, vector<512x64xf32> -> vector<512x64xf32>
      %slice3A_207 = vector.extract_strided_slice %add3A_90 {offsets = [0, 256], sizes = [512, 64], strides = [1, 1]} : vector<512x768xf32> to vector<512x64xf32>
      %slice3A_208 = vector.extract_strided_slice %add3A_96 {offsets = [0, 256], sizes = [512, 64], strides = [1, 1]} : vector<512x768xf32> to vector<512x64xf32>
      %convert_element_type3A_209 = arith.truncf %slice3A_207 : vector<512x64xf32> to vector<512x64xbf16>
      %convert_element_type3A_210 = arith.truncf %slice3A_208 : vector<512x64xf32> to vector<512x64xbf16>
      %dot_general3A_211 = arith.constant dense<0.000000e+00> : vector<512x512xf32>
      %dot_general3A_212 = tpu.matmul %convert_element_type3A_209, %convert_element_type3A_210, %dot_general3A_211 {dimension_numbers = #tpu.dot_dimension_numbers<[1], [1], [0], [0], [0, 0, 1, 0], [], []>, transpose_lhs_hint = false} : vector<512x64xbf16>, vector<512x64xbf16>, vector<512x512xf32> -> vector<512x512xf32>
      %mul3A_213 = arith.constant 1.250000e-01 : f32
      %mul3A_214 = vector.broadcast %mul3A_213 : f32 to vector<512x512xf32>
      %mul3A_215 = arith.mulf %dot_general3A_212, %mul3A_214 : vector<512x512xf32>
      %reduce_max3A_216 = arith.constant dense<0xFF800000> : vector<512xf32>
      %reduce_max3A_217 = vector.multi_reduction <maximumf>, %mul3A_215, %reduce_max3A_216 [1] : vector<512x512xf32> to vector<512xf32>
      %broadcast_in_dim3A_218 = vector.shape_cast %reduce_max3A_217 : vector<512xf32> to vector<512x1xf32>
      %sub3A_219 = vector.broadcast %broadcast_in_dim3A_218 : vector<512x1xf32> to vector<512x512xf32>
      %sub3A_220 = arith.subf %mul3A_215, %sub3A_219 : vector<512x512xf32>
      %exp3A_221 = math.exp %sub3A_220 : vector<512x512xf32>
      %reduce_sum3A_222 = arith.constant dense<0.000000e+00> : vector<512xf32>
      %reduce_sum3A_223 = vector.multi_reduction <add>, %exp3A_221, %reduce_sum3A_222 [1] : vector<512x512xf32> to vector<512xf32>
      %broadcast_in_dim3A_224 = vector.shape_cast %reduce_sum3A_223 : vector<512xf32> to vector<512x1xf32>
      %div3A_225 = arith.constant 1.000000e+00 : f32
      %div3A_226 = vector.broadcast %div3A_225 : f32 to vector<512x1xf32>
      %div3A_227 = arith.divf %div3A_226, %broadcast_in_dim3A_224 : vector<512x1xf32>
      %mul3A_228 = vector.broadcast %div3A_227 : vector<512x1xf32> to vector<512x512xf32>
      %mul3A_229 = arith.mulf %exp3A_221, %mul3A_228 : vector<512x512xf32>
      %slice3A_230 = vector.extract_strided_slice %add3A_102 {offsets = [0, 256], sizes = [512, 64], strides = [1, 1]} : vector<512x768xf32> to vector<512x64xf32>
      %convert_element_type3A_231 = arith.truncf %mul3A_229 : vector<512x512xf32> to vector<512x512xbf16>
      %convert_element_type3A_232 = arith.truncf %slice3A_230 : vector<512x64xf32> to vector<512x64xbf16>
      %dot_general3A_233 = arith.constant dense<0.000000e+00> : vector<512x64xf32>
      %dot_general3A_234 = tpu.matmul %convert_element_type3A_231, %convert_element_type3A_232, %dot_general3A_233 {dimension_numbers = #tpu.dot_dimension_numbers<[1], [0], [0], [1], [0, 0, 1, 1], [], []>, transpose_lhs_hint = false} : vector<512x512xbf16>, vector<512x64xbf16>, vector<512x64xf32> -> vector<512x64xf32>
      %slice3A_235 = vector.extract_strided_slice %add3A_90 {offsets = [0, 320], sizes = [512, 64], strides = [1, 1]} : vector<512x768xf32> to vector<512x64xf32>
      %slice3A_236 = vector.extract_strided_slice %add3A_96 {offsets = [0, 320], sizes = [512, 64], strides = [1, 1]} : vector<512x768xf32> to vector<512x64xf32>
      %convert_element_type3A_237 = arith.truncf %slice3A_235 : vector<512x64xf32> to vector<512x64xbf16>
      %convert_element_type3A_238 = arith.truncf %slice3A_236 : vector<512x64xf32> to vector<512x64xbf16>
      %dot_general3A_239 = arith.constant dense<0.000000e+00> : vector<512x512xf32>
      %dot_general3A_240 = tpu.matmul %convert_element_type3A_237, %convert_element_type3A_238, %dot_general3A_239 {dimension_numbers = #tpu.dot_dimension_numbers<[1], [1], [0], [0], [0, 0, 1, 0], [], []>, transpose_lhs_hint = false} : vector<512x64xbf16>, vector<512x64xbf16>, vector<512x512xf32> -> vector<512x512xf32>
      %mul3A_241 = arith.constant 1.250000e-01 : f32
      %mul3A_242 = vector.broadcast %mul3A_241 : f32 to vector<512x512xf32>
      %mul3A_243 = arith.mulf %dot_general3A_240, %mul3A_242 : vector<512x512xf32>
      %reduce_max3A_244 = arith.constant dense<0xFF800000> : vector<512xf32>
      %reduce_max3A_245 = vector.multi_reduction <maximumf>, %mul3A_243, %reduce_max3A_244 [1] : vector<512x512xf32> to vector<512xf32>
      %broadcast_in_dim3A_246 = vector.shape_cast %reduce_max3A_245 : vector<512xf32> to vector<512x1xf32>
      %sub3A_247 = vector.broadcast %broadcast_in_dim3A_246 : vector<512x1xf32> to vector<512x512xf32>
      %sub3A_248 = arith.subf %mul3A_243, %sub3A_247 : vector<512x512xf32>
      %exp3A_249 = math.exp %sub3A_248 : vector<512x512xf32>
      %reduce_sum3A_250 = arith.constant dense<0.000000e+00> : vector<512xf32>
      %reduce_sum3A_251 = vector.multi_reduction <add>, %exp3A_249, %reduce_sum3A_250 [1] : vector<512x512xf32> to vector<512xf32>
      %broadcast_in_dim3A_252 = vector.shape_cast %reduce_sum3A_251 : vector<512xf32> to vector<512x1xf32>
      %div3A_253 = arith.constant 1.000000e+00 : f32
      %div3A_254 = vector.broadcast %div3A_253 : f32 to vector<512x1xf32>
      %div3A_255 = arith.divf %div3A_254, %broadcast_in_dim3A_252 : vector<512x1xf32>
      %mul3A_256 = vector.broadcast %div3A_255 : vector<512x1xf32> to vector<512x512xf32>
      %mul3A_257 = arith.mulf %exp3A_249, %mul3A_256 : vector<512x512xf32>
      %slice3A_258 = vector.extract_strided_slice %add3A_102 {offsets = [0, 320], sizes = [512, 64], strides = [1, 1]} : vector<512x768xf32> to vector<512x64xf32>
      %convert_element_type3A_259 = arith.truncf %mul3A_257 : vector<512x512xf32> to vector<512x512xbf16>
      %convert_element_type3A_260 = arith.truncf %slice3A_258 : vector<512x64xf32> to vector<512x64xbf16>
      %dot_general3A_261 = arith.constant dense<0.000000e+00> : vector<512x64xf32>
      %dot_general3A_262 = tpu.matmul %convert_element_type3A_259, %convert_element_type3A_260, %dot_general3A_261 {dimension_numbers = #tpu.dot_dimension_numbers<[1], [0], [0], [1], [0, 0, 1, 1], [], []>, transpose_lhs_hint = false} : vector<512x512xbf16>, vector<512x64xbf16>, vector<512x64xf32> -> vector<512x64xf32>
      %slice3A_263 = vector.extract_strided_slice %add3A_90 {offsets = [0, 384], sizes = [512, 64], strides = [1, 1]} : vector<512x768xf32> to vector<512x64xf32>
      %slice3A_264 = vector.extract_strided_slice %add3A_96 {offsets = [0, 384], sizes = [512, 64], strides = [1, 1]} : vector<512x768xf32> to vector<512x64xf32>
      %convert_element_type3A_265 = arith.truncf %slice3A_263 : vector<512x64xf32> to vector<512x64xbf16>
      %convert_element_type3A_266 = arith.truncf %slice3A_264 : vector<512x64xf32> to vector<512x64xbf16>
      %dot_general3A_267 = arith.constant dense<0.000000e+00> : vector<512x512xf32>
      %dot_general3A_268 = tpu.matmul %convert_element_type3A_265, %convert_element_type3A_266, %dot_general3A_267 {dimension_numbers = #tpu.dot_dimension_numbers<[1], [1], [0], [0], [0, 0, 1, 0], [], []>, transpose_lhs_hint = false} : vector<512x64xbf16>, vector<512x64xbf16>, vector<512x512xf32> -> vector<512x512xf32>
      %mul3A_269 = arith.constant 1.250000e-01 : f32
      %mul3A_270 = vector.broadcast %mul3A_269 : f32 to vector<512x512xf32>
      %mul3A_271 = arith.mulf %dot_general3A_268, %mul3A_270 : vector<512x512xf32>
      %reduce_max3A_272 = arith.constant dense<0xFF800000> : vector<512xf32>
      %reduce_max3A_273 = vector.multi_reduction <maximumf>, %mul3A_271, %reduce_max3A_272 [1] : vector<512x512xf32> to vector<512xf32>
      %broadcast_in_dim3A_274 = vector.shape_cast %reduce_max3A_273 : vector<512xf32> to vector<512x1xf32>
      %sub3A_275 = vector.broadcast %broadcast_in_dim3A_274 : vector<512x1xf32> to vector<512x512xf32>
      %sub3A_276 = arith.subf %mul3A_271, %sub3A_275 : vector<512x512xf32>
      %exp3A_277 = math.exp %sub3A_276 : vector<512x512xf32>
      %reduce_sum3A_278 = arith.constant dense<0.000000e+00> : vector<512xf32>
      %reduce_sum3A_279 = vector.multi_reduction <add>, %exp3A_277, %reduce_sum3A_278 [1] : vector<512x512xf32> to vector<512xf32>
      %broadcast_in_dim3A_280 = vector.shape_cast %reduce_sum3A_279 : vector<512xf32> to vector<512x1xf32>
      %div3A_281 = arith.constant 1.000000e+00 : f32
      %div3A_282 = vector.broadcast %div3A_281 : f32 to vector<512x1xf32>
      %div3A_283 = arith.divf %div3A_282, %broadcast_in_dim3A_280 : vector<512x1xf32>
      %mul3A_284 = vector.broadcast %div3A_283 : vector<512x1xf32> to vector<512x512xf32>
      %mul3A_285 = arith.mulf %exp3A_277, %mul3A_284 : vector<512x512xf32>
      %slice3A_286 = vector.extract_strided_slice %add3A_102 {offsets = [0, 384], sizes = [512, 64], strides = [1, 1]} : vector<512x768xf32> to vector<512x64xf32>
      %convert_element_type3A_287 = arith.truncf %mul3A_285 : vector<512x512xf32> to vector<512x512xbf16>
      %convert_element_type3A_288 = arith.truncf %slice3A_286 : vector<512x64xf32> to vector<512x64xbf16>
      %dot_general3A_289 = arith.constant dense<0.000000e+00> : vector<512x64xf32>
      %dot_general3A_290 = tpu.matmul %convert_element_type3A_287, %convert_element_type3A_288, %dot_general3A_289 {dimension_numbers = #tpu.dot_dimension_numbers<[1], [0], [0], [1], [0, 0, 1, 1], [], []>, transpose_lhs_hint = false} : vector<512x512xbf16>, vector<512x64xbf16>, vector<512x64xf32> -> vector<512x64xf32>
      %slice3A_291 = vector.extract_strided_slice %add3A_90 {offsets = [0, 448], sizes = [512, 64], strides = [1, 1]} : vector<512x768xf32> to vector<512x64xf32>
      %slice3A_292 = vector.extract_strided_slice %add3A_96 {offsets = [0, 448], sizes = [512, 64], strides = [1, 1]} : vector<512x768xf32> to vector<512x64xf32>
      %convert_element_type3A_293 = arith.truncf %slice3A_291 : vector<512x64xf32> to vector<512x64xbf16>
      %convert_element_type3A_294 = arith.truncf %slice3A_292 : vector<512x64xf32> to vector<512x64xbf16>
      %dot_general3A_295 = arith.constant dense<0.000000e+00> : vector<512x512xf32>
      %dot_general3A_296 = tpu.matmul %convert_element_type3A_293, %convert_element_type3A_294, %dot_general3A_295 {dimension_numbers = #tpu.dot_dimension_numbers<[1], [1], [0], [0], [0, 0, 1, 0], [], []>, transpose_lhs_hint = false} : vector<512x64xbf16>, vector<512x64xbf16>, vector<512x512xf32> -> vector<512x512xf32>
      %mul3A_297 = arith.constant 1.250000e-01 : f32
      %mul3A_298 = vector.broadcast %mul3A_297 : f32 to vector<512x512xf32>
      %mul3A_299 = arith.mulf %dot_general3A_296, %mul3A_298 : vector<512x512xf32>
      %reduce_max3A_300 = arith.constant dense<0xFF800000> : vector<512xf32>
      %reduce_max3A_301 = vector.multi_reduction <maximumf>, %mul3A_299, %reduce_max3A_300 [1] : vector<512x512xf32> to vector<512xf32>
      %broadcast_in_dim3A_302 = vector.shape_cast %reduce_max3A_301 : vector<512xf32> to vector<512x1xf32>
      %sub3A_303 = vector.broadcast %broadcast_in_dim3A_302 : vector<512x1xf32> to vector<512x512xf32>
      %sub3A_304 = arith.subf %mul3A_299, %sub3A_303 : vector<512x512xf32>
      %exp3A_305 = math.exp %sub3A_304 : vector<512x512xf32>
      %reduce_sum3A_306 = arith.constant dense<0.000000e+00> : vector<512xf32>
      %reduce_sum3A_307 = vector.multi_reduction <add>, %exp3A_305, %reduce_sum3A_306 [1] : vector<512x512xf32> to vector<512xf32>
      %broadcast_in_dim3A_308 = vector.shape_cast %reduce_sum3A_307 : vector<512xf32> to vector<512x1xf32>
      %div3A_309 = arith.constant 1.000000e+00 : f32
      %div3A_310 = vector.broadcast %div3A_309 : f32 to vector<512x1xf32>
      %div3A_311 = arith.divf %div3A_310, %broadcast_in_dim3A_308 : vector<512x1xf32>
      %mul3A_312 = vector.broadcast %div3A_311 : vector<512x1xf32> to vector<512x512xf32>
      %mul3A_313 = arith.mulf %exp3A_305, %mul3A_312 : vector<512x512xf32>
      %slice3A_314 = vector.extract_strided_slice %add3A_102 {offsets = [0, 448], sizes = [512, 64], strides = [1, 1]} : vector<512x768xf32> to vector<512x64xf32>
      %convert_element_type3A_315 = arith.truncf %mul3A_313 : vector<512x512xf32> to vector<512x512xbf16>
      %convert_element_type3A_316 = arith.truncf %slice3A_314 : vector<512x64xf32> to vector<512x64xbf16>
      %dot_general3A_317 = arith.constant dense<0.000000e+00> : vector<512x64xf32>
      %dot_general3A_318 = tpu.matmul %convert_element_type3A_315, %convert_element_type3A_316, %dot_general3A_317 {dimension_numbers = #tpu.dot_dimension_numbers<[1], [0], [0], [1], [0, 0, 1, 1], [], []>, transpose_lhs_hint = false} : vector<512x512xbf16>, vector<512x64xbf16>, vector<512x64xf32> -> vector<512x64xf32>
      %slice3A_319 = vector.extract_strided_slice %add3A_90 {offsets = [0, 512], sizes = [512, 64], strides = [1, 1]} : vector<512x768xf32> to vector<512x64xf32>
      %slice3A_320 = vector.extract_strided_slice %add3A_96 {offsets = [0, 512], sizes = [512, 64], strides = [1, 1]} : vector<512x768xf32> to vector<512x64xf32>
      %convert_element_type3A_321 = arith.truncf %slice3A_319 : vector<512x64xf32> to vector<512x64xbf16>
      %convert_element_type3A_322 = arith.truncf %slice3A_320 : vector<512x64xf32> to vector<512x64xbf16>
      %dot_general3A_323 = arith.constant dense<0.000000e+00> : vector<512x512xf32>
      %dot_general3A_324 = tpu.matmul %convert_element_type3A_321, %convert_element_type3A_322, %dot_general3A_323 {dimension_numbers = #tpu.dot_dimension_numbers<[1], [1], [0], [0], [0, 0, 1, 0], [], []>, transpose_lhs_hint = false} : vector<512x64xbf16>, vector<512x64xbf16>, vector<512x512xf32> -> vector<512x512xf32>
      %mul3A_325 = arith.constant 1.250000e-01 : f32
      %mul3A_326 = vector.broadcast %mul3A_325 : f32 to vector<512x512xf32>
      %mul3A_327 = arith.mulf %dot_general3A_324, %mul3A_326 : vector<512x512xf32>
      %reduce_max3A_328 = arith.constant dense<0xFF800000> : vector<512xf32>
      %reduce_max3A_329 = vector.multi_reduction <maximumf>, %mul3A_327, %reduce_max3A_328 [1] : vector<512x512xf32> to vector<512xf32>
      %broadcast_in_dim3A_330 = vector.shape_cast %reduce_max3A_329 : vector<512xf32> to vector<512x1xf32>
      %sub3A_331 = vector.broadcast %broadcast_in_dim3A_330 : vector<512x1xf32> to vector<512x512xf32>
      %sub3A_332 = arith.subf %mul3A_327, %sub3A_331 : vector<512x512xf32>
      %exp3A_333 = math.exp %sub3A_332 : vector<512x512xf32>
      %reduce_sum3A_334 = arith.constant dense<0.000000e+00> : vector<512xf32>
      %reduce_sum3A_335 = vector.multi_reduction <add>, %exp3A_333, %reduce_sum3A_334 [1] : vector<512x512xf32> to vector<512xf32>
      %broadcast_in_dim3A_336 = vector.shape_cast %reduce_sum3A_335 : vector<512xf32> to vector<512x1xf32>
      %div3A_337 = arith.constant 1.000000e+00 : f32
      %div3A_338 = vector.broadcast %div3A_337 : f32 to vector<512x1xf32>
      %div3A_339 = arith.divf %div3A_338, %broadcast_in_dim3A_336 : vector<512x1xf32>
      %mul3A_340 = vector.broadcast %div3A_339 : vector<512x1xf32> to vector<512x512xf32>
      %mul3A_341 = arith.mulf %exp3A_333, %mul3A_340 : vector<512x512xf32>
      %slice3A_342 = vector.extract_strided_slice %add3A_102 {offsets = [0, 512], sizes = [512, 64], strides = [1, 1]} : vector<512x768xf32> to vector<512x64xf32>
      %convert_element_type3A_343 = arith.truncf %mul3A_341 : vector<512x512xf32> to vector<512x512xbf16>
      %convert_element_type3A_344 = arith.truncf %slice3A_342 : vector<512x64xf32> to vector<512x64xbf16>
      %dot_general3A_345 = arith.constant dense<0.000000e+00> : vector<512x64xf32>
      %dot_general3A_346 = tpu.matmul %convert_element_type3A_343, %convert_element_type3A_344, %dot_general3A_345 {dimension_numbers = #tpu.dot_dimension_numbers<[1], [0], [0], [1], [0, 0, 1, 1], [], []>, transpose_lhs_hint = false} : vector<512x512xbf16>, vector<512x64xbf16>, vector<512x64xf32> -> vector<512x64xf32>
      %slice3A_347 = vector.extract_strided_slice %add3A_90 {offsets = [0, 576], sizes = [512, 64], strides = [1, 1]} : vector<512x768xf32> to vector<512x64xf32>
      %slice3A_348 = vector.extract_strided_slice %add3A_96 {offsets = [0, 576], sizes = [512, 64], strides = [1, 1]} : vector<512x768xf32> to vector<512x64xf32>
      %convert_element_type3A_349 = arith.truncf %slice3A_347 : vector<512x64xf32> to vector<512x64xbf16>
      %convert_element_type3A_350 = arith.truncf %slice3A_348 : vector<512x64xf32> to vector<512x64xbf16>
      %dot_general3A_351 = arith.constant dense<0.000000e+00> : vector<512x512xf32>
      %dot_general3A_352 = tpu.matmul %convert_element_type3A_349, %convert_element_type3A_350, %dot_general3A_351 {dimension_numbers = #tpu.dot_dimension_numbers<[1], [1], [0], [0], [0, 0, 1, 0], [], []>, transpose_lhs_hint = false} : vector<512x64xbf16>, vector<512x64xbf16>, vector<512x512xf32> -> vector<512x512xf32>
      %mul3A_353 = arith.constant 1.250000e-01 : f32
      %mul3A_354 = vector.broadcast %mul3A_353 : f32 to vector<512x512xf32>
      %mul3A_355 = arith.mulf %dot_general3A_352, %mul3A_354 : vector<512x512xf32>
      %reduce_max3A_356 = arith.constant dense<0xFF800000> : vector<512xf32>
      %reduce_max3A_357 = vector.multi_reduction <maximumf>, %mul3A_355, %reduce_max3A_356 [1] : vector<512x512xf32> to vector<512xf32>
      %broadcast_in_dim3A_358 = vector.shape_cast %reduce_max3A_357 : vector<512xf32> to vector<512x1xf32>
      %sub3A_359 = vector.broadcast %broadcast_in_dim3A_358 : vector<512x1xf32> to vector<512x512xf32>
      %sub3A_360 = arith.subf %mul3A_355, %sub3A_359 : vector<512x512xf32>
      %exp3A_361 = math.exp %sub3A_360 : vector<512x512xf32>
      %reduce_sum3A_362 = arith.constant dense<0.000000e+00> : vector<512xf32>
      %reduce_sum3A_363 = vector.multi_reduction <add>, %exp3A_361, %reduce_sum3A_362 [1] : vector<512x512xf32> to vector<512xf32>
      %broadcast_in_dim3A_364 = vector.shape_cast %reduce_sum3A_363 : vector<512xf32> to vector<512x1xf32>
      %div3A_365 = arith.constant 1.000000e+00 : f32
      %div3A_366 = vector.broadcast %div3A_365 : f32 to vector<512x1xf32>
      %div3A_367 = arith.divf %div3A_366, %broadcast_in_dim3A_364 : vector<512x1xf32>
      %mul3A_368 = vector.broadcast %div3A_367 : vector<512x1xf32> to vector<512x512xf32>
      %mul3A_369 = arith.mulf %exp3A_361, %mul3A_368 : vector<512x512xf32>
      %slice3A_370 = vector.extract_strided_slice %add3A_102 {offsets = [0, 576], sizes = [512, 64], strides = [1, 1]} : vector<512x768xf32> to vector<512x64xf32>
      %convert_element_type3A_371 = arith.truncf %mul3A_369 : vector<512x512xf32> to vector<512x512xbf16>
      %convert_element_type3A_372 = arith.truncf %slice3A_370 : vector<512x64xf32> to vector<512x64xbf16>
      %dot_general3A_373 = arith.constant dense<0.000000e+00> : vector<512x64xf32>
      %dot_general3A_374 = tpu.matmul %convert_element_type3A_371, %convert_element_type3A_372, %dot_general3A_373 {dimension_numbers = #tpu.dot_dimension_numbers<[1], [0], [0], [1], [0, 0, 1, 1], [], []>, transpose_lhs_hint = false} : vector<512x512xbf16>, vector<512x64xbf16>, vector<512x64xf32> -> vector<512x64xf32>
      %slice3A_375 = vector.extract_strided_slice %add3A_90 {offsets = [0, 640], sizes = [512, 64], strides = [1, 1]} : vector<512x768xf32> to vector<512x64xf32>
      %slice3A_376 = vector.extract_strided_slice %add3A_96 {offsets = [0, 640], sizes = [512, 64], strides = [1, 1]} : vector<512x768xf32> to vector<512x64xf32>
      %convert_element_type3A_377 = arith.truncf %slice3A_375 : vector<512x64xf32> to vector<512x64xbf16>
      %convert_element_type3A_378 = arith.truncf %slice3A_376 : vector<512x64xf32> to vector<512x64xbf16>
      %dot_general3A_379 = arith.constant dense<0.000000e+00> : vector<512x512xf32>
      %dot_general3A_380 = tpu.matmul %convert_element_type3A_377, %convert_element_type3A_378, %dot_general3A_379 {dimension_numbers = #tpu.dot_dimension_numbers<[1], [1], [0], [0], [0, 0, 1, 0], [], []>, transpose_lhs_hint = false} : vector<512x64xbf16>, vector<512x64xbf16>, vector<512x512xf32> -> vector<512x512xf32>
      %mul3A_381 = arith.constant 1.250000e-01 : f32
      %mul3A_382 = vector.broadcast %mul3A_381 : f32 to vector<512x512xf32>
      %mul3A_383 = arith.mulf %dot_general3A_380, %mul3A_382 : vector<512x512xf32>
      %reduce_max3A_384 = arith.constant dense<0xFF800000> : vector<512xf32>
      %reduce_max3A_385 = vector.multi_reduction <maximumf>, %mul3A_383, %reduce_max3A_384 [1] : vector<512x512xf32> to vector<512xf32>
      %broadcast_in_dim3A_386 = vector.shape_cast %reduce_max3A_385 : vector<512xf32> to vector<512x1xf32>
      %sub3A_387 = vector.broadcast %broadcast_in_dim3A_386 : vector<512x1xf32> to vector<512x512xf32>
      %sub3A_388 = arith.subf %mul3A_383, %sub3A_387 : vector<512x512xf32>
      %exp3A_389 = math.exp %sub3A_388 : vector<512x512xf32>
      %reduce_sum3A_390 = arith.constant dense<0.000000e+00> : vector<512xf32>
      %reduce_sum3A_391 = vector.multi_reduction <add>, %exp3A_389, %reduce_sum3A_390 [1] : vector<512x512xf32> to vector<512xf32>
      %broadcast_in_dim3A_392 = vector.shape_cast %reduce_sum3A_391 : vector<512xf32> to vector<512x1xf32>
      %div3A_393 = arith.constant 1.000000e+00 : f32
      %div3A_394 = vector.broadcast %div3A_393 : f32 to vector<512x1xf32>
      %div3A_395 = arith.divf %div3A_394, %broadcast_in_dim3A_392 : vector<512x1xf32>
      %mul3A_396 = vector.broadcast %div3A_395 : vector<512x1xf32> to vector<512x512xf32>
      %mul3A_397 = arith.mulf %exp3A_389, %mul3A_396 : vector<512x512xf32>
      %slice3A_398 = vector.extract_strided_slice %add3A_102 {offsets = [0, 640], sizes = [512, 64], strides = [1, 1]} : vector<512x768xf32> to vector<512x64xf32>
      %convert_element_type3A_399 = arith.truncf %mul3A_397 : vector<512x512xf32> to vector<512x512xbf16>
      %convert_element_type3A_400 = arith.truncf %slice3A_398 : vector<512x64xf32> to vector<512x64xbf16>
      %dot_general3A_401 = arith.constant dense<0.000000e+00> : vector<512x64xf32>
      %dot_general3A_402 = tpu.matmul %convert_element_type3A_399, %convert_element_type3A_400, %dot_general3A_401 {dimension_numbers = #tpu.dot_dimension_numbers<[1], [0], [0], [1], [0, 0, 1, 1], [], []>, transpose_lhs_hint = false} : vector<512x512xbf16>, vector<512x64xbf16>, vector<512x64xf32> -> vector<512x64xf32>
      %slice3A_403 = vector.extract_strided_slice %add3A_90 {offsets = [0, 704], sizes = [512, 64], strides = [1, 1]} : vector<512x768xf32> to vector<512x64xf32>
      %slice3A_404 = vector.extract_strided_slice %add3A_96 {offsets = [0, 704], sizes = [512, 64], strides = [1, 1]} : vector<512x768xf32> to vector<512x64xf32>
      %convert_element_type3A_405 = arith.truncf %slice3A_403 : vector<512x64xf32> to vector<512x64xbf16>
      %convert_element_type3A_406 = arith.truncf %slice3A_404 : vector<512x64xf32> to vector<512x64xbf16>
      %dot_general3A_407 = arith.constant dense<0.000000e+00> : vector<512x512xf32>
      %dot_general3A_408 = tpu.matmul %convert_element_type3A_405, %convert_element_type3A_406, %dot_general3A_407 {dimension_numbers = #tpu.dot_dimension_numbers<[1], [1], [0], [0], [0, 0, 1, 0], [], []>, transpose_lhs_hint = false} : vector<512x64xbf16>, vector<512x64xbf16>, vector<512x512xf32> -> vector<512x512xf32>
      %mul3A_409 = arith.constant 1.250000e-01 : f32
      %mul3A_410 = vector.broadcast %mul3A_409 : f32 to vector<512x512xf32>
      %mul3A_411 = arith.mulf %dot_general3A_408, %mul3A_410 : vector<512x512xf32>
      %reduce_max3A_412 = arith.constant dense<0xFF800000> : vector<512xf32>
      %reduce_max3A_413 = vector.multi_reduction <maximumf>, %mul3A_411, %reduce_max3A_412 [1] : vector<512x512xf32> to vector<512xf32>
      %broadcast_in_dim3A_414 = vector.shape_cast %reduce_max3A_413 : vector<512xf32> to vector<512x1xf32>
      %sub3A_415 = vector.broadcast %broadcast_in_dim3A_414 : vector<512x1xf32> to vector<512x512xf32>
      %sub3A_416 = arith.subf %mul3A_411, %sub3A_415 : vector<512x512xf32>
      %exp3A_417 = math.exp %sub3A_416 : vector<512x512xf32>
      %reduce_sum3A_418 = arith.constant dense<0.000000e+00> : vector<512xf32>
      %reduce_sum3A_419 = vector.multi_reduction <add>, %exp3A_417, %reduce_sum3A_418 [1] : vector<512x512xf32> to vector<512xf32>
      %broadcast_in_dim3A_420 = vector.shape_cast %reduce_sum3A_419 : vector<512xf32> to vector<512x1xf32>
      %div3A_421 = arith.constant 1.000000e+00 : f32
      %div3A_422 = vector.broadcast %div3A_421 : f32 to vector<512x1xf32>
      %div3A_423 = arith.divf %div3A_422, %broadcast_in_dim3A_420 : vector<512x1xf32>
      %mul3A_424 = vector.broadcast %div3A_423 : vector<512x1xf32> to vector<512x512xf32>
      %mul3A_425 = arith.mulf %exp3A_417, %mul3A_424 : vector<512x512xf32>
      %slice3A_426 = vector.extract_strided_slice %add3A_102 {offsets = [0, 704], sizes = [512, 64], strides = [1, 1]} : vector<512x768xf32> to vector<512x64xf32>
      %convert_element_type3A_427 = arith.truncf %mul3A_425 : vector<512x512xf32> to vector<512x512xbf16>
      %convert_element_type3A_428 = arith.truncf %slice3A_426 : vector<512x64xf32> to vector<512x64xbf16>
      %dot_general3A_429 = arith.constant dense<0.000000e+00> : vector<512x64xf32>
      %dot_general3A_430 = tpu.matmul %convert_element_type3A_427, %convert_element_type3A_428, %dot_general3A_429 {dimension_numbers = #tpu.dot_dimension_numbers<[1], [0], [0], [1], [0, 0, 1, 1], [], []>, transpose_lhs_hint = false} : vector<512x512xbf16>, vector<512x64xbf16>, vector<512x64xf32> -> vector<512x64xf32>
      %concatenate3A = tpu.concatenate %dot_general3A_122, %dot_general3A_150, %dot_general3A_178, %dot_general3A_206, %dot_general3A_234, %dot_general3A_262, %dot_general3A_290, %dot_general3A_318, %dot_general3A_346, %dot_general3A_374, %dot_general3A_402, %dot_general3A_430 in 1 : vector<512x64xf32>, vector<512x64xf32>, vector<512x64xf32>, vector<512x64xf32>, vector<512x64xf32>, vector<512x64xf32>, vector<512x64xf32>, vector<512x64xf32>, vector<512x64xf32>, vector<512x64xf32>, vector<512x64xf32>, vector<512x64xf32> -> vector<512x768xf32>
      %convert_element_type3A_431 = arith.truncf %concatenate3A : vector<512x768xf32> to vector<512x768xbf16>
      %convert_element_type3A_432 = arith.truncf %get3A_83 : vector<768x768xf32> to vector<768x768xbf16>
      %dot_general3A_433 = arith.constant dense<0.000000e+00> : vector<512x768xf32>
      %dot_general3A_434 = tpu.matmul %convert_element_type3A_431, %convert_element_type3A_432, %dot_general3A_433 {dimension_numbers = #tpu.dot_dimension_numbers<[1], [1], [0], [0], [0, 0, 1, 0], [], []>, transpose_lhs_hint = false} : vector<512x768xbf16>, vector<768x768xbf16>, vector<512x768xf32> -> vector<512x768xf32>
      %add3A_435 = vector.broadcast %get3A_86 : vector<1x768xf32> to vector<512x768xf32>
      %add3A_436 = arith.addf %dot_general3A_434, %add3A_435 : vector<512x768xf32>
      %add3A_437 = arith.addf %get3A_62, %add3A_436 : vector<512x768xf32>
      %get3A_438 = arith.constant 0 : index
      %get3A_439 = arith.constant 0 : index
      %get3A_440 = vector.load %arg14[%get3A_438, %get3A_439] : memref<1x768xf32, #tpu.memory_space<vmem>>, vector<1x768xf32>
      %get3A_441 = arith.constant 0 : index
      %get3A_442 = arith.constant 0 : index
      %get3A_443 = vector.load %arg15[%get3A_441, %get3A_442] : memref<1x768xf32, #tpu.memory_space<vmem>>, vector<1x768xf32>
      %reduce_sum3A_444 = arith.constant dense<0.000000e+00> : vector<512xf32>
      %reduce_sum3A_445 = vector.multi_reduction <add>, %add3A_437, %reduce_sum3A_444 [1] : vector<512x768xf32> to vector<512xf32>
      %broadcast_in_dim3A_446 = vector.shape_cast %reduce_sum3A_445 : vector<512xf32> to vector<512x1xf32>
      %div3A_447 = arith.constant 7.680000e+02 : f32
      %div3A_448 = vector.broadcast %div3A_447 : f32 to vector<512x1xf32>
      %div3A_449 = arith.divf %broadcast_in_dim3A_446, %div3A_448 : vector<512x1xf32>
      %sub3A_450 = vector.broadcast %div3A_449 : vector<512x1xf32> to vector<512x768xf32>
      %sub3A_451 = arith.subf %add3A_437, %sub3A_450 : vector<512x768xf32>
      %integer_pow3A = arith.mulf %sub3A_451, %sub3A_451 : vector<512x768xf32>
      %reduce_sum3A_452 = arith.constant dense<0.000000e+00> : vector<512xf32>
      %reduce_sum3A_453 = vector.multi_reduction <add>, %integer_pow3A, %reduce_sum3A_452 [1] : vector<512x768xf32> to vector<512xf32>
      %broadcast_in_dim3A_454 = vector.shape_cast %reduce_sum3A_453 : vector<512xf32> to vector<512x1xf32>
      %div3A_455 = arith.constant 7.680000e+02 : f32
      %div3A_456 = vector.broadcast %div3A_455 : f32 to vector<512x1xf32>
      %div3A_457 = arith.divf %broadcast_in_dim3A_454, %div3A_456 : vector<512x1xf32>
      %sub3A_458 = vector.broadcast %div3A_449 : vector<512x1xf32> to vector<512x768xf32>
      %sub3A_459 = arith.subf %add3A_437, %sub3A_458 : vector<512x768xf32>
      %add3A_460 = arith.constant 9.99999974E-6 : f32
      %add3A_461 = vector.broadcast %add3A_460 : f32 to vector<512x1xf32>
      %add3A_462 = arith.addf %div3A_457, %add3A_461 : vector<512x1xf32>
      %rsqrt3A = math.rsqrt %add3A_462 : vector<512x1xf32>
      %mul3A_463 = vector.broadcast %rsqrt3A : vector<512x1xf32> to vector<512x768xf32>
      %mul3A_464 = arith.mulf %sub3A_459, %mul3A_463 : vector<512x768xf32>
      %mul3A_465 = vector.broadcast %get3A_440 : vector<1x768xf32> to vector<512x768xf32>
      %mul3A_466 = arith.mulf %mul3A_464, %mul3A_465 : vector<512x768xf32>
      %add3A_467 = vector.broadcast %get3A_443 : vector<1x768xf32> to vector<512x768xf32>
      %add3A_468 = arith.addf %mul3A_466, %add3A_467 : vector<512x768xf32>
      %swap3A = arith.constant 0 : index
      %swap3A_469 = arith.constant 0 : index
      %swap3A_470 = vector.load %arg35[%swap3A, %swap3A_469] : memref<512x768xf32, #tpu.memory_space<vmem>>, vector<512x768xf32>
      tpu.vector_store %arg35[%swap3A, %swap3A_469], %add3A_468 {strides = array<i32>} : memref<512x768xf32, #tpu.memory_space<vmem>>, vector<512x768xf32>,
    } else {
    }
    %gt3A = arith.constant 0 : i32
    %gt3A_2 = arith.cmpi sgt, %arg0, %gt3A : i32
    %le3A = arith.constant 6 : i32
    %le3A_3 = arith.cmpi sle, %arg0, %le3A : i32
    %and3A = arith.andi %gt3A_2, %le3A_3 : i1
    %convert_element_type3A_4 = arith.extui %and3A : i1 to i32
    %cond3A_5 = arith.constant 0 : i32
    %cond3A_6 = arith.cmpi ne, %convert_element_type3A_4, %cond3A_5 : i32
    scf.if %cond3A_6 {
      %get3A = arith.constant 0 : index
      %get3A_30 = arith.constant 0 : index
      %get3A_31 = vector.load %arg35[%get3A, %get3A_30] : memref<512x768xf32, #tpu.memory_space<vmem>>, vector<512x768xf32>
      %get3A_32 = arith.constant 0 : index
      %get3A_33 = arith.constant 0 : index
      %get3A_34 = vector.load %arg10[%get3A_32, %get3A_33] : memref<512x768xf32, #tpu.memory_space<vmem>>, vector<512x768xf32>
      %convert_element_type3A_35 = arith.truncf %get3A_31 : vector<512x768xf32> to vector<512x768xbf16>
      %convert_element_type3A_36 = arith.truncf %get3A_34 : vector<512x768xf32> to vector<512x768xbf16>
      %dot_general3A = arith.constant dense<0.000000e+00> : vector<512x512xf32>
      %dot_general3A_37 = tpu.matmul %convert_element_type3A_35, %convert_element_type3A_36, %dot_general3A {dimension_numbers = #tpu.dot_dimension_numbers<[1], [1], [0], [0], [0, 0, 1, 0], [], []>, transpose_lhs_hint = false} : vector<512x768xbf16>, vector<512x768xbf16>, vector<512x512xf32> -> vector<512x512xf32>
      %get3A_38 = arith.constant 0 : index
      %get3A_39 = arith.constant 0 : index
      %get3A_40 = vector.load %arg11[%get3A_38, %get3A_39] : memref<1x512xf32, #tpu.memory_space<vmem>>, vector<1x512xf32>
      %add3A = vector.broadcast %get3A_40 : vector<1x512xf32> to vector<512x512xf32>
      %add3A_41 = arith.addf %dot_general3A_37, %add3A : vector<512x512xf32>
      %max3A = arith.constant 0.000000e+00 : f32
      %max3A_42 = vector.broadcast %max3A : f32 to vector<512x512xf32>
      %max3A_43 = arith.maximumf %add3A_41, %max3A_42 : vector<512x512xf32>
      %get3A_44 = arith.constant 0 : index
      %get3A_45 = arith.constant 0 : index
      %get3A_46 = vector.load %arg12[%get3A_44, %get3A_45] : memref<768x512xf32, #tpu.memory_space<vmem>>, vector<768x512xf32>
      %convert_element_type3A_47 = arith.truncf %max3A_43 : vector<512x512xf32> to vector<512x512xbf16>
      %convert_element_type3A_48 = arith.truncf %get3A_46 : vector<768x512xf32> to vector<768x512xbf16>
      %dot_general3A_49 = arith.constant dense<0.000000e+00> : vector<512x768xf32>
      %dot_general3A_50 = tpu.matmul %convert_element_type3A_47, %convert_element_type3A_48, %dot_general3A_49 {dimension_numbers = #tpu.dot_dimension_numbers<[1], [1], [0], [0], [0, 0, 1, 0], [], []>, transpose_lhs_hint = false} : vector<512x512xbf16>, vector<768x512xbf16>, vector<512x768xf32> -> vector<512x768xf32>
      %eq3A_51 = arith.constant 1 : i32
      %eq3A_52 = arith.cmpi eq, %arg0, %eq3A_51 : i32
      %get3A_53 = arith.constant 0 : index
      %get3A_54 = arith.constant 0 : index
      %get3A_55 = vector.load %arg36[%get3A_53, %get3A_54] : memref<512x768xf32, #tpu.memory_space<vmem>>, vector<512x768xf32>
      %add3A_56 = arith.addf %get3A_55, %dot_general3A_50 : vector<512x768xf32>
      %select_n3A = arith.select %eq3A_52, %dot_general3A_50, %add3A_56 : vector<512x768xf32>
      %swap3A = arith.constant 0 : index
      %swap3A_57 = arith.constant 0 : index
      %swap3A_58 = vector.load %arg36[%swap3A, %swap3A_57] : memref<512x768xf32, #tpu.memory_space<vmem>>, vector<512x768xf32>
      tpu.vector_store %arg36[%swap3A, %swap3A_57], %select_n3A {strides = array<i32>} : memref<512x768xf32, #tpu.memory_space<vmem>>, vector<512x768xf32>,
    } else {
    }
    %eq3A_7 = arith.constant 6 : i32
    %eq3A_8 = arith.cmpi eq, %arg0, %eq3A_7 : i32
    %convert_element_type3A_9 = arith.extui %eq3A_8 : i1 to i32
    %cond3A_10 = arith.constant 0 : i32
    %cond3A_11 = arith.cmpi ne, %convert_element_type3A_9, %cond3A_10 : i32
    scf.if %cond3A_11 {
      %get3A = arith.constant 0 : index
      %get3A_30 = arith.constant 0 : index
      %get3A_31 = vector.load %arg36[%get3A, %get3A_30] : memref<512x768xf32, #tpu.memory_space<vmem>>, vector<512x768xf32>
      %get3A_32 = arith.constant 0 : index
      %get3A_33 = arith.constant 0 : index
      %get3A_34 = vector.load %arg13[%get3A_32, %get3A_33] : memref<1x768xf32, #tpu.memory_space<vmem>>, vector<1x768xf32>
      %add3A = vector.broadcast %get3A_34 : vector<1x768xf32> to vector<512x768xf32>
      %add3A_35 = arith.addf %get3A_31, %add3A : vector<512x768xf32>
      %get3A_36 = arith.constant 0 : index
      %get3A_37 = arith.constant 0 : index
      %get3A_38 = vector.load %arg35[%get3A_36, %get3A_37] : memref<512x768xf32, #tpu.memory_space<vmem>>, vector<512x768xf32>
      %add3A_39 = arith.addf %get3A_38, %add3A_35 : vector<512x768xf32>
      %get3A_40 = arith.constant 0 : index
      %get3A_41 = arith.constant 0 : index
      %get3A_42 = vector.load %arg16[%get3A_40, %get3A_41] : memref<1x768xf32, #tpu.memory_space<vmem>>, vector<1x768xf32>
      %get3A_43 = arith.constant 0 : index
      %get3A_44 = arith.constant 0 : index
      %get3A_45 = vector.load %arg17[%get3A_43, %get3A_44] : memref<1x768xf32, #tpu.memory_space<vmem>>, vector<1x768xf32>
      %reduce_sum3A = arith.constant dense<0.000000e+00> : vector<512xf32>
      %reduce_sum3A_46 = vector.multi_reduction <add>, %add3A_39, %reduce_sum3A [1] : vector<512x768xf32> to vector<512xf32>
      %broadcast_in_dim3A = vector.shape_cast %reduce_sum3A_46 : vector<512xf32> to vector<512x1xf32>
      %div3A = arith.constant 7.680000e+02 : f32
      %div3A_47 = vector.broadcast %div3A : f32 to vector<512x1xf32>
      %div3A_48 = arith.divf %broadcast_in_dim3A, %div3A_47 : vector<512x1xf32>
      %sub3A = vector.broadcast %div3A_48 : vector<512x1xf32> to vector<512x768xf32>
      %sub3A_49 = arith.subf %add3A_39, %sub3A : vector<512x768xf32>
      %integer_pow3A = arith.mulf %sub3A_49, %sub3A_49 : vector<512x768xf32>
      %reduce_sum3A_50 = arith.constant dense<0.000000e+00> : vector<512xf32>
      %reduce_sum3A_51 = vector.multi_reduction <add>, %integer_pow3A, %reduce_sum3A_50 [1] : vector<512x768xf32> to vector<512xf32>
      %broadcast_in_dim3A_52 = vector.shape_cast %reduce_sum3A_51 : vector<512xf32> to vector<512x1xf32>
      %div3A_53 = arith.constant 7.680000e+02 : f32
      %div3A_54 = vector.broadcast %div3A_53 : f32 to vector<512x1xf32>
      %div3A_55 = arith.divf %broadcast_in_dim3A_52, %div3A_54 : vector<512x1xf32>
      %sub3A_56 = vector.broadcast %div3A_48 : vector<512x1xf32> to vector<512x768xf32>
      %sub3A_57 = arith.subf %add3A_39, %sub3A_56 : vector<512x768xf32>
      %add3A_58 = arith.constant 9.99999974E-6 : f32
      %add3A_59 = vector.broadcast %add3A_58 : f32 to vector<512x1xf32>
      %add3A_60 = arith.addf %div3A_55, %add3A_59 : vector<512x1xf32>
      %rsqrt3A = math.rsqrt %add3A_60 : vector<512x1xf32>
      %mul3A = vector.broadcast %rsqrt3A : vector<512x1xf32> to vector<512x768xf32>
      %mul3A_61 = arith.mulf %sub3A_57, %mul3A : vector<512x768xf32>
      %mul3A_62 = vector.broadcast %get3A_42 : vector<1x768xf32> to vector<512x768xf32>
      %mul3A_63 = arith.mulf %mul3A_61, %mul3A_62 : vector<512x768xf32>
      %add3A_64 = vector.broadcast %get3A_45 : vector<1x768xf32> to vector<512x768xf32>
      %add3A_65 = arith.addf %mul3A_63, %add3A_64 : vector<512x768xf32>
      %swap3A = arith.constant 0 : index
      %swap3A_66 = arith.constant 0 : index
      %swap3A_67 = vector.load %arg37[%swap3A, %swap3A_66] : memref<512x768xf32, #tpu.memory_space<vmem>>, vector<512x768xf32>
      tpu.vector_store %arg37[%swap3A, %swap3A_66], %add3A_65 {strides = array<i32>} : memref<512x768xf32, #tpu.memory_space<vmem>>, vector<512x768xf32>,
    } else {
    }
    %gt3A_12 = arith.constant 7 : i32
    %gt3A_13 = arith.cmpi sgt, %arg0, %gt3A_12 : i32
    %le3A_14 = arith.constant 13 : i32
    %le3A_15 = arith.cmpi sle, %arg0, %le3A_14 : i32
    %and3A_16 = arith.andi %gt3A_13, %le3A_15 : i1
    %convert_element_type3A_17 = arith.extui %and3A_16 : i1 to i32
    %cond3A_18 = arith.constant 0 : i32
    %cond3A_19 = arith.cmpi ne, %convert_element_type3A_17, %cond3A_18 : i32
    scf.if %cond3A_19 {
      %get3A = arith.constant 0 : index
      %get3A_30 = arith.constant 0 : index
      %get3A_31 = vector.load %arg35[%get3A, %get3A_30] : memref<512x768xf32, #tpu.memory_space<vmem>>, vector<512x768xf32>
      %get3A_32 = arith.constant 0 : index
      %get3A_33 = arith.constant 0 : index
      %get3A_34 = vector.load %arg26[%get3A_32, %get3A_33] : memref<512x768xf32, #tpu.memory_space<vmem>>, vector<512x768xf32>
      %convert_element_type3A_35 = arith.truncf %get3A_31 : vector<512x768xf32> to vector<512x768xbf16>
      %convert_element_type3A_36 = arith.truncf %get3A_34 : vector<512x768xf32> to vector<512x768xbf16>
      %dot_general3A = arith.constant dense<0.000000e+00> : vector<512x512xf32>
      %dot_general3A_37 = tpu.matmul %convert_element_type3A_35, %convert_element_type3A_36, %dot_general3A {dimension_numbers = #tpu.dot_dimension_numbers<[1], [1], [0], [0], [0, 0, 1, 0], [], []>, transpose_lhs_hint = false} : vector<512x768xbf16>, vector<512x768xbf16>, vector<512x512xf32> -> vector<512x512xf32>
      %get3A_38 = arith.constant 0 : index
      %get3A_39 = arith.constant 0 : index
      %get3A_40 = vector.load %arg27[%get3A_38, %get3A_39] : memref<1x512xf32, #tpu.memory_space<vmem>>, vector<1x512xf32>
      %add3A = vector.broadcast %get3A_40 : vector<1x512xf32> to vector<512x512xf32>
      %add3A_41 = arith.addf %dot_general3A_37, %add3A : vector<512x512xf32>
      %max3A = arith.constant 0.000000e+00 : f32
      %max3A_42 = vector.broadcast %max3A : f32 to vector<512x512xf32>
      %max3A_43 = arith.maximumf %add3A_41, %max3A_42 : vector<512x512xf32>
      %get3A_44 = arith.constant 0 : index
      %get3A_45 = arith.constant 0 : index
      %get3A_46 = vector.load %arg28[%get3A_44, %get3A_45] : memref<768x512xf32, #tpu.memory_space<vmem>>, vector<768x512xf32>
      %convert_element_type3A_47 = arith.truncf %max3A_43 : vector<512x512xf32> to vector<512x512xbf16>
      %convert_element_type3A_48 = arith.truncf %get3A_46 : vector<768x512xf32> to vector<768x512xbf16>
      %dot_general3A_49 = arith.constant dense<0.000000e+00> : vector<512x768xf32>
      %dot_general3A_50 = tpu.matmul %convert_element_type3A_47, %convert_element_type3A_48, %dot_general3A_49 {dimension_numbers = #tpu.dot_dimension_numbers<[1], [1], [0], [0], [0, 0, 1, 0], [], []>, transpose_lhs_hint = false} : vector<512x512xbf16>, vector<768x512xbf16>, vector<512x768xf32> -> vector<512x768xf32>
      %eq3A_51 = arith.constant 8 : i32
      %eq3A_52 = arith.cmpi eq, %arg0, %eq3A_51 : i32
      %get3A_53 = arith.constant 0 : index
      %get3A_54 = arith.constant 0 : index
      %get3A_55 = vector.load %arg36[%get3A_53, %get3A_54] : memref<512x768xf32, #tpu.memory_space<vmem>>, vector<512x768xf32>
      %add3A_56 = arith.addf %get3A_55, %dot_general3A_50 : vector<512x768xf32>
      %select_n3A = arith.select %eq3A_52, %dot_general3A_50, %add3A_56 : vector<512x768xf32>
      %swap3A = arith.constant 0 : index
      %swap3A_57 = arith.constant 0 : index
      %swap3A_58 = vector.load %arg36[%swap3A, %swap3A_57] : memref<512x768xf32, #tpu.memory_space<vmem>>, vector<512x768xf32>
      tpu.vector_store %arg36[%swap3A, %swap3A_57], %select_n3A {strides = array<i32>} : memref<512x768xf32, #tpu.memory_space<vmem>>, vector<512x768xf32>,
    } else {
    }
    %eq3A_20 = arith.constant 13 : i32
    %eq3A_21 = arith.cmpi eq, %arg0, %eq3A_20 : i32
    %convert_element_type3A_22 = arith.extui %eq3A_21 : i1 to i32
    %cond3A_23 = arith.constant 0 : i32
    %cond3A_24 = arith.cmpi ne, %convert_element_type3A_22, %cond3A_23 : i32
    scf.if %cond3A_24 {
      %get3A = arith.constant 0 : index
      %get3A_30 = arith.constant 0 : index
      %get3A_31 = vector.load %arg36[%get3A, %get3A_30] : memref<512x768xf32, #tpu.memory_space<vmem>>, vector<512x768xf32>
      %get3A_32 = arith.constant 0 : index
      %get3A_33 = arith.constant 0 : index
      %get3A_34 = vector.load %arg29[%get3A_32, %get3A_33] : memref<1x768xf32, #tpu.memory_space<vmem>>, vector<1x768xf32>
      %add3A = vector.broadcast %get3A_34 : vector<1x768xf32> to vector<512x768xf32>
      %add3A_35 = arith.addf %get3A_31, %add3A : vector<512x768xf32>
      %get3A_36 = arith.constant 0 : index
      %get3A_37 = arith.constant 0 : index
      %get3A_38 = vector.load %arg35[%get3A_36, %get3A_37] : memref<512x768xf32, #tpu.memory_space<vmem>>, vector<512x768xf32>
      %add3A_39 = arith.addf %get3A_38, %add3A_35 : vector<512x768xf32>
      %get3A_40 = arith.constant 0 : index
      %get3A_41 = arith.constant 0 : index
      %get3A_42 = vector.load %arg32[%get3A_40, %get3A_41] : memref<1x768xf32, #tpu.memory_space<vmem>>, vector<1x768xf32>
      %get3A_43 = arith.constant 0 : index
      %get3A_44 = arith.constant 0 : index
      %get3A_45 = vector.load %arg33[%get3A_43, %get3A_44] : memref<1x768xf32, #tpu.memory_space<vmem>>, vector<1x768xf32>
      %reduce_sum3A = arith.constant dense<0.000000e+00> : vector<512xf32>
      %reduce_sum3A_46 = vector.multi_reduction <add>, %add3A_39, %reduce_sum3A [1] : vector<512x768xf32> to vector<512xf32>
      %broadcast_in_dim3A = vector.shape_cast %reduce_sum3A_46 : vector<512xf32> to vector<512x1xf32>
      %div3A = arith.constant 7.680000e+02 : f32
      %div3A_47 = vector.broadcast %div3A : f32 to vector<512x1xf32>
      %div3A_48 = arith.divf %broadcast_in_dim3A, %div3A_47 : vector<512x1xf32>
      %sub3A = vector.broadcast %div3A_48 : vector<512x1xf32> to vector<512x768xf32>
      %sub3A_49 = arith.subf %add3A_39, %sub3A : vector<512x768xf32>
      %integer_pow3A = arith.mulf %sub3A_49, %sub3A_49 : vector<512x768xf32>
      %reduce_sum3A_50 = arith.constant dense<0.000000e+00> : vector<512xf32>
      %reduce_sum3A_51 = vector.multi_reduction <add>, %integer_pow3A, %reduce_sum3A_50 [1] : vector<512x768xf32> to vector<512xf32>
      %broadcast_in_dim3A_52 = vector.shape_cast %reduce_sum3A_51 : vector<512xf32> to vector<512x1xf32>
      %div3A_53 = arith.constant 7.680000e+02 : f32
      %div3A_54 = vector.broadcast %div3A_53 : f32 to vector<512x1xf32>
      %div3A_55 = arith.divf %broadcast_in_dim3A_52, %div3A_54 : vector<512x1xf32>
      %sub3A_56 = vector.broadcast %div3A_48 : vector<512x1xf32> to vector<512x768xf32>
      %sub3A_57 = arith.subf %add3A_39, %sub3A_56 : vector<512x768xf32>
      %add3A_58 = arith.constant 9.99999974E-6 : f32
      %add3A_59 = vector.broadcast %add3A_58 : f32 to vector<512x1xf32>
      %add3A_60 = arith.addf %div3A_55, %add3A_59 : vector<512x1xf32>
      %rsqrt3A = math.rsqrt %add3A_60 : vector<512x1xf32>
      %mul3A = vector.broadcast %rsqrt3A : vector<512x1xf32> to vector<512x768xf32>
      %mul3A_61 = arith.mulf %sub3A_57, %mul3A : vector<512x768xf32>
      %mul3A_62 = vector.broadcast %get3A_42 : vector<1x768xf32> to vector<512x768xf32>
      %mul3A_63 = arith.mulf %mul3A_61, %mul3A_62 : vector<512x768xf32>
      %add3A_64 = vector.broadcast %get3A_45 : vector<1x768xf32> to vector<512x768xf32>
      %add3A_65 = arith.addf %mul3A_63, %add3A_64 : vector<512x768xf32>
      %swap3A = arith.constant 0 : index
      %swap3A_66 = arith.constant 0 : index
      %swap3A_67 = vector.load %arg34[%swap3A, %swap3A_66] : memref<512x768xf32, #tpu.memory_space<vmem>>, vector<512x768xf32>
      tpu.vector_store %arg34[%swap3A, %swap3A_66], %add3A_65 {strides = array<i32>} : memref<512x768xf32, #tpu.memory_space<vmem>>, vector<512x768xf32>,
    } else {
    }
    %eq3A_25 = arith.constant 7 : i32
    %eq3A_26 = arith.cmpi eq, %arg0, %eq3A_25 : i32
    %convert_element_type3A_27 = arith.extui %eq3A_26 : i1 to i32
    %cond3A_28 = arith.constant 0 : i32
    %cond3A_29 = arith.cmpi ne, %convert_element_type3A_27, %cond3A_28 : i32
    scf.if %cond3A_29 {
      %dma_wait3A = arith.constant 0 : i32
      %dma_wait3A_30 = arith.constant 0 : i32
      %dma_wait3A_31 = tpu.memref_slice %arg39[%dma_wait3A_30] : memref<4x!tpu.dma_semaphore, #tpu.memory_space<semaphore_mem>> -> memref<1x!tpu.dma_semaphore, #tpu.memory_space<semaphore_mem>>
      %dma_wait3A_32 = tpu.memref_squeeze %dma_wait3A_31 : memref<1x!tpu.dma_semaphore, #tpu.memory_space<semaphore_mem>> -> memref<!tpu.dma_semaphore, #tpu.memory_space<semaphore_mem>>
      %dma_wait3A_33 = arith.constant 0 : i32
      %dma_wait3A_34 = arith.constant 0 : i32
      %dma_wait3A_35 = tpu.memref_slice %arg38[%dma_wait3A, %dma_wait3A_33, %dma_wait3A_34] : memref<4x768x768xf32, #tpu.memory_space<vmem>> -> memref<1x768x768xf32, #tpu.memory_space<vmem>>
      %dma_wait3A_36 = tpu.memref_squeeze %dma_wait3A_35 : memref<1x768x768xf32, #tpu.memory_space<vmem>> -> memref<768x768xf32, #tpu.memory_space<vmem>>
      tpu.wait_dma2 semaphore(%dma_wait3A_32 : memref<!tpu.dma_semaphore, #tpu.memory_space<semaphore_mem>>) src(%arg18 : memref<768x768xf32, #tpu.memory_space<hbm>>) dst(%dma_wait3A_36 : memref<768x768xf32, #tpu.memory_space<vmem>>)
      %dma_wait3A_37 = arith.constant 1 : i32
      %dma_wait3A_38 = arith.constant 1 : i32
      %dma_wait3A_39 = tpu.memref_slice %arg39[%dma_wait3A_38] : memref<4x!tpu.dma_semaphore, #tpu.memory_space<semaphore_mem>> -> memref<1x!tpu.dma_semaphore, #tpu.memory_space<semaphore_mem>>
      %dma_wait3A_40 = tpu.memref_squeeze %dma_wait3A_39 : memref<1x!tpu.dma_semaphore, #tpu.memory_space<semaphore_mem>> -> memref<!tpu.dma_semaphore, #tpu.memory_space<semaphore_mem>>
      %dma_wait3A_41 = arith.constant 0 : i32
      %dma_wait3A_42 = arith.constant 0 : i32
      %dma_wait3A_43 = tpu.memref_slice %arg38[%dma_wait3A_37, %dma_wait3A_41, %dma_wait3A_42] : memref<4x768x768xf32, #tpu.memory_space<vmem>> -> memref<1x768x768xf32, #tpu.memory_space<vmem>>
      %dma_wait3A_44 = tpu.memref_squeeze %dma_wait3A_43 : memref<1x768x768xf32, #tpu.memory_space<vmem>> -> memref<768x768xf32, #tpu.memory_space<vmem>>
      tpu.wait_dma2 semaphore(%dma_wait3A_40 : memref<!tpu.dma_semaphore, #tpu.memory_space<semaphore_mem>>) src(%arg19 : memref<768x768xf32, #tpu.memory_space<hbm>>) dst(%dma_wait3A_44 : memref<768x768xf32, #tpu.memory_space<vmem>>)
      %dma_wait3A_45 = arith.constant 2 : i32
      %dma_wait3A_46 = arith.constant 2 : i32
      %dma_wait3A_47 = tpu.memref_slice %arg39[%dma_wait3A_46] : memref<4x!tpu.dma_semaphore, #tpu.memory_space<semaphore_mem>> -> memref<1x!tpu.dma_semaphore, #tpu.memory_space<semaphore_mem>>
      %dma_wait3A_48 = tpu.memref_squeeze %dma_wait3A_47 : memref<1x!tpu.dma_semaphore, #tpu.memory_space<semaphore_mem>> -> memref<!tpu.dma_semaphore, #tpu.memory_space<semaphore_mem>>
      %dma_wait3A_49 = arith.constant 0 : i32
      %dma_wait3A_50 = arith.constant 0 : i32
      %dma_wait3A_51 = tpu.memref_slice %arg38[%dma_wait3A_45, %dma_wait3A_49, %dma_wait3A_50] : memref<4x768x768xf32, #tpu.memory_space<vmem>> -> memref<1x768x768xf32, #tpu.memory_space<vmem>>
      %dma_wait3A_52 = tpu.memref_squeeze %dma_wait3A_51 : memref<1x768x768xf32, #tpu.memory_space<vmem>> -> memref<768x768xf32, #tpu.memory_space<vmem>>
      tpu.wait_dma2 semaphore(%dma_wait3A_48 : memref<!tpu.dma_semaphore, #tpu.memory_space<semaphore_mem>>) src(%arg20 : memref<768x768xf32, #tpu.memory_space<hbm>>) dst(%dma_wait3A_52 : memref<768x768xf32, #tpu.memory_space<vmem>>)
      %dma_wait3A_53 = arith.constant 3 : i32
      %dma_wait3A_54 = arith.constant 3 : i32
      %dma_wait3A_55 = tpu.memref_slice %arg39[%dma_wait3A_54] : memref<4x!tpu.dma_semaphore, #tpu.memory_space<semaphore_mem>> -> memref<1x!tpu.dma_semaphore, #tpu.memory_space<semaphore_mem>>
      %dma_wait3A_56 = tpu.memref_squeeze %dma_wait3A_55 : memref<1x!tpu.dma_semaphore, #tpu.memory_space<semaphore_mem>> -> memref<!tpu.dma_semaphore, #tpu.memory_space<semaphore_mem>>
      %dma_wait3A_57 = arith.constant 0 : i32
      %dma_wait3A_58 = arith.constant 0 : i32
      %dma_wait3A_59 = tpu.memref_slice %arg38[%dma_wait3A_53, %dma_wait3A_57, %dma_wait3A_58] : memref<4x768x768xf32, #tpu.memory_space<vmem>> -> memref<1x768x768xf32, #tpu.memory_space<vmem>>
      %dma_wait3A_60 = tpu.memref_squeeze %dma_wait3A_59 : memref<1x768x768xf32, #tpu.memory_space<vmem>> -> memref<768x768xf32, #tpu.memory_space<vmem>>
      tpu.wait_dma2 semaphore(%dma_wait3A_56 : memref<!tpu.dma_semaphore, #tpu.memory_space<semaphore_mem>>) src(%arg21 : memref<768x768xf32, #tpu.memory_space<hbm>>) dst(%dma_wait3A_60 : memref<768x768xf32, #tpu.memory_space<vmem>>)
      %get3A = arith.constant 0 : index
      %get3A_61 = arith.constant 0 : index
      %get3A_62 = vector.load %arg37[%get3A, %get3A_61] : memref<512x768xf32, #tpu.memory_space<vmem>>, vector<512x768xf32>
      %get3A_63 = arith.constant 0 : index
      %get3A_64 = arith.constant 0 : index
      %get3A_65 = arith.constant 0 : index
      %get3A_66 = vector.load %arg38[%get3A_63, %get3A_64, %get3A_65] : memref<4x768x768xf32, #tpu.memory_space<vmem>>, vector<1x768x768xf32>
      %get3A_67 = vector.shape_cast %get3A_66 : vector<1x768x768xf32> to vector<768x768xf32>
      %get3A_68 = arith.constant 0 : index
      %get3A_69 = arith.constant 0 : index
      %get3A_70 = vector.load %arg22[%get3A_68, %get3A_69] : memref<1x768xf32, #tpu.memory_space<vmem>>, vector<1x768xf32>
      %get3A_71 = arith.constant 1 : index
      %get3A_72 = arith.constant 0 : index
      %get3A_73 = arith.constant 0 : index
      %get3A_74 = vector.load %arg38[%get3A_71, %get3A_72, %get3A_73] : memref<4x768x768xf32, #tpu.memory_space<vmem>>, vector<1x768x768xf32>
      %get3A_75 = vector.shape_cast %get3A_74 : vector<1x768x768xf32> to vector<768x768xf32>
      %get3A_76 = arith.constant 0 : index
      %get3A_77 = arith.constant 0 : index
      %get3A_78 = vector.load %arg23[%get3A_76, %get3A_77] : memref<1x768xf32, #tpu.memory_space<vmem>>, vector<1x768xf32>
      %get3A_79 = arith.constant 2 : index
      %get3A_80 = arith.constant 0 : index
      %get3A_81 = arith.constant 0 : index
      %get3A_82 = vector.load %arg38[%get3A_79, %get3A_80, %get3A_81] : memref<4x768x768xf32, #tpu.memory_space<vmem>>, vector<1x768x768xf32>
      %get3A_83 = vector.shape_cast %get3A_82 : vector<1x768x768xf32> to vector<768x768xf32>
      %get3A_84 = arith.constant 0 : index
      %get3A_85 = arith.constant 0 : index
      %get3A_86 = vector.load %arg24[%get3A_84, %get3A_85] : memref<1x768xf32, #tpu.memory_space<vmem>>, vector<1x768xf32>
      %get3A_87 = arith.constant 3 : index
      %get3A_88 = arith.constant 0 : index
      %get3A_89 = arith.constant 0 : index
      %get3A_90 = vector.load %arg38[%get3A_87, %get3A_88, %get3A_89] : memref<4x768x768xf32, #tpu.memory_space<vmem>>, vector<1x768x768xf32>
      %get3A_91 = vector.shape_cast %get3A_90 : vector<1x768x768xf32> to vector<768x768xf32>
      %get3A_92 = arith.constant 0 : index
      %get3A_93 = arith.constant 0 : index
      %get3A_94 = vector.load %arg25[%get3A_92, %get3A_93] : memref<1x768xf32, #tpu.memory_space<vmem>>, vector<1x768xf32>
      %convert_element_type3A_95 = arith.truncf %get3A_62 : vector<512x768xf32> to vector<512x768xbf16>
      %convert_element_type3A_96 = arith.truncf %get3A_67 : vector<768x768xf32> to vector<768x768xbf16>
      %dot_general3A = arith.constant dense<0.000000e+00> : vector<512x768xf32>
      %dot_general3A_97 = tpu.matmul %convert_element_type3A_95, %convert_element_type3A_96, %dot_general3A {dimension_numbers = #tpu.dot_dimension_numbers<[1], [1], [0], [0], [0, 0, 1, 0], [], []>, transpose_lhs_hint = false} : vector<512x768xbf16>, vector<768x768xbf16>, vector<512x768xf32> -> vector<512x768xf32>
      %add3A = vector.broadcast %get3A_70 : vector<1x768xf32> to vector<512x768xf32>
      %add3A_98 = arith.addf %dot_general3A_97, %add3A : vector<512x768xf32>
      %convert_element_type3A_99 = arith.truncf %get3A_62 : vector<512x768xf32> to vector<512x768xbf16>
      %convert_element_type3A_100 = arith.truncf %get3A_75 : vector<768x768xf32> to vector<768x768xbf16>
      %dot_general3A_101 = arith.constant dense<0.000000e+00> : vector<512x768xf32>
      %dot_general3A_102 = tpu.matmul %convert_element_type3A_99, %convert_element_type3A_100, %dot_general3A_101 {dimension_numbers = #tpu.dot_dimension_numbers<[1], [1], [0], [0], [0, 0, 1, 0], [], []>, transpose_lhs_hint = false} : vector<512x768xbf16>, vector<768x768xbf16>, vector<512x768xf32> -> vector<512x768xf32>
      %add3A_103 = vector.broadcast %get3A_78 : vector<1x768xf32> to vector<512x768xf32>
      %add3A_104 = arith.addf %dot_general3A_102, %add3A_103 : vector<512x768xf32>
      %convert_element_type3A_105 = arith.truncf %get3A_62 : vector<512x768xf32> to vector<512x768xbf16>
      %convert_element_type3A_106 = arith.truncf %get3A_83 : vector<768x768xf32> to vector<768x768xbf16>
      %dot_general3A_107 = arith.constant dense<0.000000e+00> : vector<512x768xf32>
      %dot_general3A_108 = tpu.matmul %convert_element_type3A_105, %convert_element_type3A_106, %dot_general3A_107 {dimension_numbers = #tpu.dot_dimension_numbers<[1], [1], [0], [0], [0, 0, 1, 0], [], []>, transpose_lhs_hint = false} : vector<512x768xbf16>, vector<768x768xbf16>, vector<512x768xf32> -> vector<512x768xf32>
      %add3A_109 = vector.broadcast %get3A_86 : vector<1x768xf32> to vector<512x768xf32>
      %add3A_110 = arith.addf %dot_general3A_108, %add3A_109 : vector<512x768xf32>
      %slice3A = vector.extract_strided_slice %add3A_98 {offsets = [0, 0], sizes = [512, 64], strides = [1, 1]} : vector<512x768xf32> to vector<512x64xf32>
      %slice3A_111 = vector.extract_strided_slice %add3A_104 {offsets = [0, 0], sizes = [512, 64], strides = [1, 1]} : vector<512x768xf32> to vector<512x64xf32>
      %convert_element_type3A_112 = arith.truncf %slice3A : vector<512x64xf32> to vector<512x64xbf16>
      %convert_element_type3A_113 = arith.truncf %slice3A_111 : vector<512x64xf32> to vector<512x64xbf16>
      %dot_general3A_114 = arith.constant dense<0.000000e+00> : vector<512x512xf32>
      %dot_general3A_115 = tpu.matmul %convert_element_type3A_112, %convert_element_type3A_113, %dot_general3A_114 {dimension_numbers = #tpu.dot_dimension_numbers<[1], [1], [0], [0], [0, 0, 1, 0], [], []>, transpose_lhs_hint = false} : vector<512x64xbf16>, vector<512x64xbf16>, vector<512x512xf32> -> vector<512x512xf32>
      %mul3A = arith.constant 1.250000e-01 : f32
      %mul3A_116 = vector.broadcast %mul3A : f32 to vector<512x512xf32>
      %mul3A_117 = arith.mulf %dot_general3A_115, %mul3A_116 : vector<512x512xf32>
      %reduce_max3A = arith.constant dense<0xFF800000> : vector<512xf32>
      %reduce_max3A_118 = vector.multi_reduction <maximumf>, %mul3A_117, %reduce_max3A [1] : vector<512x512xf32> to vector<512xf32>
      %broadcast_in_dim3A = vector.shape_cast %reduce_max3A_118 : vector<512xf32> to vector<512x1xf32>
      %sub3A = vector.broadcast %broadcast_in_dim3A : vector<512x1xf32> to vector<512x512xf32>
      %sub3A_119 = arith.subf %mul3A_117, %sub3A : vector<512x512xf32>
      %exp3A = math.exp %sub3A_119 : vector<512x512xf32>
      %reduce_sum3A = arith.constant dense<0.000000e+00> : vector<512xf32>
      %reduce_sum3A_120 = vector.multi_reduction <add>, %exp3A, %reduce_sum3A [1] : vector<512x512xf32> to vector<512xf32>
      %broadcast_in_dim3A_121 = vector.shape_cast %reduce_sum3A_120 : vector<512xf32> to vector<512x1xf32>
      %div3A = arith.constant 1.000000e+00 : f32
      %div3A_122 = vector.broadcast %div3A : f32 to vector<512x1xf32>
      %div3A_123 = arith.divf %div3A_122, %broadcast_in_dim3A_121 : vector<512x1xf32>
      %mul3A_124 = vector.broadcast %div3A_123 : vector<512x1xf32> to vector<512x512xf32>
      %mul3A_125 = arith.mulf %exp3A, %mul3A_124 : vector<512x512xf32>
      %slice3A_126 = vector.extract_strided_slice %add3A_110 {offsets = [0, 0], sizes = [512, 64], strides = [1, 1]} : vector<512x768xf32> to vector<512x64xf32>
      %convert_element_type3A_127 = arith.truncf %mul3A_125 : vector<512x512xf32> to vector<512x512xbf16>
      %convert_element_type3A_128 = arith.truncf %slice3A_126 : vector<512x64xf32> to vector<512x64xbf16>
      %dot_general3A_129 = arith.constant dense<0.000000e+00> : vector<512x64xf32>
      %dot_general3A_130 = tpu.matmul %convert_element_type3A_127, %convert_element_type3A_128, %dot_general3A_129 {dimension_numbers = #tpu.dot_dimension_numbers<[1], [0], [0], [1], [0, 0, 1, 1], [], []>, transpose_lhs_hint = false} : vector<512x512xbf16>, vector<512x64xbf16>, vector<512x64xf32> -> vector<512x64xf32>
      %slice3A_131 = vector.extract_strided_slice %add3A_98 {offsets = [0, 64], sizes = [512, 64], strides = [1, 1]} : vector<512x768xf32> to vector<512x64xf32>
      %slice3A_132 = vector.extract_strided_slice %add3A_104 {offsets = [0, 64], sizes = [512, 64], strides = [1, 1]} : vector<512x768xf32> to vector<512x64xf32>
      %convert_element_type3A_133 = arith.truncf %slice3A_131 : vector<512x64xf32> to vector<512x64xbf16>
      %convert_element_type3A_134 = arith.truncf %slice3A_132 : vector<512x64xf32> to vector<512x64xbf16>
      %dot_general3A_135 = arith.constant dense<0.000000e+00> : vector<512x512xf32>
      %dot_general3A_136 = tpu.matmul %convert_element_type3A_133, %convert_element_type3A_134, %dot_general3A_135 {dimension_numbers = #tpu.dot_dimension_numbers<[1], [1], [0], [0], [0, 0, 1, 0], [], []>, transpose_lhs_hint = false} : vector<512x64xbf16>, vector<512x64xbf16>, vector<512x512xf32> -> vector<512x512xf32>
      %mul3A_137 = arith.constant 1.250000e-01 : f32
      %mul3A_138 = vector.broadcast %mul3A_137 : f32 to vector<512x512xf32>
      %mul3A_139 = arith.mulf %dot_general3A_136, %mul3A_138 : vector<512x512xf32>
      %reduce_max3A_140 = arith.constant dense<0xFF800000> : vector<512xf32>
      %reduce_max3A_141 = vector.multi_reduction <maximumf>, %mul3A_139, %reduce_max3A_140 [1] : vector<512x512xf32> to vector<512xf32>
      %broadcast_in_dim3A_142 = vector.shape_cast %reduce_max3A_141 : vector<512xf32> to vector<512x1xf32>
      %sub3A_143 = vector.broadcast %broadcast_in_dim3A_142 : vector<512x1xf32> to vector<512x512xf32>
      %sub3A_144 = arith.subf %mul3A_139, %sub3A_143 : vector<512x512xf32>
      %exp3A_145 = math.exp %sub3A_144 : vector<512x512xf32>
      %reduce_sum3A_146 = arith.constant dense<0.000000e+00> : vector<512xf32>
      %reduce_sum3A_147 = vector.multi_reduction <add>, %exp3A_145, %reduce_sum3A_146 [1] : vector<512x512xf32> to vector<512xf32>
      %broadcast_in_dim3A_148 = vector.shape_cast %reduce_sum3A_147 : vector<512xf32> to vector<512x1xf32>
      %div3A_149 = arith.constant 1.000000e+00 : f32
      %div3A_150 = vector.broadcast %div3A_149 : f32 to vector<512x1xf32>
      %div3A_151 = arith.divf %div3A_150, %broadcast_in_dim3A_148 : vector<512x1xf32>
      %mul3A_152 = vector.broadcast %div3A_151 : vector<512x1xf32> to vector<512x512xf32>
      %mul3A_153 = arith.mulf %exp3A_145, %mul3A_152 : vector<512x512xf32>
      %slice3A_154 = vector.extract_strided_slice %add3A_110 {offsets = [0, 64], sizes = [512, 64], strides = [1, 1]} : vector<512x768xf32> to vector<512x64xf32>
      %convert_element_type3A_155 = arith.truncf %mul3A_153 : vector<512x512xf32> to vector<512x512xbf16>
      %convert_element_type3A_156 = arith.truncf %slice3A_154 : vector<512x64xf32> to vector<512x64xbf16>
      %dot_general3A_157 = arith.constant dense<0.000000e+00> : vector<512x64xf32>
      %dot_general3A_158 = tpu.matmul %convert_element_type3A_155, %convert_element_type3A_156, %dot_general3A_157 {dimension_numbers = #tpu.dot_dimension_numbers<[1], [0], [0], [1], [0, 0, 1, 1], [], []>, transpose_lhs_hint = false} : vector<512x512xbf16>, vector<512x64xbf16>, vector<512x64xf32> -> vector<512x64xf32>
      %slice3A_159 = vector.extract_strided_slice %add3A_98 {offsets = [0, 128], sizes = [512, 64], strides = [1, 1]} : vector<512x768xf32> to vector<512x64xf32>
      %slice3A_160 = vector.extract_strided_slice %add3A_104 {offsets = [0, 128], sizes = [512, 64], strides = [1, 1]} : vector<512x768xf32> to vector<512x64xf32>
      %convert_element_type3A_161 = arith.truncf %slice3A_159 : vector<512x64xf32> to vector<512x64xbf16>
      %convert_element_type3A_162 = arith.truncf %slice3A_160 : vector<512x64xf32> to vector<512x64xbf16>
      %dot_general3A_163 = arith.constant dense<0.000000e+00> : vector<512x512xf32>
      %dot_general3A_164 = tpu.matmul %convert_element_type3A_161, %convert_element_type3A_162, %dot_general3A_163 {dimension_numbers = #tpu.dot_dimension_numbers<[1], [1], [0], [0], [0, 0, 1, 0], [], []>, transpose_lhs_hint = false} : vector<512x64xbf16>, vector<512x64xbf16>, vector<512x512xf32> -> vector<512x512xf32>
      %mul3A_165 = arith.constant 1.250000e-01 : f32
      %mul3A_166 = vector.broadcast %mul3A_165 : f32 to vector<512x512xf32>
      %mul3A_167 = arith.mulf %dot_general3A_164, %mul3A_166 : vector<512x512xf32>
      %reduce_max3A_168 = arith.constant dense<0xFF800000> : vector<512xf32>
      %reduce_max3A_169 = vector.multi_reduction <maximumf>, %mul3A_167, %reduce_max3A_168 [1] : vector<512x512xf32> to vector<512xf32>
      %broadcast_in_dim3A_170 = vector.shape_cast %reduce_max3A_169 : vector<512xf32> to vector<512x1xf32>
      %sub3A_171 = vector.broadcast %broadcast_in_dim3A_170 : vector<512x1xf32> to vector<512x512xf32>
      %sub3A_172 = arith.subf %mul3A_167, %sub3A_171 : vector<512x512xf32>
      %exp3A_173 = math.exp %sub3A_172 : vector<512x512xf32>
      %reduce_sum3A_174 = arith.constant dense<0.000000e+00> : vector<512xf32>
      %reduce_sum3A_175 = vector.multi_reduction <add>, %exp3A_173, %reduce_sum3A_174 [1] : vector<512x512xf32> to vector<512xf32>
      %broadcast_in_dim3A_176 = vector.shape_cast %reduce_sum3A_175 : vector<512xf32> to vector<512x1xf32>
      %div3A_177 = arith.constant 1.000000e+00 : f32
      %div3A_178 = vector.broadcast %div3A_177 : f32 to vector<512x1xf32>
      %div3A_179 = arith.divf %div3A_178, %broadcast_in_dim3A_176 : vector<512x1xf32>
      %mul3A_180 = vector.broadcast %div3A_179 : vector<512x1xf32> to vector<512x512xf32>
      %mul3A_181 = arith.mulf %exp3A_173, %mul3A_180 : vector<512x512xf32>
      %slice3A_182 = vector.extract_strided_slice %add3A_110 {offsets = [0, 128], sizes = [512, 64], strides = [1, 1]} : vector<512x768xf32> to vector<512x64xf32>
      %convert_element_type3A_183 = arith.truncf %mul3A_181 : vector<512x512xf32> to vector<512x512xbf16>
      %convert_element_type3A_184 = arith.truncf %slice3A_182 : vector<512x64xf32> to vector<512x64xbf16>
      %dot_general3A_185 = arith.constant dense<0.000000e+00> : vector<512x64xf32>
      %dot_general3A_186 = tpu.matmul %convert_element_type3A_183, %convert_element_type3A_184, %dot_general3A_185 {dimension_numbers = #tpu.dot_dimension_numbers<[1], [0], [0], [1], [0, 0, 1, 1], [], []>, transpose_lhs_hint = false} : vector<512x512xbf16>, vector<512x64xbf16>, vector<512x64xf32> -> vector<512x64xf32>
      %slice3A_187 = vector.extract_strided_slice %add3A_98 {offsets = [0, 192], sizes = [512, 64], strides = [1, 1]} : vector<512x768xf32> to vector<512x64xf32>
      %slice3A_188 = vector.extract_strided_slice %add3A_104 {offsets = [0, 192], sizes = [512, 64], strides = [1, 1]} : vector<512x768xf32> to vector<512x64xf32>
      %convert_element_type3A_189 = arith.truncf %slice3A_187 : vector<512x64xf32> to vector<512x64xbf16>
      %convert_element_type3A_190 = arith.truncf %slice3A_188 : vector<512x64xf32> to vector<512x64xbf16>
      %dot_general3A_191 = arith.constant dense<0.000000e+00> : vector<512x512xf32>
      %dot_general3A_192 = tpu.matmul %convert_element_type3A_189, %convert_element_type3A_190, %dot_general3A_191 {dimension_numbers = #tpu.dot_dimension_numbers<[1], [1], [0], [0], [0, 0, 1, 0], [], []>, transpose_lhs_hint = false} : vector<512x64xbf16>, vector<512x64xbf16>, vector<512x512xf32> -> vector<512x512xf32>
      %mul3A_193 = arith.constant 1.250000e-01 : f32
      %mul3A_194 = vector.broadcast %mul3A_193 : f32 to vector<512x512xf32>
      %mul3A_195 = arith.mulf %dot_general3A_192, %mul3A_194 : vector<512x512xf32>
      %reduce_max3A_196 = arith.constant dense<0xFF800000> : vector<512xf32>
      %reduce_max3A_197 = vector.multi_reduction <maximumf>, %mul3A_195, %reduce_max3A_196 [1] : vector<512x512xf32> to vector<512xf32>
      %broadcast_in_dim3A_198 = vector.shape_cast %reduce_max3A_197 : vector<512xf32> to vector<512x1xf32>
      %sub3A_199 = vector.broadcast %broadcast_in_dim3A_198 : vector<512x1xf32> to vector<512x512xf32>
      %sub3A_200 = arith.subf %mul3A_195, %sub3A_199 : vector<512x512xf32>
      %exp3A_201 = math.exp %sub3A_200 : vector<512x512xf32>
      %reduce_sum3A_202 = arith.constant dense<0.000000e+00> : vector<512xf32>
      %reduce_sum3A_203 = vector.multi_reduction <add>, %exp3A_201, %reduce_sum3A_202 [1] : vector<512x512xf32> to vector<512xf32>
      %broadcast_in_dim3A_204 = vector.shape_cast %reduce_sum3A_203 : vector<512xf32> to vector<512x1xf32>
      %div3A_205 = arith.constant 1.000000e+00 : f32
      %div3A_206 = vector.broadcast %div3A_205 : f32 to vector<512x1xf32>
      %div3A_207 = arith.divf %div3A_206, %broadcast_in_dim3A_204 : vector<512x1xf32>
      %mul3A_208 = vector.broadcast %div3A_207 : vector<512x1xf32> to vector<512x512xf32>
      %mul3A_209 = arith.mulf %exp3A_201, %mul3A_208 : vector<512x512xf32>
      %slice3A_210 = vector.extract_strided_slice %add3A_110 {offsets = [0, 192], sizes = [512, 64], strides = [1, 1]} : vector<512x768xf32> to vector<512x64xf32>
      %convert_element_type3A_211 = arith.truncf %mul3A_209 : vector<512x512xf32> to vector<512x512xbf16>
      %convert_element_type3A_212 = arith.truncf %slice3A_210 : vector<512x64xf32> to vector<512x64xbf16>
      %dot_general3A_213 = arith.constant dense<0.000000e+00> : vector<512x64xf32>
      %dot_general3A_214 = tpu.matmul %convert_element_type3A_211, %convert_element_type3A_212, %dot_general3A_213 {dimension_numbers = #tpu.dot_dimension_numbers<[1], [0], [0], [1], [0, 0, 1, 1], [], []>, transpose_lhs_hint = false} : vector<512x512xbf16>, vector<512x64xbf16>, vector<512x64xf32> -> vector<512x64xf32>
      %slice3A_215 = vector.extract_strided_slice %add3A_98 {offsets = [0, 256], sizes = [512, 64], strides = [1, 1]} : vector<512x768xf32> to vector<512x64xf32>
      %slice3A_216 = vector.extract_strided_slice %add3A_104 {offsets = [0, 256], sizes = [512, 64], strides = [1, 1]} : vector<512x768xf32> to vector<512x64xf32>
      %convert_element_type3A_217 = arith.truncf %slice3A_215 : vector<512x64xf32> to vector<512x64xbf16>
      %convert_element_type3A_218 = arith.truncf %slice3A_216 : vector<512x64xf32> to vector<512x64xbf16>
      %dot_general3A_219 = arith.constant dense<0.000000e+00> : vector<512x512xf32>
      %dot_general3A_220 = tpu.matmul %convert_element_type3A_217, %convert_element_type3A_218, %dot_general3A_219 {dimension_numbers = #tpu.dot_dimension_numbers<[1], [1], [0], [0], [0, 0, 1, 0], [], []>, transpose_lhs_hint = false} : vector<512x64xbf16>, vector<512x64xbf16>, vector<512x512xf32> -> vector<512x512xf32>
      %mul3A_221 = arith.constant 1.250000e-01 : f32
      %mul3A_222 = vector.broadcast %mul3A_221 : f32 to vector<512x512xf32>
      %mul3A_223 = arith.mulf %dot_general3A_220, %mul3A_222 : vector<512x512xf32>
      %reduce_max3A_224 = arith.constant dense<0xFF800000> : vector<512xf32>
      %reduce_max3A_225 = vector.multi_reduction <maximumf>, %mul3A_223, %reduce_max3A_224 [1] : vector<512x512xf32> to vector<512xf32>
      %broadcast_in_dim3A_226 = vector.shape_cast %reduce_max3A_225 : vector<512xf32> to vector<512x1xf32>
      %sub3A_227 = vector.broadcast %broadcast_in_dim3A_226 : vector<512x1xf32> to vector<512x512xf32>
      %sub3A_228 = arith.subf %mul3A_223, %sub3A_227 : vector<512x512xf32>
      %exp3A_229 = math.exp %sub3A_228 : vector<512x512xf32>
      %reduce_sum3A_230 = arith.constant dense<0.000000e+00> : vector<512xf32>
      %reduce_sum3A_231 = vector.multi_reduction <add>, %exp3A_229, %reduce_sum3A_230 [1] : vector<512x512xf32> to vector<512xf32>
      %broadcast_in_dim3A_232 = vector.shape_cast %reduce_sum3A_231 : vector<512xf32> to vector<512x1xf32>
      %div3A_233 = arith.constant 1.000000e+00 : f32
      %div3A_234 = vector.broadcast %div3A_233 : f32 to vector<512x1xf32>
      %div3A_235 = arith.divf %div3A_234, %broadcast_in_dim3A_232 : vector<512x1xf32>
      %mul3A_236 = vector.broadcast %div3A_235 : vector<512x1xf32> to vector<512x512xf32>
      %mul3A_237 = arith.mulf %exp3A_229, %mul3A_236 : vector<512x512xf32>
      %slice3A_238 = vector.extract_strided_slice %add3A_110 {offsets = [0, 256], sizes = [512, 64], strides = [1, 1]} : vector<512x768xf32> to vector<512x64xf32>
      %convert_element_type3A_239 = arith.truncf %mul3A_237 : vector<512x512xf32> to vector<512x512xbf16>
      %convert_element_type3A_240 = arith.truncf %slice3A_238 : vector<512x64xf32> to vector<512x64xbf16>
      %dot_general3A_241 = arith.constant dense<0.000000e+00> : vector<512x64xf32>
      %dot_general3A_242 = tpu.matmul %convert_element_type3A_239, %convert_element_type3A_240, %dot_general3A_241 {dimension_numbers = #tpu.dot_dimension_numbers<[1], [0], [0], [1], [0, 0, 1, 1], [], []>, transpose_lhs_hint = false} : vector<512x512xbf16>, vector<512x64xbf16>, vector<512x64xf32> -> vector<512x64xf32>
      %slice3A_243 = vector.extract_strided_slice %add3A_98 {offsets = [0, 320], sizes = [512, 64], strides = [1, 1]} : vector<512x768xf32> to vector<512x64xf32>
      %slice3A_244 = vector.extract_strided_slice %add3A_104 {offsets = [0, 320], sizes = [512, 64], strides = [1, 1]} : vector<512x768xf32> to vector<512x64xf32>
      %convert_element_type3A_245 = arith.truncf %slice3A_243 : vector<512x64xf32> to vector<512x64xbf16>
      %convert_element_type3A_246 = arith.truncf %slice3A_244 : vector<512x64xf32> to vector<512x64xbf16>
      %dot_general3A_247 = arith.constant dense<0.000000e+00> : vector<512x512xf32>
      %dot_general3A_248 = tpu.matmul %convert_element_type3A_245, %convert_element_type3A_246, %dot_general3A_247 {dimension_numbers = #tpu.dot_dimension_numbers<[1], [1], [0], [0], [0, 0, 1, 0], [], []>, transpose_lhs_hint = false} : vector<512x64xbf16>, vector<512x64xbf16>, vector<512x512xf32> -> vector<512x512xf32>
      %mul3A_249 = arith.constant 1.250000e-01 : f32
      %mul3A_250 = vector.broadcast %mul3A_249 : f32 to vector<512x512xf32>
      %mul3A_251 = arith.mulf %dot_general3A_248, %mul3A_250 : vector<512x512xf32>
      %reduce_max3A_252 = arith.constant dense<0xFF800000> : vector<512xf32>
      %reduce_max3A_253 = vector.multi_reduction <maximumf>, %mul3A_251, %reduce_max3A_252 [1] : vector<512x512xf32> to vector<512xf32>
      %broadcast_in_dim3A_254 = vector.shape_cast %reduce_max3A_253 : vector<512xf32> to vector<512x1xf32>
      %sub3A_255 = vector.broadcast %broadcast_in_dim3A_254 : vector<512x1xf32> to vector<512x512xf32>
      %sub3A_256 = arith.subf %mul3A_251, %sub3A_255 : vector<512x512xf32>
      %exp3A_257 = math.exp %sub3A_256 : vector<512x512xf32>
      %reduce_sum3A_258 = arith.constant dense<0.000000e+00> : vector<512xf32>
      %reduce_sum3A_259 = vector.multi_reduction <add>, %exp3A_257, %reduce_sum3A_258 [1] : vector<512x512xf32> to vector<512xf32>
      %broadcast_in_dim3A_260 = vector.shape_cast %reduce_sum3A_259 : vector<512xf32> to vector<512x1xf32>
      %div3A_261 = arith.constant 1.000000e+00 : f32
      %div3A_262 = vector.broadcast %div3A_261 : f32 to vector<512x1xf32>
      %div3A_263 = arith.divf %div3A_262, %broadcast_in_dim3A_260 : vector<512x1xf32>
      %mul3A_264 = vector.broadcast %div3A_263 : vector<512x1xf32> to vector<512x512xf32>
      %mul3A_265 = arith.mulf %exp3A_257, %mul3A_264 : vector<512x512xf32>
      %slice3A_266 = vector.extract_strided_slice %add3A_110 {offsets = [0, 320], sizes = [512, 64], strides = [1, 1]} : vector<512x768xf32> to vector<512x64xf32>
      %convert_element_type3A_267 = arith.truncf %mul3A_265 : vector<512x512xf32> to vector<512x512xbf16>
      %convert_element_type3A_268 = arith.truncf %slice3A_266 : vector<512x64xf32> to vector<512x64xbf16>
      %dot_general3A_269 = arith.constant dense<0.000000e+00> : vector<512x64xf32>
      %dot_general3A_270 = tpu.matmul %convert_element_type3A_267, %convert_element_type3A_268, %dot_general3A_269 {dimension_numbers = #tpu.dot_dimension_numbers<[1], [0], [0], [1], [0, 0, 1, 1], [], []>, transpose_lhs_hint = false} : vector<512x512xbf16>, vector<512x64xbf16>, vector<512x64xf32> -> vector<512x64xf32>
      %slice3A_271 = vector.extract_strided_slice %add3A_98 {offsets = [0, 384], sizes = [512, 64], strides = [1, 1]} : vector<512x768xf32> to vector<512x64xf32>
      %slice3A_272 = vector.extract_strided_slice %add3A_104 {offsets = [0, 384], sizes = [512, 64], strides = [1, 1]} : vector<512x768xf32> to vector<512x64xf32>
      %convert_element_type3A_273 = arith.truncf %slice3A_271 : vector<512x64xf32> to vector<512x64xbf16>
      %convert_element_type3A_274 = arith.truncf %slice3A_272 : vector<512x64xf32> to vector<512x64xbf16>
      %dot_general3A_275 = arith.constant dense<0.000000e+00> : vector<512x512xf32>
      %dot_general3A_276 = tpu.matmul %convert_element_type3A_273, %convert_element_type3A_274, %dot_general3A_275 {dimension_numbers = #tpu.dot_dimension_numbers<[1], [1], [0], [0], [0, 0, 1, 0], [], []>, transpose_lhs_hint = false} : vector<512x64xbf16>, vector<512x64xbf16>, vector<512x512xf32> -> vector<512x512xf32>
      %mul3A_277 = arith.constant 1.250000e-01 : f32
      %mul3A_278 = vector.broadcast %mul3A_277 : f32 to vector<512x512xf32>
      %mul3A_279 = arith.mulf %dot_general3A_276, %mul3A_278 : vector<512x512xf32>
      %reduce_max3A_280 = arith.constant dense<0xFF800000> : vector<512xf32>
      %reduce_max3A_281 = vector.multi_reduction <maximumf>, %mul3A_279, %reduce_max3A_280 [1] : vector<512x512xf32> to vector<512xf32>
      %broadcast_in_dim3A_282 = vector.shape_cast %reduce_max3A_281 : vector<512xf32> to vector<512x1xf32>
      %sub3A_283 = vector.broadcast %broadcast_in_dim3A_282 : vector<512x1xf32> to vector<512x512xf32>
      %sub3A_284 = arith.subf %mul3A_279, %sub3A_283 : vector<512x512xf32>
      %exp3A_285 = math.exp %sub3A_284 : vector<512x512xf32>
      %reduce_sum3A_286 = arith.constant dense<0.000000e+00> : vector<512xf32>
      %reduce_sum3A_287 = vector.multi_reduction <add>, %exp3A_285, %reduce_sum3A_286 [1] : vector<512x512xf32> to vector<512xf32>
      %broadcast_in_dim3A_288 = vector.shape_cast %reduce_sum3A_287 : vector<512xf32> to vector<512x1xf32>
      %div3A_289 = arith.constant 1.000000e+00 : f32
      %div3A_290 = vector.broadcast %div3A_289 : f32 to vector<512x1xf32>
      %div3A_291 = arith.divf %div3A_290, %broadcast_in_dim3A_288 : vector<512x1xf32>
      %mul3A_292 = vector.broadcast %div3A_291 : vector<512x1xf32> to vector<512x512xf32>
      %mul3A_293 = arith.mulf %exp3A_285, %mul3A_292 : vector<512x512xf32>
      %slice3A_294 = vector.extract_strided_slice %add3A_110 {offsets = [0, 384], sizes = [512, 64], strides = [1, 1]} : vector<512x768xf32> to vector<512x64xf32>
      %convert_element_type3A_295 = arith.truncf %mul3A_293 : vector<512x512xf32> to vector<512x512xbf16>
      %convert_element_type3A_296 = arith.truncf %slice3A_294 : vector<512x64xf32> to vector<512x64xbf16>
      %dot_general3A_297 = arith.constant dense<0.000000e+00> : vector<512x64xf32>
      %dot_general3A_298 = tpu.matmul %convert_element_type3A_295, %convert_element_type3A_296, %dot_general3A_297 {dimension_numbers = #tpu.dot_dimension_numbers<[1], [0], [0], [1], [0, 0, 1, 1], [], []>, transpose_lhs_hint = false} : vector<512x512xbf16>, vector<512x64xbf16>, vector<512x64xf32> -> vector<512x64xf32>
      %slice3A_299 = vector.extract_strided_slice %add3A_98 {offsets = [0, 448], sizes = [512, 64], strides = [1, 1]} : vector<512x768xf32> to vector<512x64xf32>
      %slice3A_300 = vector.extract_strided_slice %add3A_104 {offsets = [0, 448], sizes = [512, 64], strides = [1, 1]} : vector<512x768xf32> to vector<512x64xf32>
      %convert_element_type3A_301 = arith.truncf %slice3A_299 : vector<512x64xf32> to vector<512x64xbf16>
      %convert_element_type3A_302 = arith.truncf %slice3A_300 : vector<512x64xf32> to vector<512x64xbf16>
      %dot_general3A_303 = arith.constant dense<0.000000e+00> : vector<512x512xf32>
      %dot_general3A_304 = tpu.matmul %convert_element_type3A_301, %convert_element_type3A_302, %dot_general3A_303 {dimension_numbers = #tpu.dot_dimension_numbers<[1], [1], [0], [0], [0, 0, 1, 0], [], []>, transpose_lhs_hint = false} : vector<512x64xbf16>, vector<512x64xbf16>, vector<512x512xf32> -> vector<512x512xf32>
      %mul3A_305 = arith.constant 1.250000e-01 : f32
      %mul3A_306 = vector.broadcast %mul3A_305 : f32 to vector<512x512xf32>
      %mul3A_307 = arith.mulf %dot_general3A_304, %mul3A_306 : vector<512x512xf32>
      %reduce_max3A_308 = arith.constant dense<0xFF800000> : vector<512xf32>
      %reduce_max3A_309 = vector.multi_reduction <maximumf>, %mul3A_307, %reduce_max3A_308 [1] : vector<512x512xf32> to vector<512xf32>
      %broadcast_in_dim3A_310 = vector.shape_cast %reduce_max3A_309 : vector<512xf32> to vector<512x1xf32>
      %sub3A_311 = vector.broadcast %broadcast_in_dim3A_310 : vector<512x1xf32> to vector<512x512xf32>
      %sub3A_312 = arith.subf %mul3A_307, %sub3A_311 : vector<512x512xf32>
      %exp3A_313 = math.exp %sub3A_312 : vector<512x512xf32>
      %reduce_sum3A_314 = arith.constant dense<0.000000e+00> : vector<512xf32>
      %reduce_sum3A_315 = vector.multi_reduction <add>, %exp3A_313, %reduce_sum3A_314 [1] : vector<512x512xf32> to vector<512xf32>
      %broadcast_in_dim3A_316 = vector.shape_cast %reduce_sum3A_315 : vector<512xf32> to vector<512x1xf32>
      %div3A_317 = arith.constant 1.000000e+00 : f32
      %div3A_318 = vector.broadcast %div3A_317 : f32 to vector<512x1xf32>
      %div3A_319 = arith.divf %div3A_318, %broadcast_in_dim3A_316 : vector<512x1xf32>
      %mul3A_320 = vector.broadcast %div3A_319 : vector<512x1xf32> to vector<512x512xf32>
      %mul3A_321 = arith.mulf %exp3A_313, %mul3A_320 : vector<512x512xf32>
      %slice3A_322 = vector.extract_strided_slice %add3A_110 {offsets = [0, 448], sizes = [512, 64], strides = [1, 1]} : vector<512x768xf32> to vector<512x64xf32>
      %convert_element_type3A_323 = arith.truncf %mul3A_321 : vector<512x512xf32> to vector<512x512xbf16>
      %convert_element_type3A_324 = arith.truncf %slice3A_322 : vector<512x64xf32> to vector<512x64xbf16>
      %dot_general3A_325 = arith.constant dense<0.000000e+00> : vector<512x64xf32>
      %dot_general3A_326 = tpu.matmul %convert_element_type3A_323, %convert_element_type3A_324, %dot_general3A_325 {dimension_numbers = #tpu.dot_dimension_numbers<[1], [0], [0], [1], [0, 0, 1, 1], [], []>, transpose_lhs_hint = false} : vector<512x512xbf16>, vector<512x64xbf16>, vector<512x64xf32> -> vector<512x64xf32>
      %slice3A_327 = vector.extract_strided_slice %add3A_98 {offsets = [0, 512], sizes = [512, 64], strides = [1, 1]} : vector<512x768xf32> to vector<512x64xf32>
      %slice3A_328 = vector.extract_strided_slice %add3A_104 {offsets = [0, 512], sizes = [512, 64], strides = [1, 1]} : vector<512x768xf32> to vector<512x64xf32>
      %convert_element_type3A_329 = arith.truncf %slice3A_327 : vector<512x64xf32> to vector<512x64xbf16>
      %convert_element_type3A_330 = arith.truncf %slice3A_328 : vector<512x64xf32> to vector<512x64xbf16>
      %dot_general3A_331 = arith.constant dense<0.000000e+00> : vector<512x512xf32>
      %dot_general3A_332 = tpu.matmul %convert_element_type3A_329, %convert_element_type3A_330, %dot_general3A_331 {dimension_numbers = #tpu.dot_dimension_numbers<[1], [1], [0], [0], [0, 0, 1, 0], [], []>, transpose_lhs_hint = false} : vector<512x64xbf16>, vector<512x64xbf16>, vector<512x512xf32> -> vector<512x512xf32>
      %mul3A_333 = arith.constant 1.250000e-01 : f32
      %mul3A_334 = vector.broadcast %mul3A_333 : f32 to vector<512x512xf32>
      %mul3A_335 = arith.mulf %dot_general3A_332, %mul3A_334 : vector<512x512xf32>
      %reduce_max3A_336 = arith.constant dense<0xFF800000> : vector<512xf32>
      %reduce_max3A_337 = vector.multi_reduction <maximumf>, %mul3A_335, %reduce_max3A_336 [1] : vector<512x512xf32> to vector<512xf32>
      %broadcast_in_dim3A_338 = vector.shape_cast %reduce_max3A_337 : vector<512xf32> to vector<512x1xf32>
      %sub3A_339 = vector.broadcast %broadcast_in_dim3A_338 : vector<512x1xf32> to vector<512x512xf32>
      %sub3A_340 = arith.subf %mul3A_335, %sub3A_339 : vector<512x512xf32>
      %exp3A_341 = math.exp %sub3A_340 : vector<512x512xf32>
      %reduce_sum3A_342 = arith.constant dense<0.000000e+00> : vector<512xf32>
      %reduce_sum3A_343 = vector.multi_reduction <add>, %exp3A_341, %reduce_sum3A_342 [1] : vector<512x512xf32> to vector<512xf32>
      %broadcast_in_dim3A_344 = vector.shape_cast %reduce_sum3A_343 : vector<512xf32> to vector<512x1xf32>
      %div3A_345 = arith.constant 1.000000e+00 : f32
      %div3A_346 = vector.broadcast %div3A_345 : f32 to vector<512x1xf32>
      %div3A_347 = arith.divf %div3A_346, %broadcast_in_dim3A_344 : vector<512x1xf32>
      %mul3A_348 = vector.broadcast %div3A_347 : vector<512x1xf32> to vector<512x512xf32>
      %mul3A_349 = arith.mulf %exp3A_341, %mul3A_348 : vector<512x512xf32>
      %slice3A_350 = vector.extract_strided_slice %add3A_110 {offsets = [0, 512], sizes = [512, 64], strides = [1, 1]} : vector<512x768xf32> to vector<512x64xf32>
      %convert_element_type3A_351 = arith.truncf %mul3A_349 : vector<512x512xf32> to vector<512x512xbf16>
      %convert_element_type3A_352 = arith.truncf %slice3A_350 : vector<512x64xf32> to vector<512x64xbf16>
      %dot_general3A_353 = arith.constant dense<0.000000e+00> : vector<512x64xf32>
      %dot_general3A_354 = tpu.matmul %convert_element_type3A_351, %convert_element_type3A_352, %dot_general3A_353 {dimension_numbers = #tpu.dot_dimension_numbers<[1], [0], [0], [1], [0, 0, 1, 1], [], []>, transpose_lhs_hint = false} : vector<512x512xbf16>, vector<512x64xbf16>, vector<512x64xf32> -> vector<512x64xf32>
      %slice3A_355 = vector.extract_strided_slice %add3A_98 {offsets = [0, 576], sizes = [512, 64], strides = [1, 1]} : vector<512x768xf32> to vector<512x64xf32>
      %slice3A_356 = vector.extract_strided_slice %add3A_104 {offsets = [0, 576], sizes = [512, 64], strides = [1, 1]} : vector<512x768xf32> to vector<512x64xf32>
      %convert_element_type3A_357 = arith.truncf %slice3A_355 : vector<512x64xf32> to vector<512x64xbf16>
      %convert_element_type3A_358 = arith.truncf %slice3A_356 : vector<512x64xf32> to vector<512x64xbf16>
      %dot_general3A_359 = arith.constant dense<0.000000e+00> : vector<512x512xf32>
      %dot_general3A_360 = tpu.matmul %convert_element_type3A_357, %convert_element_type3A_358, %dot_general3A_359 {dimension_numbers = #tpu.dot_dimension_numbers<[1], [1], [0], [0], [0, 0, 1, 0], [], []>, transpose_lhs_hint = false} : vector<512x64xbf16>, vector<512x64xbf16>, vector<512x512xf32> -> vector<512x512xf32>
      %mul3A_361 = arith.constant 1.250000e-01 : f32
      %mul3A_362 = vector.broadcast %mul3A_361 : f32 to vector<512x512xf32>
      %mul3A_363 = arith.mulf %dot_general3A_360, %mul3A_362 : vector<512x512xf32>
      %reduce_max3A_364 = arith.constant dense<0xFF800000> : vector<512xf32>
      %reduce_max3A_365 = vector.multi_reduction <maximumf>, %mul3A_363, %reduce_max3A_364 [1] : vector<512x512xf32> to vector<512xf32>
      %broadcast_in_dim3A_366 = vector.shape_cast %reduce_max3A_365 : vector<512xf32> to vector<512x1xf32>
      %sub3A_367 = vector.broadcast %broadcast_in_dim3A_366 : vector<512x1xf32> to vector<512x512xf32>
      %sub3A_368 = arith.subf %mul3A_363, %sub3A_367 : vector<512x512xf32>
      %exp3A_369 = math.exp %sub3A_368 : vector<512x512xf32>
      %reduce_sum3A_370 = arith.constant dense<0.000000e+00> : vector<512xf32>
      %reduce_sum3A_371 = vector.multi_reduction <add>, %exp3A_369, %reduce_sum3A_370 [1] : vector<512x512xf32> to vector<512xf32>
      %broadcast_in_dim3A_372 = vector.shape_cast %reduce_sum3A_371 : vector<512xf32> to vector<512x1xf32>
      %div3A_373 = arith.constant 1.000000e+00 : f32
      %div3A_374 = vector.broadcast %div3A_373 : f32 to vector<512x1xf32>
      %div3A_375 = arith.divf %div3A_374, %broadcast_in_dim3A_372 : vector<512x1xf32>
      %mul3A_376 = vector.broadcast %div3A_375 : vector<512x1xf32> to vector<512x512xf32>
      %mul3A_377 = arith.mulf %exp3A_369, %mul3A_376 : vector<512x512xf32>
      %slice3A_378 = vector.extract_strided_slice %add3A_110 {offsets = [0, 576], sizes = [512, 64], strides = [1, 1]} : vector<512x768xf32> to vector<512x64xf32>
      %convert_element_type3A_379 = arith.truncf %mul3A_377 : vector<512x512xf32> to vector<512x512xbf16>
      %convert_element_type3A_380 = arith.truncf %slice3A_378 : vector<512x64xf32> to vector<512x64xbf16>
      %dot_general3A_381 = arith.constant dense<0.000000e+00> : vector<512x64xf32>
      %dot_general3A_382 = tpu.matmul %convert_element_type3A_379, %convert_element_type3A_380, %dot_general3A_381 {dimension_numbers = #tpu.dot_dimension_numbers<[1], [0], [0], [1], [0, 0, 1, 1], [], []>, transpose_lhs_hint = false} : vector<512x512xbf16>, vector<512x64xbf16>, vector<512x64xf32> -> vector<512x64xf32>
      %slice3A_383 = vector.extract_strided_slice %add3A_98 {offsets = [0, 640], sizes = [512, 64], strides = [1, 1]} : vector<512x768xf32> to vector<512x64xf32>
      %slice3A_384 = vector.extract_strided_slice %add3A_104 {offsets = [0, 640], sizes = [512, 64], strides = [1, 1]} : vector<512x768xf32> to vector<512x64xf32>
      %convert_element_type3A_385 = arith.truncf %slice3A_383 : vector<512x64xf32> to vector<512x64xbf16>
      %convert_element_type3A_386 = arith.truncf %slice3A_384 : vector<512x64xf32> to vector<512x64xbf16>
      %dot_general3A_387 = arith.constant dense<0.000000e+00> : vector<512x512xf32>
      %dot_general3A_388 = tpu.matmul %convert_element_type3A_385, %convert_element_type3A_386, %dot_general3A_387 {dimension_numbers = #tpu.dot_dimension_numbers<[1], [1], [0], [0], [0, 0, 1, 0], [], []>, transpose_lhs_hint = false} : vector<512x64xbf16>, vector<512x64xbf16>, vector<512x512xf32> -> vector<512x512xf32>
      %mul3A_389 = arith.constant 1.250000e-01 : f32
      %mul3A_390 = vector.broadcast %mul3A_389 : f32 to vector<512x512xf32>
      %mul3A_391 = arith.mulf %dot_general3A_388, %mul3A_390 : vector<512x512xf32>
      %reduce_max3A_392 = arith.constant dense<0xFF800000> : vector<512xf32>
      %reduce_max3A_393 = vector.multi_reduction <maximumf>, %mul3A_391, %reduce_max3A_392 [1] : vector<512x512xf32> to vector<512xf32>
      %broadcast_in_dim3A_394 = vector.shape_cast %reduce_max3A_393 : vector<512xf32> to vector<512x1xf32>
      %sub3A_395 = vector.broadcast %broadcast_in_dim3A_394 : vector<512x1xf32> to vector<512x512xf32>
      %sub3A_396 = arith.subf %mul3A_391, %sub3A_395 : vector<512x512xf32>
      %exp3A_397 = math.exp %sub3A_396 : vector<512x512xf32>
      %reduce_sum3A_398 = arith.constant dense<0.000000e+00> : vector<512xf32>
      %reduce_sum3A_399 = vector.multi_reduction <add>, %exp3A_397, %reduce_sum3A_398 [1] : vector<512x512xf32> to vector<512xf32>
      %broadcast_in_dim3A_400 = vector.shape_cast %reduce_sum3A_399 : vector<512xf32> to vector<512x1xf32>
      %div3A_401 = arith.constant 1.000000e+00 : f32
      %div3A_402 = vector.broadcast %div3A_401 : f32 to vector<512x1xf32>
      %div3A_403 = arith.divf %div3A_402, %broadcast_in_dim3A_400 : vector<512x1xf32>
      %mul3A_404 = vector.broadcast %div3A_403 : vector<512x1xf32> to vector<512x512xf32>
      %mul3A_405 = arith.mulf %exp3A_397, %mul3A_404 : vector<512x512xf32>
      %slice3A_406 = vector.extract_strided_slice %add3A_110 {offsets = [0, 640], sizes = [512, 64], strides = [1, 1]} : vector<512x768xf32> to vector<512x64xf32>
      %convert_element_type3A_407 = arith.truncf %mul3A_405 : vector<512x512xf32> to vector<512x512xbf16>
      %convert_element_type3A_408 = arith.truncf %slice3A_406 : vector<512x64xf32> to vector<512x64xbf16>
      %dot_general3A_409 = arith.constant dense<0.000000e+00> : vector<512x64xf32>
      %dot_general3A_410 = tpu.matmul %convert_element_type3A_407, %convert_element_type3A_408, %dot_general3A_409 {dimension_numbers = #tpu.dot_dimension_numbers<[1], [0], [0], [1], [0, 0, 1, 1], [], []>, transpose_lhs_hint = false} : vector<512x512xbf16>, vector<512x64xbf16>, vector<512x64xf32> -> vector<512x64xf32>
      %slice3A_411 = vector.extract_strided_slice %add3A_98 {offsets = [0, 704], sizes = [512, 64], strides = [1, 1]} : vector<512x768xf32> to vector<512x64xf32>
      %slice3A_412 = vector.extract_strided_slice %add3A_104 {offsets = [0, 704], sizes = [512, 64], strides = [1, 1]} : vector<512x768xf32> to vector<512x64xf32>
      %convert_element_type3A_413 = arith.truncf %slice3A_411 : vector<512x64xf32> to vector<512x64xbf16>
      %convert_element_type3A_414 = arith.truncf %slice3A_412 : vector<512x64xf32> to vector<512x64xbf16>
      %dot_general3A_415 = arith.constant dense<0.000000e+00> : vector<512x512xf32>
      %dot_general3A_416 = tpu.matmul %convert_element_type3A_413, %convert_element_type3A_414, %dot_general3A_415 {dimension_numbers = #tpu.dot_dimension_numbers<[1], [1], [0], [0], [0, 0, 1, 0], [], []>, transpose_lhs_hint = false} : vector<512x64xbf16>, vector<512x64xbf16>, vector<512x512xf32> -> vector<512x512xf32>
      %mul3A_417 = arith.constant 1.250000e-01 : f32
      %mul3A_418 = vector.broadcast %mul3A_417 : f32 to vector<512x512xf32>
      %mul3A_419 = arith.mulf %dot_general3A_416, %mul3A_418 : vector<512x512xf32>
      %reduce_max3A_420 = arith.constant dense<0xFF800000> : vector<512xf32>
      %reduce_max3A_421 = vector.multi_reduction <maximumf>, %mul3A_419, %reduce_max3A_420 [1] : vector<512x512xf32> to vector<512xf32>
      %broadcast_in_dim3A_422 = vector.shape_cast %reduce_max3A_421 : vector<512xf32> to vector<512x1xf32>
      %sub3A_423 = vector.broadcast %broadcast_in_dim3A_422 : vector<512x1xf32> to vector<512x512xf32>
      %sub3A_424 = arith.subf %mul3A_419, %sub3A_423 : vector<512x512xf32>
      %exp3A_425 = math.exp %sub3A_424 : vector<512x512xf32>
      %reduce_sum3A_426 = arith.constant dense<0.000000e+00> : vector<512xf32>
      %reduce_sum3A_427 = vector.multi_reduction <add>, %exp3A_425, %reduce_sum3A_426 [1] : vector<512x512xf32> to vector<512xf32>
      %broadcast_in_dim3A_428 = vector.shape_cast %reduce_sum3A_427 : vector<512xf32> to vector<512x1xf32>
      %div3A_429 = arith.constant 1.000000e+00 : f32
      %div3A_430 = vector.broadcast %div3A_429 : f32 to vector<512x1xf32>
      %div3A_431 = arith.divf %div3A_430, %broadcast_in_dim3A_428 : vector<512x1xf32>
      %mul3A_432 = vector.broadcast %div3A_431 : vector<512x1xf32> to vector<512x512xf32>
      %mul3A_433 = arith.mulf %exp3A_425, %mul3A_432 : vector<512x512xf32>
      %slice3A_434 = vector.extract_strided_slice %add3A_110 {offsets = [0, 704], sizes = [512, 64], strides = [1, 1]} : vector<512x768xf32> to vector<512x64xf32>
      %convert_element_type3A_435 = arith.truncf %mul3A_433 : vector<512x512xf32> to vector<512x512xbf16>
      %convert_element_type3A_436 = arith.truncf %slice3A_434 : vector<512x64xf32> to vector<512x64xbf16>
      %dot_general3A_437 = arith.constant dense<0.000000e+00> : vector<512x64xf32>
      %dot_general3A_438 = tpu.matmul %convert_element_type3A_435, %convert_element_type3A_436, %dot_general3A_437 {dimension_numbers = #tpu.dot_dimension_numbers<[1], [0], [0], [1], [0, 0, 1, 1], [], []>, transpose_lhs_hint = false} : vector<512x512xbf16>, vector<512x64xbf16>, vector<512x64xf32> -> vector<512x64xf32>
      %concatenate3A = tpu.concatenate %dot_general3A_130, %dot_general3A_158, %dot_general3A_186, %dot_general3A_214, %dot_general3A_242, %dot_general3A_270, %dot_general3A_298, %dot_general3A_326, %dot_general3A_354, %dot_general3A_382, %dot_general3A_410, %dot_general3A_438 in 1 : vector<512x64xf32>, vector<512x64xf32>, vector<512x64xf32>, vector<512x64xf32>, vector<512x64xf32>, vector<512x64xf32>, vector<512x64xf32>, vector<512x64xf32>, vector<512x64xf32>, vector<512x64xf32>, vector<512x64xf32>, vector<512x64xf32> -> vector<512x768xf32>
      %convert_element_type3A_439 = arith.truncf %concatenate3A : vector<512x768xf32> to vector<512x768xbf16>
      %convert_element_type3A_440 = arith.truncf %get3A_91 : vector<768x768xf32> to vector<768x768xbf16>
      %dot_general3A_441 = arith.constant dense<0.000000e+00> : vector<512x768xf32>
      %dot_general3A_442 = tpu.matmul %convert_element_type3A_439, %convert_element_type3A_440, %dot_general3A_441 {dimension_numbers = #tpu.dot_dimension_numbers<[1], [1], [0], [0], [0, 0, 1, 0], [], []>, transpose_lhs_hint = false} : vector<512x768xbf16>, vector<768x768xbf16>, vector<512x768xf32> -> vector<512x768xf32>
      %add3A_443 = vector.broadcast %get3A_94 : vector<1x768xf32> to vector<512x768xf32>
      %add3A_444 = arith.addf %dot_general3A_442, %add3A_443 : vector<512x768xf32>
      %add3A_445 = arith.addf %get3A_62, %add3A_444 : vector<512x768xf32>
      %get3A_446 = arith.constant 0 : index
      %get3A_447 = arith.constant 0 : index
      %get3A_448 = vector.load %arg30[%get3A_446, %get3A_447] : memref<1x768xf32, #tpu.memory_space<vmem>>, vector<1x768xf32>
      %get3A_449 = arith.constant 0 : index
      %get3A_450 = arith.constant 0 : index
      %get3A_451 = vector.load %arg31[%get3A_449, %get3A_450] : memref<1x768xf32, #tpu.memory_space<vmem>>, vector<1x768xf32>
      %reduce_sum3A_452 = arith.constant dense<0.000000e+00> : vector<512xf32>
      %reduce_sum3A_453 = vector.multi_reduction <add>, %add3A_445, %reduce_sum3A_452 [1] : vector<512x768xf32> to vector<512xf32>
      %broadcast_in_dim3A_454 = vector.shape_cast %reduce_sum3A_453 : vector<512xf32> to vector<512x1xf32>
      %div3A_455 = arith.constant 7.680000e+02 : f32
      %div3A_456 = vector.broadcast %div3A_455 : f32 to vector<512x1xf32>
      %div3A_457 = arith.divf %broadcast_in_dim3A_454, %div3A_456 : vector<512x1xf32>
      %sub3A_458 = vector.broadcast %div3A_457 : vector<512x1xf32> to vector<512x768xf32>
      %sub3A_459 = arith.subf %add3A_445, %sub3A_458 : vector<512x768xf32>
      %integer_pow3A = arith.mulf %sub3A_459, %sub3A_459 : vector<512x768xf32>
      %reduce_sum3A_460 = arith.constant dense<0.000000e+00> : vector<512xf32>
      %reduce_sum3A_461 = vector.multi_reduction <add>, %integer_pow3A, %reduce_sum3A_460 [1] : vector<512x768xf32> to vector<512xf32>
      %broadcast_in_dim3A_462 = vector.shape_cast %reduce_sum3A_461 : vector<512xf32> to vector<512x1xf32>
      %div3A_463 = arith.constant 7.680000e+02 : f32
      %div3A_464 = vector.broadcast %div3A_463 : f32 to vector<512x1xf32>
      %div3A_465 = arith.divf %broadcast_in_dim3A_462, %div3A_464 : vector<512x1xf32>
      %sub3A_466 = vector.broadcast %div3A_457 : vector<512x1xf32> to vector<512x768xf32>
      %sub3A_467 = arith.subf %add3A_445, %sub3A_466 : vector<512x768xf32>
      %add3A_468 = arith.constant 9.99999974E-6 : f32
      %add3A_469 = vector.broadcast %add3A_468 : f32 to vector<512x1xf32>
      %add3A_470 = arith.addf %div3A_465, %add3A_469 : vector<512x1xf32>
      %rsqrt3A = math.rsqrt %add3A_470 : vector<512x1xf32>
      %mul3A_471 = vector.broadcast %rsqrt3A : vector<512x1xf32> to vector<512x768xf32>
      %mul3A_472 = arith.mulf %sub3A_467, %mul3A_471 : vector<512x768xf32>
      %mul3A_473 = vector.broadcast %get3A_448 : vector<1x768xf32> to vector<512x768xf32>
      %mul3A_474 = arith.mulf %mul3A_472, %mul3A_473 : vector<512x768xf32>
      %add3A_475 = vector.broadcast %get3A_451 : vector<1x768xf32> to vector<512x768xf32>
      %add3A_476 = arith.addf %mul3A_474, %add3A_475 : vector<512x768xf32>
      %swap3A = arith.constant 0 : index
      %swap3A_477 = arith.constant 0 : index
      %swap3A_478 = vector.load %arg35[%swap3A, %swap3A_477] : memref<512x768xf32, #tpu.memory_space<vmem>>, vector<512x768xf32>
      tpu.vector_store %arg35[%swap3A, %swap3A_477], %add3A_476 {strides = array<i32>} : memref<512x768xf32, #tpu.memory_space<vmem>>, vector<512x768xf32>,
    } else {
    }
    return
  }
  func.func @transform_0(%arg0: i32) -> (i32, i32) {
    %c0_i32 = arith.constant 0 : i32
    %c0_i32_0 = arith.constant 0 : i32
    %c0_i32_1 = arith.constant 0 : i32
    return %c0_i32, %c0_i32_0 : i32, i32
  }
  func.func @transform_1(%arg0: i32) -> (i32, i32) {
    %c0_i32 = arith.constant 0 : i32
    %c0_i32_0 = arith.constant 0 : i32
    %c0_i32_1 = arith.constant 0 : i32
    return %c0_i32, %c0_i32_0 : i32, i32
  }
  func.func @transform_2(%arg0: i32) -> (i32, i32) {
    %c0_i32 = arith.constant 0 : i32
    %c0_i32_0 = arith.constant 0 : i32
    %c0_i32_1 = arith.constant 0 : i32
    return %c0_i32, %c0_i32_0 : i32, i32
  }
  func.func @transform_3(%arg0: i32) -> (i32, i32) {
    %c0_i32 = arith.constant 0 : i32
    %c0_i32_0 = arith.constant 0 : i32
    %c0_i32_1 = arith.constant 0 : i32
    return %c0_i32, %c0_i32_0 : i32, i32
  }
  func.func @transform_4(%arg0: i32) -> (i32, i32) {
    %c0_i32 = arith.constant 0 : i32
    %c0_i32_0 = arith.constant 0 : i32
    %c0_i32_1 = arith.constant 0 : i32
    return %c0_i32, %c0_i32_0 : i32, i32
  }
  func.func @transform_5(%arg0: i32) -> (i32, i32) {
    %c0_i32 = arith.constant 0 : i32
    %c0_i32_0 = arith.constant 0 : i32
    %c0_i32_1 = arith.constant 0 : i32
    return %c0_i32, %c0_i32_0 : i32, i32
  }
  func.func @transform_6(%arg0: i32) -> (i32, i32) {
    %c0_i32 = arith.constant 0 : i32
    %c0_i32_0 = arith.constant 0 : i32
    %c0_i32_1 = arith.constant 0 : i32
    return %c0_i32, %c0_i32_0 : i32, i32
  }
  func.func @transform_7(%arg0: i32) -> (i32, i32) {
    %c0_i32 = arith.constant 0 : i32
    %c0_i32_0 = arith.constant 0 : i32
    %c0_i32_1 = arith.constant 0 : i32
    return %c0_i32, %c0_i32_0 : i32, i32
  }
  func.func @transform_8(%arg0: i32) -> (i32, i32) {
    %c0_i32 = arith.constant 0 : i32
    %c0_i32_0 = arith.constant 0 : i32
    %c0_i32_1 = arith.constant 0 : i32
    return %c0_i32, %c0_i32_0 : i32, i32
  }
  func.func @transform_9(%arg0: i32) -> (i32, i32) {
    %sub3A = arith.constant 0 : i32
    %sub3A_0 = arith.subi %arg0, %sub3A : i32
    %sub3A_1 = arith.constant 1 : i32
    %sub3A_2 = arith.subi %sub3A_0, %sub3A_1 : i32
    %jit3A = arith.constant 0 : i32
    %jit3A_3 = arith.constant 5 : i32
    %max3A = arith.maxsi %jit3A, %sub3A_2 : i32
    %min3A = arith.minsi %jit3A_3, %max3A : i32
    %c0_i32 = arith.constant 0 : i32
    %c0_i32_4 = arith.constant 0 : i32
    return %min3A, %c0_i32 : i32, i32
  }
  func.func @transform_10(%arg0: i32) -> (i32, i32) {
    %sub3A = arith.constant 0 : i32
    %sub3A_0 = arith.subi %arg0, %sub3A : i32
    %sub3A_1 = arith.constant 1 : i32
    %sub3A_2 = arith.subi %sub3A_0, %sub3A_1 : i32
    %jit3A = arith.constant 0 : i32
    %jit3A_3 = arith.constant 5 : i32
    %max3A = arith.maxsi %jit3A, %sub3A_2 : i32
    %min3A = arith.minsi %jit3A_3, %max3A : i32
    %c0_i32 = arith.constant 0 : i32
    %c0_i32_4 = arith.constant 0 : i32
    return %c0_i32, %min3A : i32, i32
  }
  func.func @transform_11(%arg0: i32) -> (i32, i32) {
    %sub3A = arith.constant 0 : i32
    %sub3A_0 = arith.subi %arg0, %sub3A : i32
    %sub3A_1 = arith.constant 1 : i32
    %sub3A_2 = arith.subi %sub3A_0, %sub3A_1 : i32
    %jit3A = arith.constant 0 : i32
    %jit3A_3 = arith.constant 5 : i32
    %max3A = arith.maxsi %jit3A, %sub3A_2 : i32
    %min3A = arith.minsi %jit3A_3, %max3A : i32
    %c0_i32 = arith.constant 0 : i32
    %c0_i32_4 = arith.constant 0 : i32
    return %c0_i32, %min3A : i32, i32
  }
  func.func @transform_12(%arg0: i32) -> (i32, i32) {
    %c0_i32 = arith.constant 0 : i32
    %c0_i32_0 = arith.constant 0 : i32
    %c0_i32_1 = arith.constant 0 : i32
    return %c0_i32, %c0_i32_0 : i32, i32
  }
  func.func @transform_13(%arg0: i32) -> (i32, i32) {
    %c0_i32 = arith.constant 0 : i32
    %c0_i32_0 = arith.constant 0 : i32
    %c0_i32_1 = arith.constant 0 : i32
    return %c0_i32, %c0_i32_0 : i32, i32
  }
  func.func @transform_14(%arg0: i32) -> (i32, i32) {
    %c0_i32 = arith.constant 0 : i32
    %c0_i32_0 = arith.constant 0 : i32
    %c0_i32_1 = arith.constant 0 : i32
    return %c0_i32, %c0_i32_0 : i32, i32
  }
  func.func @transform_15(%arg0: i32) -> (i32, i32) {
    %c0_i32 = arith.constant 0 : i32
    %c0_i32_0 = arith.constant 0 : i32
    %c0_i32_1 = arith.constant 0 : i32
    return %c0_i32, %c0_i32_0 : i32, i32
  }
  func.func @transform_16(%arg0: i32) -> (i32, i32) {
    %c0_i32 = arith.constant 0 : i32
    %c0_i32_0 = arith.constant 0 : i32
    %c0_i32_1 = arith.constant 0 : i32
    return %c0_i32, %c0_i32_0 : i32, i32
  }
  func.func @transform_21(%arg0: i32) -> (i32, i32) {
    %c0_i32 = arith.constant 0 : i32
    %c0_i32_0 = arith.constant 0 : i32
    %c0_i32_1 = arith.constant 0 : i32
    return %c0_i32, %c0_i32_0 : i32, i32
  }
  func.func @transform_22(%arg0: i32) -> (i32, i32) {
    %c0_i32 = arith.constant 0 : i32
    %c0_i32_0 = arith.constant 0 : i32
    %c0_i32_1 = arith.constant 0 : i32
    return %c0_i32, %c0_i32_0 : i32, i32
  }
  func.func @transform_23(%arg0: i32) -> (i32, i32) {
    %c0_i32 = arith.constant 0 : i32
    %c0_i32_0 = arith.constant 0 : i32
    %c0_i32_1 = arith.constant 0 : i32
    return %c0_i32, %c0_i32_0 : i32, i32
  }
  func.func @transform_24(%arg0: i32) -> (i32, i32) {
    %c0_i32 = arith.constant 0 : i32
    %c0_i32_0 = arith.constant 0 : i32
    %c0_i32_1 = arith.constant 0 : i32
    return %c0_i32, %c0_i32_0 : i32, i32
  }
  func.func @transform_25(%arg0: i32) -> (i32, i32) {
    %sub3A = arith.constant 7 : i32
    %sub3A_0 = arith.subi %arg0, %sub3A : i32
    %sub3A_1 = arith.constant 1 : i32
    %sub3A_2 = arith.subi %sub3A_0, %sub3A_1 : i32
    %jit3A = arith.constant 0 : i32
    %jit3A_3 = arith.constant 5 : i32
    %max3A = arith.maxsi %jit3A, %sub3A_2 : i32
    %min3A = arith.minsi %jit3A_3, %max3A : i32
    %c0_i32 = arith.constant 0 : i32
    %c0_i32_4 = arith.constant 0 : i32
    return %min3A, %c0_i32 : i32, i32
  }
  func.func @transform_26(%arg0: i32) -> (i32, i32) {
    %sub3A = arith.constant 7 : i32
    %sub3A_0 = arith.subi %arg0, %sub3A : i32
    %sub3A_1 = arith.constant 1 : i32
    %sub3A_2 = arith.subi %sub3A_0, %sub3A_1 : i32
    %jit3A = arith.constant 0 : i32
    %jit3A_3 = arith.constant 5 : i32
    %max3A = arith.maxsi %jit3A, %sub3A_2 : i32
    %min3A = arith.minsi %jit3A_3, %max3A : i32
    %c0_i32 = arith.constant 0 : i32
    %c0_i32_4 = arith.constant 0 : i32
    return %c0_i32, %min3A : i32, i32
  }
  func.func @transform_27(%arg0: i32) -> (i32, i32) {
    %sub3A = arith.constant 7 : i32
    %sub3A_0 = arith.subi %arg0, %sub3A : i32
    %sub3A_1 = arith.constant 1 : i32
    %sub3A_2 = arith.subi %sub3A_0, %sub3A_1 : i32
    %jit3A = arith.constant 0 : i32
    %jit3A_3 = arith.constant 5 : i32
    %max3A = arith.maxsi %jit3A, %sub3A_2 : i32
    %min3A = arith.minsi %jit3A_3, %max3A : i32
    %c0_i32 = arith.constant 0 : i32
    %c0_i32_4 = arith.constant 0 : i32
    return %c0_i32, %min3A : i32, i32
  }
  func.func @transform_28(%arg0: i32) -> (i32, i32) {
    %c0_i32 = arith.constant 0 : i32
    %c0_i32_0 = arith.constant 0 : i32
    %c0_i32_1 = arith.constant 0 : i32
    return %c0_i32, %c0_i32_0 : i32, i32
  }
  func.func @transform_29(%arg0: i32) -> (i32, i32) {
    %c0_i32 = arith.constant 0 : i32
    %c0_i32_0 = arith.constant 0 : i32
    %c0_i32_1 = arith.constant 0 : i32
    return %c0_i32, %c0_i32_0 : i32, i32
  }
  func.func @transform_30(%arg0: i32) -> (i32, i32) {
    %c0_i32 = arith.constant 0 : i32
    %c0_i32_0 = arith.constant 0 : i32
    %c0_i32_1 = arith.constant 0 : i32
    return %c0_i32, %c0_i32_0 : i32, i32
  }
  func.func @transform_31(%arg0: i32) -> (i32, i32) {
    %c0_i32 = arith.constant 0 : i32
    %c0_i32_0 = arith.constant 0 : i32
    %c0_i32_1 = arith.constant 0 : i32
    return %c0_i32, %c0_i32_0 : i32, i32
  }
  func.func @transform_32(%arg0: i32) -> (i32, i32) {
    %c0_i32 = arith.constant 0 : i32
    %c0_i32_0 = arith.constant 0 : i32
    %c0_i32_1 = arith.constant 0 : i32
    return %c0_i32, %c0_i32_0 : i32, i32
  }
  func.func @transform_33(%arg0: i32) -> (i32, i32) {
    %c0_i32 = arith.constant 0 : i32
    %c0_i32_0 = arith.constant 0 : i32
    %c0_i32_1 = arith.constant 0 : i32
    return %c0_i32, %c0_i32_0 : i32, i32
  }
}

module attributes {stable_mosaic.version = 14 : i64} {
  func.func @_lattice_body(%arg0: i32, %arg1: memref<512x768xf32, #tpu.memory_space<vmem>>, %arg2: memref<16x768xf32, #tpu.memory_space<vmem>>, %arg3: memref<1x768x768xf32, #tpu.memory_space<vmem>>, %arg4: memref<768x768xf32, #tpu.memory_space<vmem>>, %arg5: memref<1x768xf32, #tpu.memory_space<vmem>>, %arg6: memref<1x768xf32, #tpu.memory_space<vmem>>, %arg7: memref<1x768xf32, #tpu.memory_space<vmem>>, %arg8: memref<512x768xf32, #tpu.memory_space<vmem>>, %arg9: memref<512x768xf32, #tpu.memory_space<vmem>>, %arg10: memref<512x1xi32, #tpu.memory_space<vmem>>) attributes {dimension_semantics = [#tpu.dimension_semantics<arbitrary>], iteration_bounds = array<i64: 16>, scalar_prefetch = 0 : i64, scratch_operands = 2 : i64, tpu.core_type = #tpu.core_type<tc>, window_params = [{pipeline_mode = #tpu.pipeline_mode<synchronous>, transform_indices = @transform_0, window_bounds = array<i64: 512, 768>}, {pipeline_mode = #tpu.pipeline_mode<synchronous>, transform_indices = @transform_1, window_bounds = array<i64: 16, 768>}, {transform_indices = @transform_2, window_bounds = array<i64: 1, 768, 768>}, {pipeline_mode = #tpu.pipeline_mode<synchronous>, transform_indices = @transform_3, window_bounds = array<i64: 768, 768>}, {pipeline_mode = #tpu.pipeline_mode<synchronous>, transform_indices = @transform_4, window_bounds = array<i64: 1, 768>}, {pipeline_mode = #tpu.pipeline_mode<synchronous>, transform_indices = @transform_5, window_bounds = array<i64: 1, 768>}, {pipeline_mode = #tpu.pipeline_mode<synchronous>, transform_indices = @transform_6, window_bounds = array<i64: 1, 768>}, {pipeline_mode = #tpu.pipeline_mode<synchronous>, transform_indices = @transform_7, window_bounds = array<i64: 512, 768>}]} {
    %get3A = arith.constant 0 : index
    %get3A_0 = arith.constant 0 : index
    %get3A_1 = vector.load %arg1[%get3A, %get3A_0] : memref<512x768xf32, #tpu.memory_space<vmem>>, vector<512x768xf32>
    %eq3A = arith.constant 0 : i32
    %eq3A_2 = arith.cmpi eq, %arg0, %eq3A : i32
    %convert_element_type3A = arith.extui %eq3A_2 : i1 to i32
    %cond3A = arith.constant 0 : i32
    %cond3A_3 = arith.cmpi ne, %convert_element_type3A, %cond3A : i32
    scf.if %cond3A_3 {
      %get3A_33 = arith.constant 0 : index
      %get3A_34 = arith.constant 0 : index
      %get3A_35 = vector.load %arg2[%get3A_33, %get3A_34] : memref<16x768xf32, #tpu.memory_space<vmem>>, vector<16x768xf32>
      %convert_element_type3A_36 = arith.truncf %get3A_1 : vector<512x768xf32> to vector<512x768xbf16>
      %convert_element_type3A_37 = arith.truncf %get3A_35 : vector<16x768xf32> to vector<16x768xbf16>
      %dot_general3A_38 = arith.constant dense<0.000000e+00> : vector<512x16xf32>
      %dot_general3A_39 = tpu.matmul %convert_element_type3A_36, %convert_element_type3A_37, %dot_general3A_38 {dimension_numbers = #tpu.dot_dimension_numbers<[1], [1], [0], [0], [0, 0, 1, 0], [], []>, transpose_lhs_hint = false} : vector<512x768xbf16>, vector<16x768xbf16>, vector<512x16xf32> -> vector<512x16xf32>
      %argmax3A = tpu.reduce_index %dot_general3A_39 {axis = 1 : i32, kind = #tpu.reduction_kind<arg_max>} : vector<512x16xf32> -> vector<512xi32>
      %broadcast_in_dim3A_40 = vector.shape_cast %argmax3A : vector<512xi32> to vector<512x1xi32>
      %swap3A_41 = arith.constant 0 : index
      %swap3A_42 = arith.constant 0 : index
      %swap3A_43 = vector.load %arg10[%swap3A_41, %swap3A_42] : memref<512x1xi32, #tpu.memory_space<vmem>>, vector<512x1xi32>
      tpu.vector_store %arg10[%swap3A_41, %swap3A_42], %broadcast_in_dim3A_40 {strides = array<i32>} : memref<512x1xi32, #tpu.memory_space<vmem>>, vector<512x1xi32>,
    } else {
    }
    %get3A_4 = arith.constant 0 : index
    %get3A_5 = arith.constant 0 : index
    %get3A_6 = arith.constant 0 : index
    %get3A_7 = vector.load %arg3[%get3A_4, %get3A_5, %get3A_6] : memref<1x768x768xf32, #tpu.memory_space<vmem>>, vector<1x768x768xf32>
    %get3A_8 = vector.shape_cast %get3A_7 : vector<1x768x768xf32> to vector<768x768xf32>
    %convert_element_type3A_9 = arith.truncf %get3A_1 : vector<512x768xf32> to vector<512x768xbf16>
    %convert_element_type3A_10 = arith.truncf %get3A_8 : vector<768x768xf32> to vector<768x768xbf16>
    %dot_general3A = arith.constant dense<0.000000e+00> : vector<512x768xf32>
    %dot_general3A_11 = tpu.matmul %convert_element_type3A_9, %convert_element_type3A_10, %dot_general3A {dimension_numbers = #tpu.dot_dimension_numbers<[1], [0], [0], [1], [0, 0, 1, 1], [], []>, transpose_lhs_hint = false} : vector<512x768xbf16>, vector<768x768xbf16>, vector<512x768xf32> -> vector<512x768xf32>
    %get3A_12 = arith.constant 0 : index
    %get3A_13 = arith.constant 0 : index
    %get3A_14 = vector.load %arg10[%get3A_12, %get3A_13] : memref<512x1xi32, #tpu.memory_space<vmem>>, vector<512x1xi32>
    %eq3A_15 = vector.broadcast %arg0 : i32 to vector<512x1xi32>
    %eq3A_16 = arith.cmpi eq, %get3A_14, %eq3A_15 : vector<512x1xi32>
    %eq3A_17 = arith.constant 0 : i32
    %eq3A_18 = arith.cmpi eq, %arg0, %eq3A_17 : i32
    %broadcast_in_dim3A = arith.constant 0.000000e+00 : f32
    %broadcast_in_dim3A_19 = vector.broadcast %broadcast_in_dim3A : f32 to vector<512x768xf32>
    %get3A_20 = arith.constant 0 : index
    %get3A_21 = arith.constant 0 : index
    %get3A_22 = vector.load %arg9[%get3A_20, %get3A_21] : memref<512x768xf32, #tpu.memory_space<vmem>>, vector<512x768xf32>
    %select_n3A = arith.select %eq3A_18, %broadcast_in_dim3A_19, %get3A_22 : vector<512x768xf32>
    %broadcast_in_dim3A_23 = vector.shape_cast %eq3A_16 : vector<512x1xi1> to vector<512x1xi1>
    %broadcast_in_dim3A_24 = vector.broadcast %broadcast_in_dim3A_23 : vector<512x1xi1> to vector<512x768xi1>
    %select_n3A_25 = arith.select %broadcast_in_dim3A_24, %dot_general3A_11, %select_n3A : vector<512x768xi1>, vector<512x768xf32>
    %swap3A = arith.constant 0 : index
    %swap3A_26 = arith.constant 0 : index
    %swap3A_27 = vector.load %arg9[%swap3A, %swap3A_26] : memref<512x768xf32, #tpu.memory_space<vmem>>, vector<512x768xf32>
    tpu.vector_store %arg9[%swap3A, %swap3A_26], %select_n3A_25 {strides = array<i32>} : memref<512x768xf32, #tpu.memory_space<vmem>>, vector<512x768xf32>,
    %eq3A_28 = arith.constant 15 : i32
    %eq3A_29 = arith.cmpi eq, %arg0, %eq3A_28 : i32
    %convert_element_type3A_30 = arith.extui %eq3A_29 : i1 to i32
    %cond3A_31 = arith.constant 0 : i32
    %cond3A_32 = arith.cmpi ne, %convert_element_type3A_30, %cond3A_31 : i32
    scf.if %cond3A_32 {
      %get3A_33 = arith.constant 0 : index
      %get3A_34 = arith.constant 0 : index
      %get3A_35 = vector.load %arg9[%get3A_33, %get3A_34] : memref<512x768xf32, #tpu.memory_space<vmem>>, vector<512x768xf32>
      %get3A_36 = arith.constant 0 : index
      %get3A_37 = arith.constant 0 : index
      %get3A_38 = vector.load %arg4[%get3A_36, %get3A_37] : memref<768x768xf32, #tpu.memory_space<vmem>>, vector<768x768xf32>
      %convert_element_type3A_39 = arith.truncf %get3A_35 : vector<512x768xf32> to vector<512x768xbf16>
      %convert_element_type3A_40 = arith.truncf %get3A_38 : vector<768x768xf32> to vector<768x768xbf16>
      %dot_general3A_41 = arith.constant dense<0.000000e+00> : vector<512x768xf32>
      %dot_general3A_42 = tpu.matmul %convert_element_type3A_39, %convert_element_type3A_40, %dot_general3A_41 {dimension_numbers = #tpu.dot_dimension_numbers<[1], [1], [0], [0], [0, 0, 1, 0], [], []>, transpose_lhs_hint = false} : vector<512x768xbf16>, vector<768x768xbf16>, vector<512x768xf32> -> vector<512x768xf32>
      %get3A_43 = arith.constant 0 : index
      %get3A_44 = arith.constant 0 : index
      %get3A_45 = vector.load %arg5[%get3A_43, %get3A_44] : memref<1x768xf32, #tpu.memory_space<vmem>>, vector<1x768xf32>
      %add3A = vector.broadcast %get3A_45 : vector<1x768xf32> to vector<512x768xf32>
      %add3A_46 = arith.addf %dot_general3A_42, %add3A : vector<512x768xf32>
      %add3A_47 = arith.addf %get3A_1, %add3A_46 : vector<512x768xf32>
      %get3A_48 = arith.constant 0 : index
      %get3A_49 = arith.constant 0 : index
      %get3A_50 = vector.load %arg6[%get3A_48, %get3A_49] : memref<1x768xf32, #tpu.memory_space<vmem>>, vector<1x768xf32>
      %get3A_51 = arith.constant 0 : index
      %get3A_52 = arith.constant 0 : index
      %get3A_53 = vector.load %arg7[%get3A_51, %get3A_52] : memref<1x768xf32, #tpu.memory_space<vmem>>, vector<1x768xf32>
      %reduce_sum3A = arith.constant dense<0.000000e+00> : vector<512xf32>
      %reduce_sum3A_54 = vector.multi_reduction <add>, %add3A_47, %reduce_sum3A [1] : vector<512x768xf32> to vector<512xf32>
      %broadcast_in_dim3A_55 = vector.shape_cast %reduce_sum3A_54 : vector<512xf32> to vector<512x1xf32>
      %div3A = arith.constant 7.680000e+02 : f32
      %div3A_56 = vector.broadcast %div3A : f32 to vector<512x1xf32>
      %div3A_57 = arith.divf %broadcast_in_dim3A_55, %div3A_56 : vector<512x1xf32>
      %sub3A = vector.broadcast %div3A_57 : vector<512x1xf32> to vector<512x768xf32>
      %sub3A_58 = arith.subf %add3A_47, %sub3A : vector<512x768xf32>
      %integer_pow3A = arith.mulf %sub3A_58, %sub3A_58 : vector<512x768xf32>
      %reduce_sum3A_59 = arith.constant dense<0.000000e+00> : vector<512xf32>
      %reduce_sum3A_60 = vector.multi_reduction <add>, %integer_pow3A, %reduce_sum3A_59 [1] : vector<512x768xf32> to vector<512xf32>
      %broadcast_in_dim3A_61 = vector.shape_cast %reduce_sum3A_60 : vector<512xf32> to vector<512x1xf32>
      %div3A_62 = arith.constant 7.680000e+02 : f32
      %div3A_63 = vector.broadcast %div3A_62 : f32 to vector<512x1xf32>
      %div3A_64 = arith.divf %broadcast_in_dim3A_61, %div3A_63 : vector<512x1xf32>
      %sub3A_65 = vector.broadcast %div3A_57 : vector<512x1xf32> to vector<512x768xf32>
      %sub3A_66 = arith.subf %add3A_47, %sub3A_65 : vector<512x768xf32>
      %add3A_67 = arith.constant 9.99999974E-6 : f32
      %add3A_68 = vector.broadcast %add3A_67 : f32 to vector<512x1xf32>
      %add3A_69 = arith.addf %div3A_64, %add3A_68 : vector<512x1xf32>
      %rsqrt3A = math.rsqrt %add3A_69 : vector<512x1xf32>
      %mul3A = vector.broadcast %rsqrt3A : vector<512x1xf32> to vector<512x768xf32>
      %mul3A_70 = arith.mulf %sub3A_66, %mul3A : vector<512x768xf32>
      %mul3A_71 = vector.broadcast %get3A_50 : vector<1x768xf32> to vector<512x768xf32>
      %mul3A_72 = arith.mulf %mul3A_70, %mul3A_71 : vector<512x768xf32>
      %add3A_73 = vector.broadcast %get3A_53 : vector<1x768xf32> to vector<512x768xf32>
      %add3A_74 = arith.addf %mul3A_72, %add3A_73 : vector<512x768xf32>
      %swap3A_75 = arith.constant 0 : index
      %swap3A_76 = arith.constant 0 : index
      %swap3A_77 = vector.load %arg8[%swap3A_75, %swap3A_76] : memref<512x768xf32, #tpu.memory_space<vmem>>, vector<512x768xf32>
      tpu.vector_store %arg8[%swap3A_75, %swap3A_76], %add3A_74 {strides = array<i32>} : memref<512x768xf32, #tpu.memory_space<vmem>>, vector<512x768xf32>,
    } else {
    }
    return
  }
  func.func @transform_0(%arg0: i32) -> (i32, i32) {
    %c0_i32 = arith.constant 0 : i32
    %c0_i32_0 = arith.constant 0 : i32
    %c0_i32_1 = arith.constant 0 : i32
    return %c0_i32, %c0_i32_0 : i32, i32
  }
  func.func @transform_1(%arg0: i32) -> (i32, i32) {
    %c0_i32 = arith.constant 0 : i32
    %c0_i32_0 = arith.constant 0 : i32
    %c0_i32_1 = arith.constant 0 : i32
    return %c0_i32, %c0_i32_0 : i32, i32
  }
  func.func @transform_2(%arg0: i32) -> (i32, i32, i32) {
    %c0_i32 = arith.constant 0 : i32
    %c0_i32_0 = arith.constant 0 : i32
    %c0_i32_1 = arith.constant 0 : i32
    return %arg0, %c0_i32, %c0_i32_0 : i32, i32, i32
  }
  func.func @transform_3(%arg0: i32) -> (i32, i32) {
    %c0_i32 = arith.constant 0 : i32
    %c0_i32_0 = arith.constant 0 : i32
    %c0_i32_1 = arith.constant 0 : i32
    return %c0_i32, %c0_i32_0 : i32, i32
  }
  func.func @transform_4(%arg0: i32) -> (i32, i32) {
    %c0_i32 = arith.constant 0 : i32
    %c0_i32_0 = arith.constant 0 : i32
    %c0_i32_1 = arith.constant 0 : i32
    return %c0_i32, %c0_i32_0 : i32, i32
  }
  func.func @transform_5(%arg0: i32) -> (i32, i32) {
    %c0_i32 = arith.constant 0 : i32
    %c0_i32_0 = arith.constant 0 : i32
    %c0_i32_1 = arith.constant 0 : i32
    return %c0_i32, %c0_i32_0 : i32, i32
  }
  func.func @transform_6(%arg0: i32) -> (i32, i32) {
    %c0_i32 = arith.constant 0 : i32
    %c0_i32_0 = arith.constant 0 : i32
    %c0_i32_1 = arith.constant 0 : i32
    return %c0_i32, %c0_i32_0 : i32, i32
  }
  func.func @transform_7(%arg0: i32) -> (i32, i32) {
    %c0_i32 = arith.constant 0 : i32
    %c0_i32_0 = arith.constant 0 : i32
    %c0_i32_1 = arith.constant 0 : i32
    return %c0_i32, %c0_i32_0 : i32, i32
  }
}

module attributes {stable_mosaic.version = 14 : i64} {
  func.func @_lambda_(%arg0: i32, %arg1: memref<512x768xf32, #tpu.memory_space<vmem>>, %arg2: memref<768x768xf32, #tpu.memory_space<vmem>>, %arg3: memref<1x768xf32, #tpu.memory_space<vmem>>, %arg4: memref<768x768xf32, #tpu.memory_space<vmem>>, %arg5: memref<1x768xf32, #tpu.memory_space<vmem>>, %arg6: memref<768x768xf32, #tpu.memory_space<vmem>>, %arg7: memref<1x768xf32, #tpu.memory_space<vmem>>, %arg8: memref<768x768xf32, #tpu.memory_space<vmem>>, %arg9: memref<1x768xf32, #tpu.memory_space<vmem>>, %arg10: memref<512x768xf32, #tpu.memory_space<vmem>>, %arg11: memref<1x512xf32, #tpu.memory_space<vmem>>, %arg12: memref<768x512xf32, #tpu.memory_space<vmem>>, %arg13: memref<1x768xf32, #tpu.memory_space<vmem>>, %arg14: memref<1x768xf32, #tpu.memory_space<vmem>>, %arg15: memref<1x768xf32, #tpu.memory_space<vmem>>, %arg16: memref<1x768xf32, #tpu.memory_space<vmem>>, %arg17: memref<1x768xf32, #tpu.memory_space<vmem>>, %arg18: memref<768x768xf32, #tpu.memory_space<hbm>>, %arg19: memref<768x768xf32, #tpu.memory_space<hbm>>, %arg20: memref<768x768xf32, #tpu.memory_space<hbm>>, %arg21: memref<768x768xf32, #tpu.memory_space<hbm>>, %arg22: memref<1x768xf32, #tpu.memory_space<vmem>>, %arg23: memref<1x768xf32, #tpu.memory_space<vmem>>, %arg24: memref<1x768xf32, #tpu.memory_space<vmem>>, %arg25: memref<1x768xf32, #tpu.memory_space<vmem>>, %arg26: memref<512x768xf32, #tpu.memory_space<vmem>>, %arg27: memref<1x512xf32, #tpu.memory_space<vmem>>, %arg28: memref<768x512xf32, #tpu.memory_space<vmem>>, %arg29: memref<1x768xf32, #tpu.memory_space<vmem>>, %arg30: memref<1x768xf32, #tpu.memory_space<vmem>>, %arg31: memref<1x768xf32, #tpu.memory_space<vmem>>, %arg32: memref<1x768xf32, #tpu.memory_space<vmem>>, %arg33: memref<1x768xf32, #tpu.memory_space<vmem>>, %arg34: memref<512x768xf32, #tpu.memory_space<vmem>>, %arg35: memref<512x768xf32, #tpu.memory_space<vmem>>, %arg36: memref<512x768xf32, #tpu.memory_space<vmem>>, %arg37: memref<512x768xf32, #tpu.memory_space<vmem>>, %arg38: memref<4x768x768xf32, #tpu.memory_space<vmem>>, %arg39: memref<4x!tpu.dma_semaphore, #tpu.memory_space<semaphore_mem>>) attributes {dimension_semantics = [#tpu.dimension_semantics<arbitrary>], iteration_bounds = array<i64: 14>, scalar_prefetch = 0 : i64, scratch_operands = 5 : i64, tpu.core_type = #tpu.core_type<tc>, window_params = [{pipeline_mode = #tpu.pipeline_mode<synchronous>, transform_indices = @transform_0, window_bounds = array<i64: 512, 768>}, {pipeline_mode = #tpu.pipeline_mode<synchronous>, transform_indices = @transform_1, window_bounds = array<i64: 768, 768>}, {pipeline_mode = #tpu.pipeline_mode<synchronous>, transform_indices = @transform_2, window_bounds = array<i64: 1, 768>}, {pipeline_mode = #tpu.pipeline_mode<synchronous>, transform_indices = @transform_3, window_bounds = array<i64: 768, 768>}, {pipeline_mode = #tpu.pipeline_mode<synchronous>, transform_indices = @transform_4, window_bounds = array<i64: 1, 768>}, {pipeline_mode = #tpu.pipeline_mode<synchronous>, transform_indices = @transform_5, window_bounds = array<i64: 768, 768>}, {pipeline_mode = #tpu.pipeline_mode<synchronous>, transform_indices = @transform_6, window_bounds = array<i64: 1, 768>}, {pipeline_mode = #tpu.pipeline_mode<synchronous>, transform_indices = @transform_7, window_bounds = array<i64: 768, 768>}, {pipeline_mode = #tpu.pipeline_mode<synchronous>, transform_indices = @transform_8, window_bounds = array<i64: 1, 768>}, {transform_indices = @transform_9, window_bounds = array<i64: 512, 768>}, {transform_indices = @transform_10, window_bounds = array<i64: 1, 512>}, {transform_indices = @transform_11, window_bounds = array<i64: 768, 512>}, {pipeline_mode = #tpu.pipeline_mode<synchronous>, transform_indices = @transform_12, window_bounds = array<i64: 1, 768>}, {pipeline_mode = #tpu.pipeline_mode<synchronous>, transform_indices = @transform_13, window_bounds = array<i64: 1, 768>}, {pipeline_mode = #tpu.pipeline_mode<synchronous>, transform_indices = @transform_14, window_bounds = array<i64: 1, 768>}, {pipeline_mode = #tpu.pipeline_mode<synchronous>, transform_indices = @transform_15, window_bounds = array<i64: 1, 768>}, {pipeline_mode = #tpu.pipeline_mode<synchronous>, transform_indices = @transform_16, window_bounds = array<i64: 1, 768>}, {}, {}, {}, {}, {pipeline_mode = #tpu.pipeline_mode<synchronous>, transform_indices = @transform_21, window_bounds = array<i64: 1, 768>}, {pipeline_mode = #tpu.pipeline_mode<synchronous>, transform_indices = @transform_22, window_bounds = array<i64: 1, 768>}, {pipeline_mode = #tpu.pipeline_mode<synchronous>, transform_indices = @transform_23, window_bounds = array<i64: 1, 768>}, {pipeline_mode = #tpu.pipeline_mode<synchronous>, transform_indices = @transform_24, window_bounds = array<i64: 1, 768>}, {transform_indices = @transform_25, window_bounds = array<i64: 512, 768>}, {transform_indices = @transform_26, window_bounds = array<i64: 1, 512>}, {transform_indices = @transform_27, window_bounds = array<i64: 768, 512>}, {pipeline_mode = #tpu.pipeline_mode<synchronous>, transform_indices = @transform_28, window_bounds = array<i64: 1, 768>}, {pipeline_mode = #tpu.pipeline_mode<synchronous>, transform_indices = @transform_29, window_bounds = array<i64: 1, 768>}, {pipeline_mode = #tpu.pipeline_mode<synchronous>, transform_indices = @transform_30, window_bounds = array<i64: 1, 768>}, {pipeline_mode = #tpu.pipeline_mode<synchronous>, transform_indices = @transform_31, window_bounds = array<i64: 1, 768>}, {pipeline_mode = #tpu.pipeline_mode<synchronous>, transform_indices = @transform_32, window_bounds = array<i64: 1, 768>}, {pipeline_mode = #tpu.pipeline_mode<synchronous>, transform_indices = @transform_33, window_bounds = array<i64: 512, 768>}]} {
    %eq3A = arith.constant 0 : i32
    %eq3A_0 = arith.cmpi eq, %arg0, %eq3A : i32
    %convert_element_type3A = arith.extui %eq3A_0 : i1 to i32
    %cond3A = arith.constant 0 : i32
    %cond3A_1 = arith.cmpi ne, %convert_element_type3A, %cond3A : i32
    scf.if %cond3A_1 {
      %dma_start3A = arith.constant 0 : i32
      %dma_start3A_30 = arith.constant 0 : i32
      %dma_start3A_31 = tpu.memref_slice %arg39[%dma_start3A_30] : memref<4x!tpu.dma_semaphore, #tpu.memory_space<semaphore_mem>> -> memref<1x!tpu.dma_semaphore, #tpu.memory_space<semaphore_mem>>
      %dma_start3A_32 = tpu.memref_squeeze %dma_start3A_31 : memref<1x!tpu.dma_semaphore, #tpu.memory_space<semaphore_mem>> -> memref<!tpu.dma_semaphore, #tpu.memory_space<semaphore_mem>>
      %dma_start3A_33 = arith.constant 0 : i32
      %dma_start3A_34 = arith.constant 0 : i32
      %dma_start3A_35 = tpu.memref_slice %arg38[%dma_start3A, %dma_start3A_33, %dma_start3A_34] : memref<4x768x768xf32, #tpu.memory_space<vmem>> -> memref<1x768x768xf32, #tpu.memory_space<vmem>>
      %dma_start3A_36 = tpu.memref_squeeze %dma_start3A_35 : memref<1x768x768xf32, #tpu.memory_space<vmem>> -> memref<768x768xf32, #tpu.memory_space<vmem>>
      tpu.enqueue_dma source(%arg18 : memref<768x768xf32, #tpu.memory_space<hbm>>) target(%dma_start3A_36 : memref<768x768xf32, #tpu.memory_space<vmem>>) target_semaphore(%dma_start3A_32 : memref<!tpu.dma_semaphore, #tpu.memory_space<semaphore_mem>>)
      %dma_start3A_37 = arith.constant 1 : i32
      %dma_start3A_38 = arith.constant 1 : i32
      %dma_start3A_39 = tpu.memref_slice %arg39[%dma_start3A_38] : memref<4x!tpu.dma_semaphore, #tpu.memory_space<semaphore_mem>> -> memref<1x!tpu.dma_semaphore, #tpu.memory_space<semaphore_mem>>
      %dma_start3A_40 = tpu.memref_squeeze %dma_start3A_39 : memref<1x!tpu.dma_semaphore, #tpu.memory_space<semaphore_mem>> -> memref<!tpu.dma_semaphore, #tpu.memory_space<semaphore_mem>>
      %dma_start3A_41 = arith.constant 0 : i32
      %dma_start3A_42 = arith.constant 0 : i32
      %dma_start3A_43 = tpu.memref_slice %arg38[%dma_start3A_37, %dma_start3A_41, %dma_start3A_42] : memref<4x768x768xf32, #tpu.memory_space<vmem>> -> memref<1x768x768xf32, #tpu.memory_space<vmem>>
      %dma_start3A_44 = tpu.memref_squeeze %dma_start3A_43 : memref<1x768x768xf32, #tpu.memory_space<vmem>> -> memref<768x768xf32, #tpu.memory_space<vmem>>
      tpu.enqueue_dma source(%arg19 : memref<768x768xf32, #tpu.memory_space<hbm>>) target(%dma_start3A_44 : memref<768x768xf32, #tpu.memory_space<vmem>>) target_semaphore(%dma_start3A_40 : memref<!tpu.dma_semaphore, #tpu.memory_space<semaphore_mem>>)
      %dma_start3A_45 = arith.constant 2 : i32
      %dma_start3A_46 = arith.constant 2 : i32
      %dma_start3A_47 = tpu.memref_slice %arg39[%dma_start3A_46] : memref<4x!tpu.dma_semaphore, #tpu.memory_space<semaphore_mem>> -> memref<1x!tpu.dma_semaphore, #tpu.memory_space<semaphore_mem>>
      %dma_start3A_48 = tpu.memref_squeeze %dma_start3A_47 : memref<1x!tpu.dma_semaphore, #tpu.memory_space<semaphore_mem>> -> memref<!tpu.dma_semaphore, #tpu.memory_space<semaphore_mem>>
      %dma_start3A_49 = arith.constant 0 : i32
      %dma_start3A_50 = arith.constant 0 : i32
      %dma_start3A_51 = tpu.memref_slice %arg38[%dma_start3A_45, %dma_start3A_49, %dma_start3A_50] : memref<4x768x768xf32, #tpu.memory_space<vmem>> -> memref<1x768x768xf32, #tpu.memory_space<vmem>>
      %dma_start3A_52 = tpu.memref_squeeze %dma_start3A_51 : memref<1x768x768xf32, #tpu.memory_space<vmem>> -> memref<768x768xf32, #tpu.memory_space<vmem>>
      tpu.enqueue_dma source(%arg20 : memref<768x768xf32, #tpu.memory_space<hbm>>) target(%dma_start3A_52 : memref<768x768xf32, #tpu.memory_space<vmem>>) target_semaphore(%dma_start3A_48 : memref<!tpu.dma_semaphore, #tpu.memory_space<semaphore_mem>>)
      %dma_start3A_53 = arith.constant 3 : i32
      %dma_start3A_54 = arith.constant 3 : i32
      %dma_start3A_55 = tpu.memref_slice %arg39[%dma_start3A_54] : memref<4x!tpu.dma_semaphore, #tpu.memory_space<semaphore_mem>> -> memref<1x!tpu.dma_semaphore, #tpu.memory_space<semaphore_mem>>
      %dma_start3A_56 = tpu.memref_squeeze %dma_start3A_55 : memref<1x!tpu.dma_semaphore, #tpu.memory_space<semaphore_mem>> -> memref<!tpu.dma_semaphore, #tpu.memory_space<semaphore_mem>>
      %dma_start3A_57 = arith.constant 0 : i32
      %dma_start3A_58 = arith.constant 0 : i32
      %dma_start3A_59 = tpu.memref_slice %arg38[%dma_start3A_53, %dma_start3A_57, %dma_start3A_58] : memref<4x768x768xf32, #tpu.memory_space<vmem>> -> memref<1x768x768xf32, #tpu.memory_space<vmem>>
      %dma_start3A_60 = tpu.memref_squeeze %dma_start3A_59 : memref<1x768x768xf32, #tpu.memory_space<vmem>> -> memref<768x768xf32, #tpu.memory_space<vmem>>
      tpu.enqueue_dma source(%arg21 : memref<768x768xf32, #tpu.memory_space<hbm>>) target(%dma_start3A_60 : memref<768x768xf32, #tpu.memory_space<vmem>>) target_semaphore(%dma_start3A_56 : memref<!tpu.dma_semaphore, #tpu.memory_space<semaphore_mem>>)
      %get3A = arith.constant 0 : index
      %get3A_61 = arith.constant 0 : index
      %get3A_62 = vector.load %arg1[%get3A, %get3A_61] : memref<512x768xf32, #tpu.memory_space<vmem>>, vector<512x768xf32>
      %get3A_63 = arith.constant 0 : index
      %get3A_64 = arith.constant 0 : index
      %get3A_65 = vector.load %arg2[%get3A_63, %get3A_64] : memref<768x768xf32, #tpu.memory_space<vmem>>, vector<768x768xf32>
      %get3A_66 = arith.constant 0 : index
      %get3A_67 = arith.constant 0 : index
      %get3A_68 = vector.load %arg3[%get3A_66, %get3A_67] : memref<1x768xf32, #tpu.memory_space<vmem>>, vector<1x768xf32>
      %get3A_69 = arith.constant 0 : index
      %get3A_70 = arith.constant 0 : index
      %get3A_71 = vector.load %arg4[%get3A_69, %get3A_70] : memref<768x768xf32, #tpu.memory_space<vmem>>, vector<768x768xf32>
      %get3A_72 = arith.constant 0 : index
      %get3A_73 = arith.constant 0 : index
      %get3A_74 = vector.load %arg5[%get3A_72, %get3A_73] : memref<1x768xf32, #tpu.memory_space<vmem>>, vector<1x768xf32>
      %get3A_75 = arith.constant 0 : index
      %get3A_76 = arith.constant 0 : index
      %get3A_77 = vector.load %arg6[%get3A_75, %get3A_76] : memref<768x768xf32, #tpu.memory_space<vmem>>, vector<768x768xf32>
      %get3A_78 = arith.constant 0 : index
      %get3A_79 = arith.constant 0 : index
      %get3A_80 = vector.load %arg7[%get3A_78, %get3A_79] : memref<1x768xf32, #tpu.memory_space<vmem>>, vector<1x768xf32>
      %get3A_81 = arith.constant 0 : index
      %get3A_82 = arith.constant 0 : index
      %get3A_83 = vector.load %arg8[%get3A_81, %get3A_82] : memref<768x768xf32, #tpu.memory_space<vmem>>, vector<768x768xf32>
      %get3A_84 = arith.constant 0 : index
      %get3A_85 = arith.constant 0 : index
      %get3A_86 = vector.load %arg9[%get3A_84, %get3A_85] : memref<1x768xf32, #tpu.memory_space<vmem>>, vector<1x768xf32>
      %convert_element_type3A_87 = arith.truncf %get3A_62 : vector<512x768xf32> to vector<512x768xbf16>
      %convert_element_type3A_88 = arith.truncf %get3A_65 : vector<768x768xf32> to vector<768x768xbf16>
      %dot_general3A = arith.constant dense<0.000000e+00> : vector<512x768xf32>
      %dot_general3A_89 = tpu.matmul %convert_element_type3A_87, %convert_element_type3A_88, %dot_general3A {dimension_numbers = #tpu.dot_dimension_numbers<[1], [1], [0], [0], [0, 0, 1, 0], [], []>, transpose_lhs_hint = false} : vector<512x768xbf16>, vector<768x768xbf16>, vector<512x768xf32> -> vector<512x768xf32>
      %add3A = vector.broadcast %get3A_68 : vector<1x768xf32> to vector<512x768xf32>
      %add3A_90 = arith.addf %dot_general3A_89, %add3A : vector<512x768xf32>
      %convert_element_type3A_91 = arith.truncf %get3A_62 : vector<512x768xf32> to vector<512x768xbf16>
      %convert_element_type3A_92 = arith.truncf %get3A_71 : vector<768x768xf32> to vector<768x768xbf16>
      %dot_general3A_93 = arith.constant dense<0.000000e+00> : vector<512x768xf32>
      %dot_general3A_94 = tpu.matmul %convert_element_type3A_91, %convert_element_type3A_92, %dot_general3A_93 {dimension_numbers = #tpu.dot_dimension_numbers<[1], [1], [0], [0], [0, 0, 1, 0], [], []>, transpose_lhs_hint = false} : vector<512x768xbf16>, vector<768x768xbf16>, vector<512x768xf32> -> vector<512x768xf32>
      %add3A_95 = vector.broadcast %get3A_74 : vector<1x768xf32> to vector<512x768xf32>
      %add3A_96 = arith.addf %dot_general3A_94, %add3A_95 : vector<512x768xf32>
      %convert_element_type3A_97 = arith.truncf %get3A_62 : vector<512x768xf32> to vector<512x768xbf16>
      %convert_element_type3A_98 = arith.truncf %get3A_77 : vector<768x768xf32> to vector<768x768xbf16>
      %dot_general3A_99 = arith.constant dense<0.000000e+00> : vector<512x768xf32>
      %dot_general3A_100 = tpu.matmul %convert_element_type3A_97, %convert_element_type3A_98, %dot_general3A_99 {dimension_numbers = #tpu.dot_dimension_numbers<[1], [1], [0], [0], [0, 0, 1, 0], [], []>, transpose_lhs_hint = false} : vector<512x768xbf16>, vector<768x768xbf16>, vector<512x768xf32> -> vector<512x768xf32>
      %add3A_101 = vector.broadcast %get3A_80 : vector<1x768xf32> to vector<512x768xf32>
      %add3A_102 = arith.addf %dot_general3A_100, %add3A_101 : vector<512x768xf32>
      %iota3A = tpu.iota {dimensions = array<i32: 0>} : vector<512x512xi32>
      %iota3A_103 = tpu.iota {dimensions = array<i32: 1>} : vector<512x512xi32>
      %gt3A_104 = arith.cmpi sgt, %iota3A_103, %iota3A : vector<512x512xi32>
      %slice3A = vector.extract_strided_slice %add3A_90 {offsets = [0, 0], sizes = [512, 64], strides = [1, 1]} : vector<512x768xf32> to vector<512x64xf32>
      %slice3A_105 = vector.extract_strided_slice %add3A_96 {offsets = [0, 0], sizes = [512, 64], strides = [1, 1]} : vector<512x768xf32> to vector<512x64xf32>
      %convert_element_type3A_106 = arith.truncf %slice3A : vector<512x64xf32> to vector<512x64xbf16>
      %convert_element_type3A_107 = arith.truncf %slice3A_105 : vector<512x64xf32> to vector<512x64xbf16>
      %dot_general3A_108 = arith.constant dense<0.000000e+00> : vector<512x512xf32>
      %dot_general3A_109 = tpu.matmul %convert_element_type3A_106, %convert_element_type3A_107, %dot_general3A_108 {dimension_numbers = #tpu.dot_dimension_numbers<[1], [1], [0], [0], [0, 0, 1, 0], [], []>, transpose_lhs_hint = false} : vector<512x64xbf16>, vector<512x64xbf16>, vector<512x512xf32> -> vector<512x512xf32>
      %mul3A = arith.constant 1.250000e-01 : f32
      %mul3A_110 = vector.broadcast %mul3A : f32 to vector<512x512xf32>
      %mul3A_111 = arith.mulf %dot_general3A_109, %mul3A_110 : vector<512x512xf32>
      %jit3A = arith.constant -1.000000e+30 : f32
      %broadcast_in_dim3A = vector.broadcast %jit3A : f32 to vector<512x512xf32>
      %select_n3A = arith.select %gt3A_104, %broadcast_in_dim3A, %mul3A_111 : vector<512x512xi1>, vector<512x512xf32>
      %reduce_max3A = arith.constant dense<0xFF800000> : vector<512xf32>
      %reduce_max3A_112 = vector.multi_reduction <maximumf>, %select_n3A, %reduce_max3A [1] : vector<512x512xf32> to vector<512xf32>
      %broadcast_in_dim3A_113 = vector.shape_cast %reduce_max3A_112 : vector<512xf32> to vector<512x1xf32>
      %sub3A = vector.broadcast %broadcast_in_dim3A_113 : vector<512x1xf32> to vector<512x512xf32>
      %sub3A_114 = arith.subf %select_n3A, %sub3A : vector<512x512xf32>
      %exp3A = math.exp %sub3A_114 : vector<512x512xf32>
      %reduce_sum3A = arith.constant dense<0.000000e+00> : vector<512xf32>
      %reduce_sum3A_115 = vector.multi_reduction <add>, %exp3A, %reduce_sum3A [1] : vector<512x512xf32> to vector<512xf32>
      %broadcast_in_dim3A_116 = vector.shape_cast %reduce_sum3A_115 : vector<512xf32> to vector<512x1xf32>
      %div3A = arith.constant 1.000000e+00 : f32
      %div3A_117 = vector.broadcast %div3A : f32 to vector<512x1xf32>
      %div3A_118 = arith.divf %div3A_117, %broadcast_in_dim3A_116 : vector<512x1xf32>
      %mul3A_119 = vector.broadcast %div3A_118 : vector<512x1xf32> to vector<512x512xf32>
      %mul3A_120 = arith.mulf %exp3A, %mul3A_119 : vector<512x512xf32>
      %slice3A_121 = vector.extract_strided_slice %add3A_102 {offsets = [0, 0], sizes = [512, 64], strides = [1, 1]} : vector<512x768xf32> to vector<512x64xf32>
      %convert_element_type3A_122 = arith.truncf %mul3A_120 : vector<512x512xf32> to vector<512x512xbf16>
      %convert_element_type3A_123 = arith.truncf %slice3A_121 : vector<512x64xf32> to vector<512x64xbf16>
      %dot_general3A_124 = arith.constant dense<0.000000e+00> : vector<512x64xf32>
      %dot_general3A_125 = tpu.matmul %convert_element_type3A_122, %convert_element_type3A_123, %dot_general3A_124 {dimension_numbers = #tpu.dot_dimension_numbers<[1], [0], [0], [1], [0, 0, 1, 1], [], []>, transpose_lhs_hint = false} : vector<512x512xbf16>, vector<512x64xbf16>, vector<512x64xf32> -> vector<512x64xf32>
      %slice3A_126 = vector.extract_strided_slice %add3A_90 {offsets = [0, 64], sizes = [512, 64], strides = [1, 1]} : vector<512x768xf32> to vector<512x64xf32>
      %slice3A_127 = vector.extract_strided_slice %add3A_96 {offsets = [0, 64], sizes = [512, 64], strides = [1, 1]} : vector<512x768xf32> to vector<512x64xf32>
      %convert_element_type3A_128 = arith.truncf %slice3A_126 : vector<512x64xf32> to vector<512x64xbf16>
      %convert_element_type3A_129 = arith.truncf %slice3A_127 : vector<512x64xf32> to vector<512x64xbf16>
      %dot_general3A_130 = arith.constant dense<0.000000e+00> : vector<512x512xf32>
      %dot_general3A_131 = tpu.matmul %convert_element_type3A_128, %convert_element_type3A_129, %dot_general3A_130 {dimension_numbers = #tpu.dot_dimension_numbers<[1], [1], [0], [0], [0, 0, 1, 0], [], []>, transpose_lhs_hint = false} : vector<512x64xbf16>, vector<512x64xbf16>, vector<512x512xf32> -> vector<512x512xf32>
      %mul3A_132 = arith.constant 1.250000e-01 : f32
      %mul3A_133 = vector.broadcast %mul3A_132 : f32 to vector<512x512xf32>
      %mul3A_134 = arith.mulf %dot_general3A_131, %mul3A_133 : vector<512x512xf32>
      %jit3A_135 = arith.constant -1.000000e+30 : f32
      %broadcast_in_dim3A_136 = vector.broadcast %jit3A_135 : f32 to vector<512x512xf32>
      %select_n3A_137 = arith.select %gt3A_104, %broadcast_in_dim3A_136, %mul3A_134 : vector<512x512xi1>, vector<512x512xf32>
      %reduce_max3A_138 = arith.constant dense<0xFF800000> : vector<512xf32>
      %reduce_max3A_139 = vector.multi_reduction <maximumf>, %select_n3A_137, %reduce_max3A_138 [1] : vector<512x512xf32> to vector<512xf32>
      %broadcast_in_dim3A_140 = vector.shape_cast %reduce_max3A_139 : vector<512xf32> to vector<512x1xf32>
      %sub3A_141 = vector.broadcast %broadcast_in_dim3A_140 : vector<512x1xf32> to vector<512x512xf32>
      %sub3A_142 = arith.subf %select_n3A_137, %sub3A_141 : vector<512x512xf32>
      %exp3A_143 = math.exp %sub3A_142 : vector<512x512xf32>
      %reduce_sum3A_144 = arith.constant dense<0.000000e+00> : vector<512xf32>
      %reduce_sum3A_145 = vector.multi_reduction <add>, %exp3A_143, %reduce_sum3A_144 [1] : vector<512x512xf32> to vector<512xf32>
      %broadcast_in_dim3A_146 = vector.shape_cast %reduce_sum3A_145 : vector<512xf32> to vector<512x1xf32>
      %div3A_147 = arith.constant 1.000000e+00 : f32
      %div3A_148 = vector.broadcast %div3A_147 : f32 to vector<512x1xf32>
      %div3A_149 = arith.divf %div3A_148, %broadcast_in_dim3A_146 : vector<512x1xf32>
      %mul3A_150 = vector.broadcast %div3A_149 : vector<512x1xf32> to vector<512x512xf32>
      %mul3A_151 = arith.mulf %exp3A_143, %mul3A_150 : vector<512x512xf32>
      %slice3A_152 = vector.extract_strided_slice %add3A_102 {offsets = [0, 64], sizes = [512, 64], strides = [1, 1]} : vector<512x768xf32> to vector<512x64xf32>
      %convert_element_type3A_153 = arith.truncf %mul3A_151 : vector<512x512xf32> to vector<512x512xbf16>
      %convert_element_type3A_154 = arith.truncf %slice3A_152 : vector<512x64xf32> to vector<512x64xbf16>
      %dot_general3A_155 = arith.constant dense<0.000000e+00> : vector<512x64xf32>
      %dot_general3A_156 = tpu.matmul %convert_element_type3A_153, %convert_element_type3A_154, %dot_general3A_155 {dimension_numbers = #tpu.dot_dimension_numbers<[1], [0], [0], [1], [0, 0, 1, 1], [], []>, transpose_lhs_hint = false} : vector<512x512xbf16>, vector<512x64xbf16>, vector<512x64xf32> -> vector<512x64xf32>
      %slice3A_157 = vector.extract_strided_slice %add3A_90 {offsets = [0, 128], sizes = [512, 64], strides = [1, 1]} : vector<512x768xf32> to vector<512x64xf32>
      %slice3A_158 = vector.extract_strided_slice %add3A_96 {offsets = [0, 128], sizes = [512, 64], strides = [1, 1]} : vector<512x768xf32> to vector<512x64xf32>
      %convert_element_type3A_159 = arith.truncf %slice3A_157 : vector<512x64xf32> to vector<512x64xbf16>
      %convert_element_type3A_160 = arith.truncf %slice3A_158 : vector<512x64xf32> to vector<512x64xbf16>
      %dot_general3A_161 = arith.constant dense<0.000000e+00> : vector<512x512xf32>
      %dot_general3A_162 = tpu.matmul %convert_element_type3A_159, %convert_element_type3A_160, %dot_general3A_161 {dimension_numbers = #tpu.dot_dimension_numbers<[1], [1], [0], [0], [0, 0, 1, 0], [], []>, transpose_lhs_hint = false} : vector<512x64xbf16>, vector<512x64xbf16>, vector<512x512xf32> -> vector<512x512xf32>
      %mul3A_163 = arith.constant 1.250000e-01 : f32
      %mul3A_164 = vector.broadcast %mul3A_163 : f32 to vector<512x512xf32>
      %mul3A_165 = arith.mulf %dot_general3A_162, %mul3A_164 : vector<512x512xf32>
      %jit3A_166 = arith.constant -1.000000e+30 : f32
      %broadcast_in_dim3A_167 = vector.broadcast %jit3A_166 : f32 to vector<512x512xf32>
      %select_n3A_168 = arith.select %gt3A_104, %broadcast_in_dim3A_167, %mul3A_165 : vector<512x512xi1>, vector<512x512xf32>
      %reduce_max3A_169 = arith.constant dense<0xFF800000> : vector<512xf32>
      %reduce_max3A_170 = vector.multi_reduction <maximumf>, %select_n3A_168, %reduce_max3A_169 [1] : vector<512x512xf32> to vector<512xf32>
      %broadcast_in_dim3A_171 = vector.shape_cast %reduce_max3A_170 : vector<512xf32> to vector<512x1xf32>
      %sub3A_172 = vector.broadcast %broadcast_in_dim3A_171 : vector<512x1xf32> to vector<512x512xf32>
      %sub3A_173 = arith.subf %select_n3A_168, %sub3A_172 : vector<512x512xf32>
      %exp3A_174 = math.exp %sub3A_173 : vector<512x512xf32>
      %reduce_sum3A_175 = arith.constant dense<0.000000e+00> : vector<512xf32>
      %reduce_sum3A_176 = vector.multi_reduction <add>, %exp3A_174, %reduce_sum3A_175 [1] : vector<512x512xf32> to vector<512xf32>
      %broadcast_in_dim3A_177 = vector.shape_cast %reduce_sum3A_176 : vector<512xf32> to vector<512x1xf32>
      %div3A_178 = arith.constant 1.000000e+00 : f32
      %div3A_179 = vector.broadcast %div3A_178 : f32 to vector<512x1xf32>
      %div3A_180 = arith.divf %div3A_179, %broadcast_in_dim3A_177 : vector<512x1xf32>
      %mul3A_181 = vector.broadcast %div3A_180 : vector<512x1xf32> to vector<512x512xf32>
      %mul3A_182 = arith.mulf %exp3A_174, %mul3A_181 : vector<512x512xf32>
      %slice3A_183 = vector.extract_strided_slice %add3A_102 {offsets = [0, 128], sizes = [512, 64], strides = [1, 1]} : vector<512x768xf32> to vector<512x64xf32>
      %convert_element_type3A_184 = arith.truncf %mul3A_182 : vector<512x512xf32> to vector<512x512xbf16>
      %convert_element_type3A_185 = arith.truncf %slice3A_183 : vector<512x64xf32> to vector<512x64xbf16>
      %dot_general3A_186 = arith.constant dense<0.000000e+00> : vector<512x64xf32>
      %dot_general3A_187 = tpu.matmul %convert_element_type3A_184, %convert_element_type3A_185, %dot_general3A_186 {dimension_numbers = #tpu.dot_dimension_numbers<[1], [0], [0], [1], [0, 0, 1, 1], [], []>, transpose_lhs_hint = false} : vector<512x512xbf16>, vector<512x64xbf16>, vector<512x64xf32> -> vector<512x64xf32>
      %slice3A_188 = vector.extract_strided_slice %add3A_90 {offsets = [0, 192], sizes = [512, 64], strides = [1, 1]} : vector<512x768xf32> to vector<512x64xf32>
      %slice3A_189 = vector.extract_strided_slice %add3A_96 {offsets = [0, 192], sizes = [512, 64], strides = [1, 1]} : vector<512x768xf32> to vector<512x64xf32>
      %convert_element_type3A_190 = arith.truncf %slice3A_188 : vector<512x64xf32> to vector<512x64xbf16>
      %convert_element_type3A_191 = arith.truncf %slice3A_189 : vector<512x64xf32> to vector<512x64xbf16>
      %dot_general3A_192 = arith.constant dense<0.000000e+00> : vector<512x512xf32>
      %dot_general3A_193 = tpu.matmul %convert_element_type3A_190, %convert_element_type3A_191, %dot_general3A_192 {dimension_numbers = #tpu.dot_dimension_numbers<[1], [1], [0], [0], [0, 0, 1, 0], [], []>, transpose_lhs_hint = false} : vector<512x64xbf16>, vector<512x64xbf16>, vector<512x512xf32> -> vector<512x512xf32>
      %mul3A_194 = arith.constant 1.250000e-01 : f32
      %mul3A_195 = vector.broadcast %mul3A_194 : f32 to vector<512x512xf32>
      %mul3A_196 = arith.mulf %dot_general3A_193, %mul3A_195 : vector<512x512xf32>
      %jit3A_197 = arith.constant -1.000000e+30 : f32
      %broadcast_in_dim3A_198 = vector.broadcast %jit3A_197 : f32 to vector<512x512xf32>
      %select_n3A_199 = arith.select %gt3A_104, %broadcast_in_dim3A_198, %mul3A_196 : vector<512x512xi1>, vector<512x512xf32>
      %reduce_max3A_200 = arith.constant dense<0xFF800000> : vector<512xf32>
      %reduce_max3A_201 = vector.multi_reduction <maximumf>, %select_n3A_199, %reduce_max3A_200 [1] : vector<512x512xf32> to vector<512xf32>
      %broadcast_in_dim3A_202 = vector.shape_cast %reduce_max3A_201 : vector<512xf32> to vector<512x1xf32>
      %sub3A_203 = vector.broadcast %broadcast_in_dim3A_202 : vector<512x1xf32> to vector<512x512xf32>
      %sub3A_204 = arith.subf %select_n3A_199, %sub3A_203 : vector<512x512xf32>
      %exp3A_205 = math.exp %sub3A_204 : vector<512x512xf32>
      %reduce_sum3A_206 = arith.constant dense<0.000000e+00> : vector<512xf32>
      %reduce_sum3A_207 = vector.multi_reduction <add>, %exp3A_205, %reduce_sum3A_206 [1] : vector<512x512xf32> to vector<512xf32>
      %broadcast_in_dim3A_208 = vector.shape_cast %reduce_sum3A_207 : vector<512xf32> to vector<512x1xf32>
      %div3A_209 = arith.constant 1.000000e+00 : f32
      %div3A_210 = vector.broadcast %div3A_209 : f32 to vector<512x1xf32>
      %div3A_211 = arith.divf %div3A_210, %broadcast_in_dim3A_208 : vector<512x1xf32>
      %mul3A_212 = vector.broadcast %div3A_211 : vector<512x1xf32> to vector<512x512xf32>
      %mul3A_213 = arith.mulf %exp3A_205, %mul3A_212 : vector<512x512xf32>
      %slice3A_214 = vector.extract_strided_slice %add3A_102 {offsets = [0, 192], sizes = [512, 64], strides = [1, 1]} : vector<512x768xf32> to vector<512x64xf32>
      %convert_element_type3A_215 = arith.truncf %mul3A_213 : vector<512x512xf32> to vector<512x512xbf16>
      %convert_element_type3A_216 = arith.truncf %slice3A_214 : vector<512x64xf32> to vector<512x64xbf16>
      %dot_general3A_217 = arith.constant dense<0.000000e+00> : vector<512x64xf32>
      %dot_general3A_218 = tpu.matmul %convert_element_type3A_215, %convert_element_type3A_216, %dot_general3A_217 {dimension_numbers = #tpu.dot_dimension_numbers<[1], [0], [0], [1], [0, 0, 1, 1], [], []>, transpose_lhs_hint = false} : vector<512x512xbf16>, vector<512x64xbf16>, vector<512x64xf32> -> vector<512x64xf32>
      %slice3A_219 = vector.extract_strided_slice %add3A_90 {offsets = [0, 256], sizes = [512, 64], strides = [1, 1]} : vector<512x768xf32> to vector<512x64xf32>
      %slice3A_220 = vector.extract_strided_slice %add3A_96 {offsets = [0, 256], sizes = [512, 64], strides = [1, 1]} : vector<512x768xf32> to vector<512x64xf32>
      %convert_element_type3A_221 = arith.truncf %slice3A_219 : vector<512x64xf32> to vector<512x64xbf16>
      %convert_element_type3A_222 = arith.truncf %slice3A_220 : vector<512x64xf32> to vector<512x64xbf16>
      %dot_general3A_223 = arith.constant dense<0.000000e+00> : vector<512x512xf32>
      %dot_general3A_224 = tpu.matmul %convert_element_type3A_221, %convert_element_type3A_222, %dot_general3A_223 {dimension_numbers = #tpu.dot_dimension_numbers<[1], [1], [0], [0], [0, 0, 1, 0], [], []>, transpose_lhs_hint = false} : vector<512x64xbf16>, vector<512x64xbf16>, vector<512x512xf32> -> vector<512x512xf32>
      %mul3A_225 = arith.constant 1.250000e-01 : f32
      %mul3A_226 = vector.broadcast %mul3A_225 : f32 to vector<512x512xf32>
      %mul3A_227 = arith.mulf %dot_general3A_224, %mul3A_226 : vector<512x512xf32>
      %jit3A_228 = arith.constant -1.000000e+30 : f32
      %broadcast_in_dim3A_229 = vector.broadcast %jit3A_228 : f32 to vector<512x512xf32>
      %select_n3A_230 = arith.select %gt3A_104, %broadcast_in_dim3A_229, %mul3A_227 : vector<512x512xi1>, vector<512x512xf32>
      %reduce_max3A_231 = arith.constant dense<0xFF800000> : vector<512xf32>
      %reduce_max3A_232 = vector.multi_reduction <maximumf>, %select_n3A_230, %reduce_max3A_231 [1] : vector<512x512xf32> to vector<512xf32>
      %broadcast_in_dim3A_233 = vector.shape_cast %reduce_max3A_232 : vector<512xf32> to vector<512x1xf32>
      %sub3A_234 = vector.broadcast %broadcast_in_dim3A_233 : vector<512x1xf32> to vector<512x512xf32>
      %sub3A_235 = arith.subf %select_n3A_230, %sub3A_234 : vector<512x512xf32>
      %exp3A_236 = math.exp %sub3A_235 : vector<512x512xf32>
      %reduce_sum3A_237 = arith.constant dense<0.000000e+00> : vector<512xf32>
      %reduce_sum3A_238 = vector.multi_reduction <add>, %exp3A_236, %reduce_sum3A_237 [1] : vector<512x512xf32> to vector<512xf32>
      %broadcast_in_dim3A_239 = vector.shape_cast %reduce_sum3A_238 : vector<512xf32> to vector<512x1xf32>
      %div3A_240 = arith.constant 1.000000e+00 : f32
      %div3A_241 = vector.broadcast %div3A_240 : f32 to vector<512x1xf32>
      %div3A_242 = arith.divf %div3A_241, %broadcast_in_dim3A_239 : vector<512x1xf32>
      %mul3A_243 = vector.broadcast %div3A_242 : vector<512x1xf32> to vector<512x512xf32>
      %mul3A_244 = arith.mulf %exp3A_236, %mul3A_243 : vector<512x512xf32>
      %slice3A_245 = vector.extract_strided_slice %add3A_102 {offsets = [0, 256], sizes = [512, 64], strides = [1, 1]} : vector<512x768xf32> to vector<512x64xf32>
      %convert_element_type3A_246 = arith.truncf %mul3A_244 : vector<512x512xf32> to vector<512x512xbf16>
      %convert_element_type3A_247 = arith.truncf %slice3A_245 : vector<512x64xf32> to vector<512x64xbf16>
      %dot_general3A_248 = arith.constant dense<0.000000e+00> : vector<512x64xf32>
      %dot_general3A_249 = tpu.matmul %convert_element_type3A_246, %convert_element_type3A_247, %dot_general3A_248 {dimension_numbers = #tpu.dot_dimension_numbers<[1], [0], [0], [1], [0, 0, 1, 1], [], []>, transpose_lhs_hint = false} : vector<512x512xbf16>, vector<512x64xbf16>, vector<512x64xf32> -> vector<512x64xf32>
      %slice3A_250 = vector.extract_strided_slice %add3A_90 {offsets = [0, 320], sizes = [512, 64], strides = [1, 1]} : vector<512x768xf32> to vector<512x64xf32>
      %slice3A_251 = vector.extract_strided_slice %add3A_96 {offsets = [0, 320], sizes = [512, 64], strides = [1, 1]} : vector<512x768xf32> to vector<512x64xf32>
      %convert_element_type3A_252 = arith.truncf %slice3A_250 : vector<512x64xf32> to vector<512x64xbf16>
      %convert_element_type3A_253 = arith.truncf %slice3A_251 : vector<512x64xf32> to vector<512x64xbf16>
      %dot_general3A_254 = arith.constant dense<0.000000e+00> : vector<512x512xf32>
      %dot_general3A_255 = tpu.matmul %convert_element_type3A_252, %convert_element_type3A_253, %dot_general3A_254 {dimension_numbers = #tpu.dot_dimension_numbers<[1], [1], [0], [0], [0, 0, 1, 0], [], []>, transpose_lhs_hint = false} : vector<512x64xbf16>, vector<512x64xbf16>, vector<512x512xf32> -> vector<512x512xf32>
      %mul3A_256 = arith.constant 1.250000e-01 : f32
      %mul3A_257 = vector.broadcast %mul3A_256 : f32 to vector<512x512xf32>
      %mul3A_258 = arith.mulf %dot_general3A_255, %mul3A_257 : vector<512x512xf32>
      %jit3A_259 = arith.constant -1.000000e+30 : f32
      %broadcast_in_dim3A_260 = vector.broadcast %jit3A_259 : f32 to vector<512x512xf32>
      %select_n3A_261 = arith.select %gt3A_104, %broadcast_in_dim3A_260, %mul3A_258 : vector<512x512xi1>, vector<512x512xf32>
      %reduce_max3A_262 = arith.constant dense<0xFF800000> : vector<512xf32>
      %reduce_max3A_263 = vector.multi_reduction <maximumf>, %select_n3A_261, %reduce_max3A_262 [1] : vector<512x512xf32> to vector<512xf32>
      %broadcast_in_dim3A_264 = vector.shape_cast %reduce_max3A_263 : vector<512xf32> to vector<512x1xf32>
      %sub3A_265 = vector.broadcast %broadcast_in_dim3A_264 : vector<512x1xf32> to vector<512x512xf32>
      %sub3A_266 = arith.subf %select_n3A_261, %sub3A_265 : vector<512x512xf32>
      %exp3A_267 = math.exp %sub3A_266 : vector<512x512xf32>
      %reduce_sum3A_268 = arith.constant dense<0.000000e+00> : vector<512xf32>
      %reduce_sum3A_269 = vector.multi_reduction <add>, %exp3A_267, %reduce_sum3A_268 [1] : vector<512x512xf32> to vector<512xf32>
      %broadcast_in_dim3A_270 = vector.shape_cast %reduce_sum3A_269 : vector<512xf32> to vector<512x1xf32>
      %div3A_271 = arith.constant 1.000000e+00 : f32
      %div3A_272 = vector.broadcast %div3A_271 : f32 to vector<512x1xf32>
      %div3A_273 = arith.divf %div3A_272, %broadcast_in_dim3A_270 : vector<512x1xf32>
      %mul3A_274 = vector.broadcast %div3A_273 : vector<512x1xf32> to vector<512x512xf32>
      %mul3A_275 = arith.mulf %exp3A_267, %mul3A_274 : vector<512x512xf32>
      %slice3A_276 = vector.extract_strided_slice %add3A_102 {offsets = [0, 320], sizes = [512, 64], strides = [1, 1]} : vector<512x768xf32> to vector<512x64xf32>
      %convert_element_type3A_277 = arith.truncf %mul3A_275 : vector<512x512xf32> to vector<512x512xbf16>
      %convert_element_type3A_278 = arith.truncf %slice3A_276 : vector<512x64xf32> to vector<512x64xbf16>
      %dot_general3A_279 = arith.constant dense<0.000000e+00> : vector<512x64xf32>
      %dot_general3A_280 = tpu.matmul %convert_element_type3A_277, %convert_element_type3A_278, %dot_general3A_279 {dimension_numbers = #tpu.dot_dimension_numbers<[1], [0], [0], [1], [0, 0, 1, 1], [], []>, transpose_lhs_hint = false} : vector<512x512xbf16>, vector<512x64xbf16>, vector<512x64xf32> -> vector<512x64xf32>
      %slice3A_281 = vector.extract_strided_slice %add3A_90 {offsets = [0, 384], sizes = [512, 64], strides = [1, 1]} : vector<512x768xf32> to vector<512x64xf32>
      %slice3A_282 = vector.extract_strided_slice %add3A_96 {offsets = [0, 384], sizes = [512, 64], strides = [1, 1]} : vector<512x768xf32> to vector<512x64xf32>
      %convert_element_type3A_283 = arith.truncf %slice3A_281 : vector<512x64xf32> to vector<512x64xbf16>
      %convert_element_type3A_284 = arith.truncf %slice3A_282 : vector<512x64xf32> to vector<512x64xbf16>
      %dot_general3A_285 = arith.constant dense<0.000000e+00> : vector<512x512xf32>
      %dot_general3A_286 = tpu.matmul %convert_element_type3A_283, %convert_element_type3A_284, %dot_general3A_285 {dimension_numbers = #tpu.dot_dimension_numbers<[1], [1], [0], [0], [0, 0, 1, 0], [], []>, transpose_lhs_hint = false} : vector<512x64xbf16>, vector<512x64xbf16>, vector<512x512xf32> -> vector<512x512xf32>
      %mul3A_287 = arith.constant 1.250000e-01 : f32
      %mul3A_288 = vector.broadcast %mul3A_287 : f32 to vector<512x512xf32>
      %mul3A_289 = arith.mulf %dot_general3A_286, %mul3A_288 : vector<512x512xf32>
      %jit3A_290 = arith.constant -1.000000e+30 : f32
      %broadcast_in_dim3A_291 = vector.broadcast %jit3A_290 : f32 to vector<512x512xf32>
      %select_n3A_292 = arith.select %gt3A_104, %broadcast_in_dim3A_291, %mul3A_289 : vector<512x512xi1>, vector<512x512xf32>
      %reduce_max3A_293 = arith.constant dense<0xFF800000> : vector<512xf32>
      %reduce_max3A_294 = vector.multi_reduction <maximumf>, %select_n3A_292, %reduce_max3A_293 [1] : vector<512x512xf32> to vector<512xf32>
      %broadcast_in_dim3A_295 = vector.shape_cast %reduce_max3A_294 : vector<512xf32> to vector<512x1xf32>
      %sub3A_296 = vector.broadcast %broadcast_in_dim3A_295 : vector<512x1xf32> to vector<512x512xf32>
      %sub3A_297 = arith.subf %select_n3A_292, %sub3A_296 : vector<512x512xf32>
      %exp3A_298 = math.exp %sub3A_297 : vector<512x512xf32>
      %reduce_sum3A_299 = arith.constant dense<0.000000e+00> : vector<512xf32>
      %reduce_sum3A_300 = vector.multi_reduction <add>, %exp3A_298, %reduce_sum3A_299 [1] : vector<512x512xf32> to vector<512xf32>
      %broadcast_in_dim3A_301 = vector.shape_cast %reduce_sum3A_300 : vector<512xf32> to vector<512x1xf32>
      %div3A_302 = arith.constant 1.000000e+00 : f32
      %div3A_303 = vector.broadcast %div3A_302 : f32 to vector<512x1xf32>
      %div3A_304 = arith.divf %div3A_303, %broadcast_in_dim3A_301 : vector<512x1xf32>
      %mul3A_305 = vector.broadcast %div3A_304 : vector<512x1xf32> to vector<512x512xf32>
      %mul3A_306 = arith.mulf %exp3A_298, %mul3A_305 : vector<512x512xf32>
      %slice3A_307 = vector.extract_strided_slice %add3A_102 {offsets = [0, 384], sizes = [512, 64], strides = [1, 1]} : vector<512x768xf32> to vector<512x64xf32>
      %convert_element_type3A_308 = arith.truncf %mul3A_306 : vector<512x512xf32> to vector<512x512xbf16>
      %convert_element_type3A_309 = arith.truncf %slice3A_307 : vector<512x64xf32> to vector<512x64xbf16>
      %dot_general3A_310 = arith.constant dense<0.000000e+00> : vector<512x64xf32>
      %dot_general3A_311 = tpu.matmul %convert_element_type3A_308, %convert_element_type3A_309, %dot_general3A_310 {dimension_numbers = #tpu.dot_dimension_numbers<[1], [0], [0], [1], [0, 0, 1, 1], [], []>, transpose_lhs_hint = false} : vector<512x512xbf16>, vector<512x64xbf16>, vector<512x64xf32> -> vector<512x64xf32>
      %slice3A_312 = vector.extract_strided_slice %add3A_90 {offsets = [0, 448], sizes = [512, 64], strides = [1, 1]} : vector<512x768xf32> to vector<512x64xf32>
      %slice3A_313 = vector.extract_strided_slice %add3A_96 {offsets = [0, 448], sizes = [512, 64], strides = [1, 1]} : vector<512x768xf32> to vector<512x64xf32>
      %convert_element_type3A_314 = arith.truncf %slice3A_312 : vector<512x64xf32> to vector<512x64xbf16>
      %convert_element_type3A_315 = arith.truncf %slice3A_313 : vector<512x64xf32> to vector<512x64xbf16>
      %dot_general3A_316 = arith.constant dense<0.000000e+00> : vector<512x512xf32>
      %dot_general3A_317 = tpu.matmul %convert_element_type3A_314, %convert_element_type3A_315, %dot_general3A_316 {dimension_numbers = #tpu.dot_dimension_numbers<[1], [1], [0], [0], [0, 0, 1, 0], [], []>, transpose_lhs_hint = false} : vector<512x64xbf16>, vector<512x64xbf16>, vector<512x512xf32> -> vector<512x512xf32>
      %mul3A_318 = arith.constant 1.250000e-01 : f32
      %mul3A_319 = vector.broadcast %mul3A_318 : f32 to vector<512x512xf32>
      %mul3A_320 = arith.mulf %dot_general3A_317, %mul3A_319 : vector<512x512xf32>
      %jit3A_321 = arith.constant -1.000000e+30 : f32
      %broadcast_in_dim3A_322 = vector.broadcast %jit3A_321 : f32 to vector<512x512xf32>
      %select_n3A_323 = arith.select %gt3A_104, %broadcast_in_dim3A_322, %mul3A_320 : vector<512x512xi1>, vector<512x512xf32>
      %reduce_max3A_324 = arith.constant dense<0xFF800000> : vector<512xf32>
      %reduce_max3A_325 = vector.multi_reduction <maximumf>, %select_n3A_323, %reduce_max3A_324 [1] : vector<512x512xf32> to vector<512xf32>
      %broadcast_in_dim3A_326 = vector.shape_cast %reduce_max3A_325 : vector<512xf32> to vector<512x1xf32>
      %sub3A_327 = vector.broadcast %broadcast_in_dim3A_326 : vector<512x1xf32> to vector<512x512xf32>
      %sub3A_328 = arith.subf %select_n3A_323, %sub3A_327 : vector<512x512xf32>
      %exp3A_329 = math.exp %sub3A_328 : vector<512x512xf32>
      %reduce_sum3A_330 = arith.constant dense<0.000000e+00> : vector<512xf32>
      %reduce_sum3A_331 = vector.multi_reduction <add>, %exp3A_329, %reduce_sum3A_330 [1] : vector<512x512xf32> to vector<512xf32>
      %broadcast_in_dim3A_332 = vector.shape_cast %reduce_sum3A_331 : vector<512xf32> to vector<512x1xf32>
      %div3A_333 = arith.constant 1.000000e+00 : f32
      %div3A_334 = vector.broadcast %div3A_333 : f32 to vector<512x1xf32>
      %div3A_335 = arith.divf %div3A_334, %broadcast_in_dim3A_332 : vector<512x1xf32>
      %mul3A_336 = vector.broadcast %div3A_335 : vector<512x1xf32> to vector<512x512xf32>
      %mul3A_337 = arith.mulf %exp3A_329, %mul3A_336 : vector<512x512xf32>
      %slice3A_338 = vector.extract_strided_slice %add3A_102 {offsets = [0, 448], sizes = [512, 64], strides = [1, 1]} : vector<512x768xf32> to vector<512x64xf32>
      %convert_element_type3A_339 = arith.truncf %mul3A_337 : vector<512x512xf32> to vector<512x512xbf16>
      %convert_element_type3A_340 = arith.truncf %slice3A_338 : vector<512x64xf32> to vector<512x64xbf16>
      %dot_general3A_341 = arith.constant dense<0.000000e+00> : vector<512x64xf32>
      %dot_general3A_342 = tpu.matmul %convert_element_type3A_339, %convert_element_type3A_340, %dot_general3A_341 {dimension_numbers = #tpu.dot_dimension_numbers<[1], [0], [0], [1], [0, 0, 1, 1], [], []>, transpose_lhs_hint = false} : vector<512x512xbf16>, vector<512x64xbf16>, vector<512x64xf32> -> vector<512x64xf32>
      %slice3A_343 = vector.extract_strided_slice %add3A_90 {offsets = [0, 512], sizes = [512, 64], strides = [1, 1]} : vector<512x768xf32> to vector<512x64xf32>
      %slice3A_344 = vector.extract_strided_slice %add3A_96 {offsets = [0, 512], sizes = [512, 64], strides = [1, 1]} : vector<512x768xf32> to vector<512x64xf32>
      %convert_element_type3A_345 = arith.truncf %slice3A_343 : vector<512x64xf32> to vector<512x64xbf16>
      %convert_element_type3A_346 = arith.truncf %slice3A_344 : vector<512x64xf32> to vector<512x64xbf16>
      %dot_general3A_347 = arith.constant dense<0.000000e+00> : vector<512x512xf32>
      %dot_general3A_348 = tpu.matmul %convert_element_type3A_345, %convert_element_type3A_346, %dot_general3A_347 {dimension_numbers = #tpu.dot_dimension_numbers<[1], [1], [0], [0], [0, 0, 1, 0], [], []>, transpose_lhs_hint = false} : vector<512x64xbf16>, vector<512x64xbf16>, vector<512x512xf32> -> vector<512x512xf32>
      %mul3A_349 = arith.constant 1.250000e-01 : f32
      %mul3A_350 = vector.broadcast %mul3A_349 : f32 to vector<512x512xf32>
      %mul3A_351 = arith.mulf %dot_general3A_348, %mul3A_350 : vector<512x512xf32>
      %jit3A_352 = arith.constant -1.000000e+30 : f32
      %broadcast_in_dim3A_353 = vector.broadcast %jit3A_352 : f32 to vector<512x512xf32>
      %select_n3A_354 = arith.select %gt3A_104, %broadcast_in_dim3A_353, %mul3A_351 : vector<512x512xi1>, vector<512x512xf32>
      %reduce_max3A_355 = arith.constant dense<0xFF800000> : vector<512xf32>
      %reduce_max3A_356 = vector.multi_reduction <maximumf>, %select_n3A_354, %reduce_max3A_355 [1] : vector<512x512xf32> to vector<512xf32>
      %broadcast_in_dim3A_357 = vector.shape_cast %reduce_max3A_356 : vector<512xf32> to vector<512x1xf32>
      %sub3A_358 = vector.broadcast %broadcast_in_dim3A_357 : vector<512x1xf32> to vector<512x512xf32>
      %sub3A_359 = arith.subf %select_n3A_354, %sub3A_358 : vector<512x512xf32>
      %exp3A_360 = math.exp %sub3A_359 : vector<512x512xf32>
      %reduce_sum3A_361 = arith.constant dense<0.000000e+00> : vector<512xf32>
      %reduce_sum3A_362 = vector.multi_reduction <add>, %exp3A_360, %reduce_sum3A_361 [1] : vector<512x512xf32> to vector<512xf32>
      %broadcast_in_dim3A_363 = vector.shape_cast %reduce_sum3A_362 : vector<512xf32> to vector<512x1xf32>
      %div3A_364 = arith.constant 1.000000e+00 : f32
      %div3A_365 = vector.broadcast %div3A_364 : f32 to vector<512x1xf32>
      %div3A_366 = arith.divf %div3A_365, %broadcast_in_dim3A_363 : vector<512x1xf32>
      %mul3A_367 = vector.broadcast %div3A_366 : vector<512x1xf32> to vector<512x512xf32>
      %mul3A_368 = arith.mulf %exp3A_360, %mul3A_367 : vector<512x512xf32>
      %slice3A_369 = vector.extract_strided_slice %add3A_102 {offsets = [0, 512], sizes = [512, 64], strides = [1, 1]} : vector<512x768xf32> to vector<512x64xf32>
      %convert_element_type3A_370 = arith.truncf %mul3A_368 : vector<512x512xf32> to vector<512x512xbf16>
      %convert_element_type3A_371 = arith.truncf %slice3A_369 : vector<512x64xf32> to vector<512x64xbf16>
      %dot_general3A_372 = arith.constant dense<0.000000e+00> : vector<512x64xf32>
      %dot_general3A_373 = tpu.matmul %convert_element_type3A_370, %convert_element_type3A_371, %dot_general3A_372 {dimension_numbers = #tpu.dot_dimension_numbers<[1], [0], [0], [1], [0, 0, 1, 1], [], []>, transpose_lhs_hint = false} : vector<512x512xbf16>, vector<512x64xbf16>, vector<512x64xf32> -> vector<512x64xf32>
      %slice3A_374 = vector.extract_strided_slice %add3A_90 {offsets = [0, 576], sizes = [512, 64], strides = [1, 1]} : vector<512x768xf32> to vector<512x64xf32>
      %slice3A_375 = vector.extract_strided_slice %add3A_96 {offsets = [0, 576], sizes = [512, 64], strides = [1, 1]} : vector<512x768xf32> to vector<512x64xf32>
      %convert_element_type3A_376 = arith.truncf %slice3A_374 : vector<512x64xf32> to vector<512x64xbf16>
      %convert_element_type3A_377 = arith.truncf %slice3A_375 : vector<512x64xf32> to vector<512x64xbf16>
      %dot_general3A_378 = arith.constant dense<0.000000e+00> : vector<512x512xf32>
      %dot_general3A_379 = tpu.matmul %convert_element_type3A_376, %convert_element_type3A_377, %dot_general3A_378 {dimension_numbers = #tpu.dot_dimension_numbers<[1], [1], [0], [0], [0, 0, 1, 0], [], []>, transpose_lhs_hint = false} : vector<512x64xbf16>, vector<512x64xbf16>, vector<512x512xf32> -> vector<512x512xf32>
      %mul3A_380 = arith.constant 1.250000e-01 : f32
      %mul3A_381 = vector.broadcast %mul3A_380 : f32 to vector<512x512xf32>
      %mul3A_382 = arith.mulf %dot_general3A_379, %mul3A_381 : vector<512x512xf32>
      %jit3A_383 = arith.constant -1.000000e+30 : f32
      %broadcast_in_dim3A_384 = vector.broadcast %jit3A_383 : f32 to vector<512x512xf32>
      %select_n3A_385 = arith.select %gt3A_104, %broadcast_in_dim3A_384, %mul3A_382 : vector<512x512xi1>, vector<512x512xf32>
      %reduce_max3A_386 = arith.constant dense<0xFF800000> : vector<512xf32>
      %reduce_max3A_387 = vector.multi_reduction <maximumf>, %select_n3A_385, %reduce_max3A_386 [1] : vector<512x512xf32> to vector<512xf32>
      %broadcast_in_dim3A_388 = vector.shape_cast %reduce_max3A_387 : vector<512xf32> to vector<512x1xf32>
      %sub3A_389 = vector.broadcast %broadcast_in_dim3A_388 : vector<512x1xf32> to vector<512x512xf32>
      %sub3A_390 = arith.subf %select_n3A_385, %sub3A_389 : vector<512x512xf32>
      %exp3A_391 = math.exp %sub3A_390 : vector<512x512xf32>
      %reduce_sum3A_392 = arith.constant dense<0.000000e+00> : vector<512xf32>
      %reduce_sum3A_393 = vector.multi_reduction <add>, %exp3A_391, %reduce_sum3A_392 [1] : vector<512x512xf32> to vector<512xf32>
      %broadcast_in_dim3A_394 = vector.shape_cast %reduce_sum3A_393 : vector<512xf32> to vector<512x1xf32>
      %div3A_395 = arith.constant 1.000000e+00 : f32
      %div3A_396 = vector.broadcast %div3A_395 : f32 to vector<512x1xf32>
      %div3A_397 = arith.divf %div3A_396, %broadcast_in_dim3A_394 : vector<512x1xf32>
      %mul3A_398 = vector.broadcast %div3A_397 : vector<512x1xf32> to vector<512x512xf32>
      %mul3A_399 = arith.mulf %exp3A_391, %mul3A_398 : vector<512x512xf32>
      %slice3A_400 = vector.extract_strided_slice %add3A_102 {offsets = [0, 576], sizes = [512, 64], strides = [1, 1]} : vector<512x768xf32> to vector<512x64xf32>
      %convert_element_type3A_401 = arith.truncf %mul3A_399 : vector<512x512xf32> to vector<512x512xbf16>
      %convert_element_type3A_402 = arith.truncf %slice3A_400 : vector<512x64xf32> to vector<512x64xbf16>
      %dot_general3A_403 = arith.constant dense<0.000000e+00> : vector<512x64xf32>
      %dot_general3A_404 = tpu.matmul %convert_element_type3A_401, %convert_element_type3A_402, %dot_general3A_403 {dimension_numbers = #tpu.dot_dimension_numbers<[1], [0], [0], [1], [0, 0, 1, 1], [], []>, transpose_lhs_hint = false} : vector<512x512xbf16>, vector<512x64xbf16>, vector<512x64xf32> -> vector<512x64xf32>
      %slice3A_405 = vector.extract_strided_slice %add3A_90 {offsets = [0, 640], sizes = [512, 64], strides = [1, 1]} : vector<512x768xf32> to vector<512x64xf32>
      %slice3A_406 = vector.extract_strided_slice %add3A_96 {offsets = [0, 640], sizes = [512, 64], strides = [1, 1]} : vector<512x768xf32> to vector<512x64xf32>
      %convert_element_type3A_407 = arith.truncf %slice3A_405 : vector<512x64xf32> to vector<512x64xbf16>
      %convert_element_type3A_408 = arith.truncf %slice3A_406 : vector<512x64xf32> to vector<512x64xbf16>
      %dot_general3A_409 = arith.constant dense<0.000000e+00> : vector<512x512xf32>
      %dot_general3A_410 = tpu.matmul %convert_element_type3A_407, %convert_element_type3A_408, %dot_general3A_409 {dimension_numbers = #tpu.dot_dimension_numbers<[1], [1], [0], [0], [0, 0, 1, 0], [], []>, transpose_lhs_hint = false} : vector<512x64xbf16>, vector<512x64xbf16>, vector<512x512xf32> -> vector<512x512xf32>
      %mul3A_411 = arith.constant 1.250000e-01 : f32
      %mul3A_412 = vector.broadcast %mul3A_411 : f32 to vector<512x512xf32>
      %mul3A_413 = arith.mulf %dot_general3A_410, %mul3A_412 : vector<512x512xf32>
      %jit3A_414 = arith.constant -1.000000e+30 : f32
      %broadcast_in_dim3A_415 = vector.broadcast %jit3A_414 : f32 to vector<512x512xf32>
      %select_n3A_416 = arith.select %gt3A_104, %broadcast_in_dim3A_415, %mul3A_413 : vector<512x512xi1>, vector<512x512xf32>
      %reduce_max3A_417 = arith.constant dense<0xFF800000> : vector<512xf32>
      %reduce_max3A_418 = vector.multi_reduction <maximumf>, %select_n3A_416, %reduce_max3A_417 [1] : vector<512x512xf32> to vector<512xf32>
      %broadcast_in_dim3A_419 = vector.shape_cast %reduce_max3A_418 : vector<512xf32> to vector<512x1xf32>
      %sub3A_420 = vector.broadcast %broadcast_in_dim3A_419 : vector<512x1xf32> to vector<512x512xf32>
      %sub3A_421 = arith.subf %select_n3A_416, %sub3A_420 : vector<512x512xf32>
      %exp3A_422 = math.exp %sub3A_421 : vector<512x512xf32>
      %reduce_sum3A_423 = arith.constant dense<0.000000e+00> : vector<512xf32>
      %reduce_sum3A_424 = vector.multi_reduction <add>, %exp3A_422, %reduce_sum3A_423 [1] : vector<512x512xf32> to vector<512xf32>
      %broadcast_in_dim3A_425 = vector.shape_cast %reduce_sum3A_424 : vector<512xf32> to vector<512x1xf32>
      %div3A_426 = arith.constant 1.000000e+00 : f32
      %div3A_427 = vector.broadcast %div3A_426 : f32 to vector<512x1xf32>
      %div3A_428 = arith.divf %div3A_427, %broadcast_in_dim3A_425 : vector<512x1xf32>
      %mul3A_429 = vector.broadcast %div3A_428 : vector<512x1xf32> to vector<512x512xf32>
      %mul3A_430 = arith.mulf %exp3A_422, %mul3A_429 : vector<512x512xf32>
      %slice3A_431 = vector.extract_strided_slice %add3A_102 {offsets = [0, 640], sizes = [512, 64], strides = [1, 1]} : vector<512x768xf32> to vector<512x64xf32>
      %convert_element_type3A_432 = arith.truncf %mul3A_430 : vector<512x512xf32> to vector<512x512xbf16>
      %convert_element_type3A_433 = arith.truncf %slice3A_431 : vector<512x64xf32> to vector<512x64xbf16>
      %dot_general3A_434 = arith.constant dense<0.000000e+00> : vector<512x64xf32>
      %dot_general3A_435 = tpu.matmul %convert_element_type3A_432, %convert_element_type3A_433, %dot_general3A_434 {dimension_numbers = #tpu.dot_dimension_numbers<[1], [0], [0], [1], [0, 0, 1, 1], [], []>, transpose_lhs_hint = false} : vector<512x512xbf16>, vector<512x64xbf16>, vector<512x64xf32> -> vector<512x64xf32>
      %slice3A_436 = vector.extract_strided_slice %add3A_90 {offsets = [0, 704], sizes = [512, 64], strides = [1, 1]} : vector<512x768xf32> to vector<512x64xf32>
      %slice3A_437 = vector.extract_strided_slice %add3A_96 {offsets = [0, 704], sizes = [512, 64], strides = [1, 1]} : vector<512x768xf32> to vector<512x64xf32>
      %convert_element_type3A_438 = arith.truncf %slice3A_436 : vector<512x64xf32> to vector<512x64xbf16>
      %convert_element_type3A_439 = arith.truncf %slice3A_437 : vector<512x64xf32> to vector<512x64xbf16>
      %dot_general3A_440 = arith.constant dense<0.000000e+00> : vector<512x512xf32>
      %dot_general3A_441 = tpu.matmul %convert_element_type3A_438, %convert_element_type3A_439, %dot_general3A_440 {dimension_numbers = #tpu.dot_dimension_numbers<[1], [1], [0], [0], [0, 0, 1, 0], [], []>, transpose_lhs_hint = false} : vector<512x64xbf16>, vector<512x64xbf16>, vector<512x512xf32> -> vector<512x512xf32>
      %mul3A_442 = arith.constant 1.250000e-01 : f32
      %mul3A_443 = vector.broadcast %mul3A_442 : f32 to vector<512x512xf32>
      %mul3A_444 = arith.mulf %dot_general3A_441, %mul3A_443 : vector<512x512xf32>
      %jit3A_445 = arith.constant -1.000000e+30 : f32
      %broadcast_in_dim3A_446 = vector.broadcast %jit3A_445 : f32 to vector<512x512xf32>
      %select_n3A_447 = arith.select %gt3A_104, %broadcast_in_dim3A_446, %mul3A_444 : vector<512x512xi1>, vector<512x512xf32>
      %reduce_max3A_448 = arith.constant dense<0xFF800000> : vector<512xf32>
      %reduce_max3A_449 = vector.multi_reduction <maximumf>, %select_n3A_447, %reduce_max3A_448 [1] : vector<512x512xf32> to vector<512xf32>
      %broadcast_in_dim3A_450 = vector.shape_cast %reduce_max3A_449 : vector<512xf32> to vector<512x1xf32>
      %sub3A_451 = vector.broadcast %broadcast_in_dim3A_450 : vector<512x1xf32> to vector<512x512xf32>
      %sub3A_452 = arith.subf %select_n3A_447, %sub3A_451 : vector<512x512xf32>
      %exp3A_453 = math.exp %sub3A_452 : vector<512x512xf32>
      %reduce_sum3A_454 = arith.constant dense<0.000000e+00> : vector<512xf32>
      %reduce_sum3A_455 = vector.multi_reduction <add>, %exp3A_453, %reduce_sum3A_454 [1] : vector<512x512xf32> to vector<512xf32>
      %broadcast_in_dim3A_456 = vector.shape_cast %reduce_sum3A_455 : vector<512xf32> to vector<512x1xf32>
      %div3A_457 = arith.constant 1.000000e+00 : f32
      %div3A_458 = vector.broadcast %div3A_457 : f32 to vector<512x1xf32>
      %div3A_459 = arith.divf %div3A_458, %broadcast_in_dim3A_456 : vector<512x1xf32>
      %mul3A_460 = vector.broadcast %div3A_459 : vector<512x1xf32> to vector<512x512xf32>
      %mul3A_461 = arith.mulf %exp3A_453, %mul3A_460 : vector<512x512xf32>
      %slice3A_462 = vector.extract_strided_slice %add3A_102 {offsets = [0, 704], sizes = [512, 64], strides = [1, 1]} : vector<512x768xf32> to vector<512x64xf32>
      %convert_element_type3A_463 = arith.truncf %mul3A_461 : vector<512x512xf32> to vector<512x512xbf16>
      %convert_element_type3A_464 = arith.truncf %slice3A_462 : vector<512x64xf32> to vector<512x64xbf16>
      %dot_general3A_465 = arith.constant dense<0.000000e+00> : vector<512x64xf32>
      %dot_general3A_466 = tpu.matmul %convert_element_type3A_463, %convert_element_type3A_464, %dot_general3A_465 {dimension_numbers = #tpu.dot_dimension_numbers<[1], [0], [0], [1], [0, 0, 1, 1], [], []>, transpose_lhs_hint = false} : vector<512x512xbf16>, vector<512x64xbf16>, vector<512x64xf32> -> vector<512x64xf32>
      %concatenate3A = tpu.concatenate %dot_general3A_125, %dot_general3A_156, %dot_general3A_187, %dot_general3A_218, %dot_general3A_249, %dot_general3A_280, %dot_general3A_311, %dot_general3A_342, %dot_general3A_373, %dot_general3A_404, %dot_general3A_435, %dot_general3A_466 in 1 : vector<512x64xf32>, vector<512x64xf32>, vector<512x64xf32>, vector<512x64xf32>, vector<512x64xf32>, vector<512x64xf32>, vector<512x64xf32>, vector<512x64xf32>, vector<512x64xf32>, vector<512x64xf32>, vector<512x64xf32>, vector<512x64xf32> -> vector<512x768xf32>
      %convert_element_type3A_467 = arith.truncf %concatenate3A : vector<512x768xf32> to vector<512x768xbf16>
      %convert_element_type3A_468 = arith.truncf %get3A_83 : vector<768x768xf32> to vector<768x768xbf16>
      %dot_general3A_469 = arith.constant dense<0.000000e+00> : vector<512x768xf32>
      %dot_general3A_470 = tpu.matmul %convert_element_type3A_467, %convert_element_type3A_468, %dot_general3A_469 {dimension_numbers = #tpu.dot_dimension_numbers<[1], [1], [0], [0], [0, 0, 1, 0], [], []>, transpose_lhs_hint = false} : vector<512x768xbf16>, vector<768x768xbf16>, vector<512x768xf32> -> vector<512x768xf32>
      %add3A_471 = vector.broadcast %get3A_86 : vector<1x768xf32> to vector<512x768xf32>
      %add3A_472 = arith.addf %dot_general3A_470, %add3A_471 : vector<512x768xf32>
      %add3A_473 = arith.addf %get3A_62, %add3A_472 : vector<512x768xf32>
      %get3A_474 = arith.constant 0 : index
      %get3A_475 = arith.constant 0 : index
      %get3A_476 = vector.load %arg14[%get3A_474, %get3A_475] : memref<1x768xf32, #tpu.memory_space<vmem>>, vector<1x768xf32>
      %get3A_477 = arith.constant 0 : index
      %get3A_478 = arith.constant 0 : index
      %get3A_479 = vector.load %arg15[%get3A_477, %get3A_478] : memref<1x768xf32, #tpu.memory_space<vmem>>, vector<1x768xf32>
      %reduce_sum3A_480 = arith.constant dense<0.000000e+00> : vector<512xf32>
      %reduce_sum3A_481 = vector.multi_reduction <add>, %add3A_473, %reduce_sum3A_480 [1] : vector<512x768xf32> to vector<512xf32>
      %broadcast_in_dim3A_482 = vector.shape_cast %reduce_sum3A_481 : vector<512xf32> to vector<512x1xf32>
      %div3A_483 = arith.constant 7.680000e+02 : f32
      %div3A_484 = vector.broadcast %div3A_483 : f32 to vector<512x1xf32>
      %div3A_485 = arith.divf %broadcast_in_dim3A_482, %div3A_484 : vector<512x1xf32>
      %sub3A_486 = vector.broadcast %div3A_485 : vector<512x1xf32> to vector<512x768xf32>
      %sub3A_487 = arith.subf %add3A_473, %sub3A_486 : vector<512x768xf32>
      %integer_pow3A = arith.mulf %sub3A_487, %sub3A_487 : vector<512x768xf32>
      %reduce_sum3A_488 = arith.constant dense<0.000000e+00> : vector<512xf32>
      %reduce_sum3A_489 = vector.multi_reduction <add>, %integer_pow3A, %reduce_sum3A_488 [1] : vector<512x768xf32> to vector<512xf32>
      %broadcast_in_dim3A_490 = vector.shape_cast %reduce_sum3A_489 : vector<512xf32> to vector<512x1xf32>
      %div3A_491 = arith.constant 7.680000e+02 : f32
      %div3A_492 = vector.broadcast %div3A_491 : f32 to vector<512x1xf32>
      %div3A_493 = arith.divf %broadcast_in_dim3A_490, %div3A_492 : vector<512x1xf32>
      %sub3A_494 = vector.broadcast %div3A_485 : vector<512x1xf32> to vector<512x768xf32>
      %sub3A_495 = arith.subf %add3A_473, %sub3A_494 : vector<512x768xf32>
      %add3A_496 = arith.constant 9.99999974E-6 : f32
      %add3A_497 = vector.broadcast %add3A_496 : f32 to vector<512x1xf32>
      %add3A_498 = arith.addf %div3A_493, %add3A_497 : vector<512x1xf32>
      %rsqrt3A = math.rsqrt %add3A_498 : vector<512x1xf32>
      %mul3A_499 = vector.broadcast %rsqrt3A : vector<512x1xf32> to vector<512x768xf32>
      %mul3A_500 = arith.mulf %sub3A_495, %mul3A_499 : vector<512x768xf32>
      %mul3A_501 = vector.broadcast %get3A_476 : vector<1x768xf32> to vector<512x768xf32>
      %mul3A_502 = arith.mulf %mul3A_500, %mul3A_501 : vector<512x768xf32>
      %add3A_503 = vector.broadcast %get3A_479 : vector<1x768xf32> to vector<512x768xf32>
      %add3A_504 = arith.addf %mul3A_502, %add3A_503 : vector<512x768xf32>
      %swap3A = arith.constant 0 : index
      %swap3A_505 = arith.constant 0 : index
      %swap3A_506 = vector.load %arg35[%swap3A, %swap3A_505] : memref<512x768xf32, #tpu.memory_space<vmem>>, vector<512x768xf32>
      tpu.vector_store %arg35[%swap3A, %swap3A_505], %add3A_504 {strides = array<i32>} : memref<512x768xf32, #tpu.memory_space<vmem>>, vector<512x768xf32>,
    } else {
    }
    %gt3A = arith.constant 0 : i32
    %gt3A_2 = arith.cmpi sgt, %arg0, %gt3A : i32
    %le3A = arith.constant 6 : i32
    %le3A_3 = arith.cmpi sle, %arg0, %le3A : i32
    %and3A = arith.andi %gt3A_2, %le3A_3 : i1
    %convert_element_type3A_4 = arith.extui %and3A : i1 to i32
    %cond3A_5 = arith.constant 0 : i32
    %cond3A_6 = arith.cmpi ne, %convert_element_type3A_4, %cond3A_5 : i32
    scf.if %cond3A_6 {
      %get3A = arith.constant 0 : index
      %get3A_30 = arith.constant 0 : index
      %get3A_31 = vector.load %arg35[%get3A, %get3A_30] : memref<512x768xf32, #tpu.memory_space<vmem>>, vector<512x768xf32>
      %get3A_32 = arith.constant 0 : index
      %get3A_33 = arith.constant 0 : index
      %get3A_34 = vector.load %arg10[%get3A_32, %get3A_33] : memref<512x768xf32, #tpu.memory_space<vmem>>, vector<512x768xf32>
      %convert_element_type3A_35 = arith.truncf %get3A_31 : vector<512x768xf32> to vector<512x768xbf16>
      %convert_element_type3A_36 = arith.truncf %get3A_34 : vector<512x768xf32> to vector<512x768xbf16>
      %dot_general3A = arith.constant dense<0.000000e+00> : vector<512x512xf32>
      %dot_general3A_37 = tpu.matmul %convert_element_type3A_35, %convert_element_type3A_36, %dot_general3A {dimension_numbers = #tpu.dot_dimension_numbers<[1], [1], [0], [0], [0, 0, 1, 0], [], []>, transpose_lhs_hint = false} : vector<512x768xbf16>, vector<512x768xbf16>, vector<512x512xf32> -> vector<512x512xf32>
      %get3A_38 = arith.constant 0 : index
      %get3A_39 = arith.constant 0 : index
      %get3A_40 = vector.load %arg11[%get3A_38, %get3A_39] : memref<1x512xf32, #tpu.memory_space<vmem>>, vector<1x512xf32>
      %add3A = vector.broadcast %get3A_40 : vector<1x512xf32> to vector<512x512xf32>
      %add3A_41 = arith.addf %dot_general3A_37, %add3A : vector<512x512xf32>
      %mul3A = arith.constant 5.000000e-01 : f32
      %mul3A_42 = vector.broadcast %mul3A : f32 to vector<512x512xf32>
      %mul3A_43 = arith.mulf %mul3A_42, %add3A_41 : vector<512x512xf32>
      %mul3A_44 = arith.constant 0.707106769 : f32
      %mul3A_45 = vector.broadcast %mul3A_44 : f32 to vector<512x512xf32>
      %mul3A_46 = arith.mulf %add3A_41, %mul3A_45 : vector<512x512xf32>
      %erf3A = math.erf %mul3A_46 : vector<512x512xf32>
      %add3A_47 = arith.constant 1.000000e+00 : f32
      %add3A_48 = vector.broadcast %add3A_47 : f32 to vector<512x512xf32>
      %add3A_49 = arith.addf %add3A_48, %erf3A : vector<512x512xf32>
      %mul3A_50 = arith.mulf %mul3A_43, %add3A_49 : vector<512x512xf32>
      %get3A_51 = arith.constant 0 : index
      %get3A_52 = arith.constant 0 : index
      %get3A_53 = vector.load %arg12[%get3A_51, %get3A_52] : memref<768x512xf32, #tpu.memory_space<vmem>>, vector<768x512xf32>
      %convert_element_type3A_54 = arith.truncf %mul3A_50 : vector<512x512xf32> to vector<512x512xbf16>
      %convert_element_type3A_55 = arith.truncf %get3A_53 : vector<768x512xf32> to vector<768x512xbf16>
      %dot_general3A_56 = arith.constant dense<0.000000e+00> : vector<512x768xf32>
      %dot_general3A_57 = tpu.matmul %convert_element_type3A_54, %convert_element_type3A_55, %dot_general3A_56 {dimension_numbers = #tpu.dot_dimension_numbers<[1], [1], [0], [0], [0, 0, 1, 0], [], []>, transpose_lhs_hint = false} : vector<512x512xbf16>, vector<768x512xbf16>, vector<512x768xf32> -> vector<512x768xf32>
      %eq3A_58 = arith.constant 1 : i32
      %eq3A_59 = arith.cmpi eq, %arg0, %eq3A_58 : i32
      %get3A_60 = arith.constant 0 : index
      %get3A_61 = arith.constant 0 : index
      %get3A_62 = vector.load %arg36[%get3A_60, %get3A_61] : memref<512x768xf32, #tpu.memory_space<vmem>>, vector<512x768xf32>
      %add3A_63 = arith.addf %get3A_62, %dot_general3A_57 : vector<512x768xf32>
      %select_n3A = arith.select %eq3A_59, %dot_general3A_57, %add3A_63 : vector<512x768xf32>
      %swap3A = arith.constant 0 : index
      %swap3A_64 = arith.constant 0 : index
      %swap3A_65 = vector.load %arg36[%swap3A, %swap3A_64] : memref<512x768xf32, #tpu.memory_space<vmem>>, vector<512x768xf32>
      tpu.vector_store %arg36[%swap3A, %swap3A_64], %select_n3A {strides = array<i32>} : memref<512x768xf32, #tpu.memory_space<vmem>>, vector<512x768xf32>,
    } else {
    }
    %eq3A_7 = arith.constant 6 : i32
    %eq3A_8 = arith.cmpi eq, %arg0, %eq3A_7 : i32
    %convert_element_type3A_9 = arith.extui %eq3A_8 : i1 to i32
    %cond3A_10 = arith.constant 0 : i32
    %cond3A_11 = arith.cmpi ne, %convert_element_type3A_9, %cond3A_10 : i32
    scf.if %cond3A_11 {
      %get3A = arith.constant 0 : index
      %get3A_30 = arith.constant 0 : index
      %get3A_31 = vector.load %arg36[%get3A, %get3A_30] : memref<512x768xf32, #tpu.memory_space<vmem>>, vector<512x768xf32>
      %get3A_32 = arith.constant 0 : index
      %get3A_33 = arith.constant 0 : index
      %get3A_34 = vector.load %arg13[%get3A_32, %get3A_33] : memref<1x768xf32, #tpu.memory_space<vmem>>, vector<1x768xf32>
      %add3A = vector.broadcast %get3A_34 : vector<1x768xf32> to vector<512x768xf32>
      %add3A_35 = arith.addf %get3A_31, %add3A : vector<512x768xf32>
      %get3A_36 = arith.constant 0 : index
      %get3A_37 = arith.constant 0 : index
      %get3A_38 = vector.load %arg35[%get3A_36, %get3A_37] : memref<512x768xf32, #tpu.memory_space<vmem>>, vector<512x768xf32>
      %add3A_39 = arith.addf %get3A_38, %add3A_35 : vector<512x768xf32>
      %swap3A = arith.constant 0 : index
      %swap3A_40 = arith.constant 0 : index
      %swap3A_41 = vector.load %arg37[%swap3A, %swap3A_40] : memref<512x768xf32, #tpu.memory_space<vmem>>, vector<512x768xf32>
      tpu.vector_store %arg37[%swap3A, %swap3A_40], %add3A_39 {strides = array<i32>} : memref<512x768xf32, #tpu.memory_space<vmem>>, vector<512x768xf32>,
    } else {
    }
    %gt3A_12 = arith.constant 7 : i32
    %gt3A_13 = arith.cmpi sgt, %arg0, %gt3A_12 : i32
    %le3A_14 = arith.constant 13 : i32
    %le3A_15 = arith.cmpi sle, %arg0, %le3A_14 : i32
    %and3A_16 = arith.andi %gt3A_13, %le3A_15 : i1
    %convert_element_type3A_17 = arith.extui %and3A_16 : i1 to i32
    %cond3A_18 = arith.constant 0 : i32
    %cond3A_19 = arith.cmpi ne, %convert_element_type3A_17, %cond3A_18 : i32
    scf.if %cond3A_19 {
      %get3A = arith.constant 0 : index
      %get3A_30 = arith.constant 0 : index
      %get3A_31 = vector.load %arg35[%get3A, %get3A_30] : memref<512x768xf32, #tpu.memory_space<vmem>>, vector<512x768xf32>
      %get3A_32 = arith.constant 0 : index
      %get3A_33 = arith.constant 0 : index
      %get3A_34 = vector.load %arg26[%get3A_32, %get3A_33] : memref<512x768xf32, #tpu.memory_space<vmem>>, vector<512x768xf32>
      %convert_element_type3A_35 = arith.truncf %get3A_31 : vector<512x768xf32> to vector<512x768xbf16>
      %convert_element_type3A_36 = arith.truncf %get3A_34 : vector<512x768xf32> to vector<512x768xbf16>
      %dot_general3A = arith.constant dense<0.000000e+00> : vector<512x512xf32>
      %dot_general3A_37 = tpu.matmul %convert_element_type3A_35, %convert_element_type3A_36, %dot_general3A {dimension_numbers = #tpu.dot_dimension_numbers<[1], [1], [0], [0], [0, 0, 1, 0], [], []>, transpose_lhs_hint = false} : vector<512x768xbf16>, vector<512x768xbf16>, vector<512x512xf32> -> vector<512x512xf32>
      %get3A_38 = arith.constant 0 : index
      %get3A_39 = arith.constant 0 : index
      %get3A_40 = vector.load %arg27[%get3A_38, %get3A_39] : memref<1x512xf32, #tpu.memory_space<vmem>>, vector<1x512xf32>
      %add3A = vector.broadcast %get3A_40 : vector<1x512xf32> to vector<512x512xf32>
      %add3A_41 = arith.addf %dot_general3A_37, %add3A : vector<512x512xf32>
      %mul3A = arith.constant 5.000000e-01 : f32
      %mul3A_42 = vector.broadcast %mul3A : f32 to vector<512x512xf32>
      %mul3A_43 = arith.mulf %mul3A_42, %add3A_41 : vector<512x512xf32>
      %mul3A_44 = arith.constant 0.707106769 : f32
      %mul3A_45 = vector.broadcast %mul3A_44 : f32 to vector<512x512xf32>
      %mul3A_46 = arith.mulf %add3A_41, %mul3A_45 : vector<512x512xf32>
      %erf3A = math.erf %mul3A_46 : vector<512x512xf32>
      %add3A_47 = arith.constant 1.000000e+00 : f32
      %add3A_48 = vector.broadcast %add3A_47 : f32 to vector<512x512xf32>
      %add3A_49 = arith.addf %add3A_48, %erf3A : vector<512x512xf32>
      %mul3A_50 = arith.mulf %mul3A_43, %add3A_49 : vector<512x512xf32>
      %get3A_51 = arith.constant 0 : index
      %get3A_52 = arith.constant 0 : index
      %get3A_53 = vector.load %arg28[%get3A_51, %get3A_52] : memref<768x512xf32, #tpu.memory_space<vmem>>, vector<768x512xf32>
      %convert_element_type3A_54 = arith.truncf %mul3A_50 : vector<512x512xf32> to vector<512x512xbf16>
      %convert_element_type3A_55 = arith.truncf %get3A_53 : vector<768x512xf32> to vector<768x512xbf16>
      %dot_general3A_56 = arith.constant dense<0.000000e+00> : vector<512x768xf32>
      %dot_general3A_57 = tpu.matmul %convert_element_type3A_54, %convert_element_type3A_55, %dot_general3A_56 {dimension_numbers = #tpu.dot_dimension_numbers<[1], [1], [0], [0], [0, 0, 1, 0], [], []>, transpose_lhs_hint = false} : vector<512x512xbf16>, vector<768x512xbf16>, vector<512x768xf32> -> vector<512x768xf32>
      %eq3A_58 = arith.constant 8 : i32
      %eq3A_59 = arith.cmpi eq, %arg0, %eq3A_58 : i32
      %get3A_60 = arith.constant 0 : index
      %get3A_61 = arith.constant 0 : index
      %get3A_62 = vector.load %arg36[%get3A_60, %get3A_61] : memref<512x768xf32, #tpu.memory_space<vmem>>, vector<512x768xf32>
      %add3A_63 = arith.addf %get3A_62, %dot_general3A_57 : vector<512x768xf32>
      %select_n3A = arith.select %eq3A_59, %dot_general3A_57, %add3A_63 : vector<512x768xf32>
      %swap3A = arith.constant 0 : index
      %swap3A_64 = arith.constant 0 : index
      %swap3A_65 = vector.load %arg36[%swap3A, %swap3A_64] : memref<512x768xf32, #tpu.memory_space<vmem>>, vector<512x768xf32>
      tpu.vector_store %arg36[%swap3A, %swap3A_64], %select_n3A {strides = array<i32>} : memref<512x768xf32, #tpu.memory_space<vmem>>, vector<512x768xf32>,
    } else {
    }
    %eq3A_20 = arith.constant 13 : i32
    %eq3A_21 = arith.cmpi eq, %arg0, %eq3A_20 : i32
    %convert_element_type3A_22 = arith.extui %eq3A_21 : i1 to i32
    %cond3A_23 = arith.constant 0 : i32
    %cond3A_24 = arith.cmpi ne, %convert_element_type3A_22, %cond3A_23 : i32
    scf.if %cond3A_24 {
      %get3A = arith.constant 0 : index
      %get3A_30 = arith.constant 0 : index
      %get3A_31 = vector.load %arg36[%get3A, %get3A_30] : memref<512x768xf32, #tpu.memory_space<vmem>>, vector<512x768xf32>
      %get3A_32 = arith.constant 0 : index
      %get3A_33 = arith.constant 0 : index
      %get3A_34 = vector.load %arg29[%get3A_32, %get3A_33] : memref<1x768xf32, #tpu.memory_space<vmem>>, vector<1x768xf32>
      %add3A = vector.broadcast %get3A_34 : vector<1x768xf32> to vector<512x768xf32>
      %add3A_35 = arith.addf %get3A_31, %add3A : vector<512x768xf32>
      %get3A_36 = arith.constant 0 : index
      %get3A_37 = arith.constant 0 : index
      %get3A_38 = vector.load %arg35[%get3A_36, %get3A_37] : memref<512x768xf32, #tpu.memory_space<vmem>>, vector<512x768xf32>
      %add3A_39 = arith.addf %get3A_38, %add3A_35 : vector<512x768xf32>
      %swap3A = arith.constant 0 : index
      %swap3A_40 = arith.constant 0 : index
      %swap3A_41 = vector.load %arg34[%swap3A, %swap3A_40] : memref<512x768xf32, #tpu.memory_space<vmem>>, vector<512x768xf32>
      tpu.vector_store %arg34[%swap3A, %swap3A_40], %add3A_39 {strides = array<i32>} : memref<512x768xf32, #tpu.memory_space<vmem>>, vector<512x768xf32>,
    } else {
    }
    %eq3A_25 = arith.constant 7 : i32
    %eq3A_26 = arith.cmpi eq, %arg0, %eq3A_25 : i32
    %convert_element_type3A_27 = arith.extui %eq3A_26 : i1 to i32
    %cond3A_28 = arith.constant 0 : i32
    %cond3A_29 = arith.cmpi ne, %convert_element_type3A_27, %cond3A_28 : i32
    scf.if %cond3A_29 {
      %dma_wait3A = arith.constant 0 : i32
      %dma_wait3A_30 = arith.constant 0 : i32
      %dma_wait3A_31 = tpu.memref_slice %arg39[%dma_wait3A_30] : memref<4x!tpu.dma_semaphore, #tpu.memory_space<semaphore_mem>> -> memref<1x!tpu.dma_semaphore, #tpu.memory_space<semaphore_mem>>
      %dma_wait3A_32 = tpu.memref_squeeze %dma_wait3A_31 : memref<1x!tpu.dma_semaphore, #tpu.memory_space<semaphore_mem>> -> memref<!tpu.dma_semaphore, #tpu.memory_space<semaphore_mem>>
      %dma_wait3A_33 = arith.constant 0 : i32
      %dma_wait3A_34 = arith.constant 0 : i32
      %dma_wait3A_35 = tpu.memref_slice %arg38[%dma_wait3A, %dma_wait3A_33, %dma_wait3A_34] : memref<4x768x768xf32, #tpu.memory_space<vmem>> -> memref<1x768x768xf32, #tpu.memory_space<vmem>>
      %dma_wait3A_36 = tpu.memref_squeeze %dma_wait3A_35 : memref<1x768x768xf32, #tpu.memory_space<vmem>> -> memref<768x768xf32, #tpu.memory_space<vmem>>
      tpu.wait_dma2 semaphore(%dma_wait3A_32 : memref<!tpu.dma_semaphore, #tpu.memory_space<semaphore_mem>>) src(%arg18 : memref<768x768xf32, #tpu.memory_space<hbm>>) dst(%dma_wait3A_36 : memref<768x768xf32, #tpu.memory_space<vmem>>)
      %dma_wait3A_37 = arith.constant 1 : i32
      %dma_wait3A_38 = arith.constant 1 : i32
      %dma_wait3A_39 = tpu.memref_slice %arg39[%dma_wait3A_38] : memref<4x!tpu.dma_semaphore, #tpu.memory_space<semaphore_mem>> -> memref<1x!tpu.dma_semaphore, #tpu.memory_space<semaphore_mem>>
      %dma_wait3A_40 = tpu.memref_squeeze %dma_wait3A_39 : memref<1x!tpu.dma_semaphore, #tpu.memory_space<semaphore_mem>> -> memref<!tpu.dma_semaphore, #tpu.memory_space<semaphore_mem>>
      %dma_wait3A_41 = arith.constant 0 : i32
      %dma_wait3A_42 = arith.constant 0 : i32
      %dma_wait3A_43 = tpu.memref_slice %arg38[%dma_wait3A_37, %dma_wait3A_41, %dma_wait3A_42] : memref<4x768x768xf32, #tpu.memory_space<vmem>> -> memref<1x768x768xf32, #tpu.memory_space<vmem>>
      %dma_wait3A_44 = tpu.memref_squeeze %dma_wait3A_43 : memref<1x768x768xf32, #tpu.memory_space<vmem>> -> memref<768x768xf32, #tpu.memory_space<vmem>>
      tpu.wait_dma2 semaphore(%dma_wait3A_40 : memref<!tpu.dma_semaphore, #tpu.memory_space<semaphore_mem>>) src(%arg19 : memref<768x768xf32, #tpu.memory_space<hbm>>) dst(%dma_wait3A_44 : memref<768x768xf32, #tpu.memory_space<vmem>>)
      %dma_wait3A_45 = arith.constant 2 : i32
      %dma_wait3A_46 = arith.constant 2 : i32
      %dma_wait3A_47 = tpu.memref_slice %arg39[%dma_wait3A_46] : memref<4x!tpu.dma_semaphore, #tpu.memory_space<semaphore_mem>> -> memref<1x!tpu.dma_semaphore, #tpu.memory_space<semaphore_mem>>
      %dma_wait3A_48 = tpu.memref_squeeze %dma_wait3A_47 : memref<1x!tpu.dma_semaphore, #tpu.memory_space<semaphore_mem>> -> memref<!tpu.dma_semaphore, #tpu.memory_space<semaphore_mem>>
      %dma_wait3A_49 = arith.constant 0 : i32
      %dma_wait3A_50 = arith.constant 0 : i32
      %dma_wait3A_51 = tpu.memref_slice %arg38[%dma_wait3A_45, %dma_wait3A_49, %dma_wait3A_50] : memref<4x768x768xf32, #tpu.memory_space<vmem>> -> memref<1x768x768xf32, #tpu.memory_space<vmem>>
      %dma_wait3A_52 = tpu.memref_squeeze %dma_wait3A_51 : memref<1x768x768xf32, #tpu.memory_space<vmem>> -> memref<768x768xf32, #tpu.memory_space<vmem>>
      tpu.wait_dma2 semaphore(%dma_wait3A_48 : memref<!tpu.dma_semaphore, #tpu.memory_space<semaphore_mem>>) src(%arg20 : memref<768x768xf32, #tpu.memory_space<hbm>>) dst(%dma_wait3A_52 : memref<768x768xf32, #tpu.memory_space<vmem>>)
      %dma_wait3A_53 = arith.constant 3 : i32
      %dma_wait3A_54 = arith.constant 3 : i32
      %dma_wait3A_55 = tpu.memref_slice %arg39[%dma_wait3A_54] : memref<4x!tpu.dma_semaphore, #tpu.memory_space<semaphore_mem>> -> memref<1x!tpu.dma_semaphore, #tpu.memory_space<semaphore_mem>>
      %dma_wait3A_56 = tpu.memref_squeeze %dma_wait3A_55 : memref<1x!tpu.dma_semaphore, #tpu.memory_space<semaphore_mem>> -> memref<!tpu.dma_semaphore, #tpu.memory_space<semaphore_mem>>
      %dma_wait3A_57 = arith.constant 0 : i32
      %dma_wait3A_58 = arith.constant 0 : i32
      %dma_wait3A_59 = tpu.memref_slice %arg38[%dma_wait3A_53, %dma_wait3A_57, %dma_wait3A_58] : memref<4x768x768xf32, #tpu.memory_space<vmem>> -> memref<1x768x768xf32, #tpu.memory_space<vmem>>
      %dma_wait3A_60 = tpu.memref_squeeze %dma_wait3A_59 : memref<1x768x768xf32, #tpu.memory_space<vmem>> -> memref<768x768xf32, #tpu.memory_space<vmem>>
      tpu.wait_dma2 semaphore(%dma_wait3A_56 : memref<!tpu.dma_semaphore, #tpu.memory_space<semaphore_mem>>) src(%arg21 : memref<768x768xf32, #tpu.memory_space<hbm>>) dst(%dma_wait3A_60 : memref<768x768xf32, #tpu.memory_space<vmem>>)
      %get3A = arith.constant 0 : index
      %get3A_61 = arith.constant 0 : index
      %get3A_62 = vector.load %arg37[%get3A, %get3A_61] : memref<512x768xf32, #tpu.memory_space<vmem>>, vector<512x768xf32>
      %get3A_63 = arith.constant 0 : index
      %get3A_64 = arith.constant 0 : index
      %get3A_65 = arith.constant 0 : index
      %get3A_66 = vector.load %arg38[%get3A_63, %get3A_64, %get3A_65] : memref<4x768x768xf32, #tpu.memory_space<vmem>>, vector<1x768x768xf32>
      %get3A_67 = vector.shape_cast %get3A_66 : vector<1x768x768xf32> to vector<768x768xf32>
      %get3A_68 = arith.constant 0 : index
      %get3A_69 = arith.constant 0 : index
      %get3A_70 = vector.load %arg22[%get3A_68, %get3A_69] : memref<1x768xf32, #tpu.memory_space<vmem>>, vector<1x768xf32>
      %get3A_71 = arith.constant 1 : index
      %get3A_72 = arith.constant 0 : index
      %get3A_73 = arith.constant 0 : index
      %get3A_74 = vector.load %arg38[%get3A_71, %get3A_72, %get3A_73] : memref<4x768x768xf32, #tpu.memory_space<vmem>>, vector<1x768x768xf32>
      %get3A_75 = vector.shape_cast %get3A_74 : vector<1x768x768xf32> to vector<768x768xf32>
      %get3A_76 = arith.constant 0 : index
      %get3A_77 = arith.constant 0 : index
      %get3A_78 = vector.load %arg23[%get3A_76, %get3A_77] : memref<1x768xf32, #tpu.memory_space<vmem>>, vector<1x768xf32>
      %get3A_79 = arith.constant 2 : index
      %get3A_80 = arith.constant 0 : index
      %get3A_81 = arith.constant 0 : index
      %get3A_82 = vector.load %arg38[%get3A_79, %get3A_80, %get3A_81] : memref<4x768x768xf32, #tpu.memory_space<vmem>>, vector<1x768x768xf32>
      %get3A_83 = vector.shape_cast %get3A_82 : vector<1x768x768xf32> to vector<768x768xf32>
      %get3A_84 = arith.constant 0 : index
      %get3A_85 = arith.constant 0 : index
      %get3A_86 = vector.load %arg24[%get3A_84, %get3A_85] : memref<1x768xf32, #tpu.memory_space<vmem>>, vector<1x768xf32>
      %get3A_87 = arith.constant 3 : index
      %get3A_88 = arith.constant 0 : index
      %get3A_89 = arith.constant 0 : index
      %get3A_90 = vector.load %arg38[%get3A_87, %get3A_88, %get3A_89] : memref<4x768x768xf32, #tpu.memory_space<vmem>>, vector<1x768x768xf32>
      %get3A_91 = vector.shape_cast %get3A_90 : vector<1x768x768xf32> to vector<768x768xf32>
      %get3A_92 = arith.constant 0 : index
      %get3A_93 = arith.constant 0 : index
      %get3A_94 = vector.load %arg25[%get3A_92, %get3A_93] : memref<1x768xf32, #tpu.memory_space<vmem>>, vector<1x768xf32>
      %convert_element_type3A_95 = arith.truncf %get3A_62 : vector<512x768xf32> to vector<512x768xbf16>
      %convert_element_type3A_96 = arith.truncf %get3A_67 : vector<768x768xf32> to vector<768x768xbf16>
      %dot_general3A = arith.constant dense<0.000000e+00> : vector<512x768xf32>
      %dot_general3A_97 = tpu.matmul %convert_element_type3A_95, %convert_element_type3A_96, %dot_general3A {dimension_numbers = #tpu.dot_dimension_numbers<[1], [1], [0], [0], [0, 0, 1, 0], [], []>, transpose_lhs_hint = false} : vector<512x768xbf16>, vector<768x768xbf16>, vector<512x768xf32> -> vector<512x768xf32>
      %add3A = vector.broadcast %get3A_70 : vector<1x768xf32> to vector<512x768xf32>
      %add3A_98 = arith.addf %dot_general3A_97, %add3A : vector<512x768xf32>
      %convert_element_type3A_99 = arith.truncf %get3A_62 : vector<512x768xf32> to vector<512x768xbf16>
      %convert_element_type3A_100 = arith.truncf %get3A_75 : vector<768x768xf32> to vector<768x768xbf16>
      %dot_general3A_101 = arith.constant dense<0.000000e+00> : vector<512x768xf32>
      %dot_general3A_102 = tpu.matmul %convert_element_type3A_99, %convert_element_type3A_100, %dot_general3A_101 {dimension_numbers = #tpu.dot_dimension_numbers<[1], [1], [0], [0], [0, 0, 1, 0], [], []>, transpose_lhs_hint = false} : vector<512x768xbf16>, vector<768x768xbf16>, vector<512x768xf32> -> vector<512x768xf32>
      %add3A_103 = vector.broadcast %get3A_78 : vector<1x768xf32> to vector<512x768xf32>
      %add3A_104 = arith.addf %dot_general3A_102, %add3A_103 : vector<512x768xf32>
      %convert_element_type3A_105 = arith.truncf %get3A_62 : vector<512x768xf32> to vector<512x768xbf16>
      %convert_element_type3A_106 = arith.truncf %get3A_83 : vector<768x768xf32> to vector<768x768xbf16>
      %dot_general3A_107 = arith.constant dense<0.000000e+00> : vector<512x768xf32>
      %dot_general3A_108 = tpu.matmul %convert_element_type3A_105, %convert_element_type3A_106, %dot_general3A_107 {dimension_numbers = #tpu.dot_dimension_numbers<[1], [1], [0], [0], [0, 0, 1, 0], [], []>, transpose_lhs_hint = false} : vector<512x768xbf16>, vector<768x768xbf16>, vector<512x768xf32> -> vector<512x768xf32>
      %add3A_109 = vector.broadcast %get3A_86 : vector<1x768xf32> to vector<512x768xf32>
      %add3A_110 = arith.addf %dot_general3A_108, %add3A_109 : vector<512x768xf32>
      %iota3A = tpu.iota {dimensions = array<i32: 0>} : vector<512x512xi32>
      %iota3A_111 = tpu.iota {dimensions = array<i32: 1>} : vector<512x512xi32>
      %gt3A_112 = arith.cmpi sgt, %iota3A_111, %iota3A : vector<512x512xi32>
      %slice3A = vector.extract_strided_slice %add3A_98 {offsets = [0, 0], sizes = [512, 64], strides = [1, 1]} : vector<512x768xf32> to vector<512x64xf32>
      %slice3A_113 = vector.extract_strided_slice %add3A_104 {offsets = [0, 0], sizes = [512, 64], strides = [1, 1]} : vector<512x768xf32> to vector<512x64xf32>
      %convert_element_type3A_114 = arith.truncf %slice3A : vector<512x64xf32> to vector<512x64xbf16>
      %convert_element_type3A_115 = arith.truncf %slice3A_113 : vector<512x64xf32> to vector<512x64xbf16>
      %dot_general3A_116 = arith.constant dense<0.000000e+00> : vector<512x512xf32>
      %dot_general3A_117 = tpu.matmul %convert_element_type3A_114, %convert_element_type3A_115, %dot_general3A_116 {dimension_numbers = #tpu.dot_dimension_numbers<[1], [1], [0], [0], [0, 0, 1, 0], [], []>, transpose_lhs_hint = false} : vector<512x64xbf16>, vector<512x64xbf16>, vector<512x512xf32> -> vector<512x512xf32>
      %mul3A = arith.constant 1.250000e-01 : f32
      %mul3A_118 = vector.broadcast %mul3A : f32 to vector<512x512xf32>
      %mul3A_119 = arith.mulf %dot_general3A_117, %mul3A_118 : vector<512x512xf32>
      %jit3A = arith.constant -1.000000e+30 : f32
      %broadcast_in_dim3A = vector.broadcast %jit3A : f32 to vector<512x512xf32>
      %select_n3A = arith.select %gt3A_112, %broadcast_in_dim3A, %mul3A_119 : vector<512x512xi1>, vector<512x512xf32>
      %reduce_max3A = arith.constant dense<0xFF800000> : vector<512xf32>
      %reduce_max3A_120 = vector.multi_reduction <maximumf>, %select_n3A, %reduce_max3A [1] : vector<512x512xf32> to vector<512xf32>
      %broadcast_in_dim3A_121 = vector.shape_cast %reduce_max3A_120 : vector<512xf32> to vector<512x1xf32>
      %sub3A = vector.broadcast %broadcast_in_dim3A_121 : vector<512x1xf32> to vector<512x512xf32>
      %sub3A_122 = arith.subf %select_n3A, %sub3A : vector<512x512xf32>
      %exp3A = math.exp %sub3A_122 : vector<512x512xf32>
      %reduce_sum3A = arith.constant dense<0.000000e+00> : vector<512xf32>
      %reduce_sum3A_123 = vector.multi_reduction <add>, %exp3A, %reduce_sum3A [1] : vector<512x512xf32> to vector<512xf32>
      %broadcast_in_dim3A_124 = vector.shape_cast %reduce_sum3A_123 : vector<512xf32> to vector<512x1xf32>
      %div3A = arith.constant 1.000000e+00 : f32
      %div3A_125 = vector.broadcast %div3A : f32 to vector<512x1xf32>
      %div3A_126 = arith.divf %div3A_125, %broadcast_in_dim3A_124 : vector<512x1xf32>
      %mul3A_127 = vector.broadcast %div3A_126 : vector<512x1xf32> to vector<512x512xf32>
      %mul3A_128 = arith.mulf %exp3A, %mul3A_127 : vector<512x512xf32>
      %slice3A_129 = vector.extract_strided_slice %add3A_110 {offsets = [0, 0], sizes = [512, 64], strides = [1, 1]} : vector<512x768xf32> to vector<512x64xf32>
      %convert_element_type3A_130 = arith.truncf %mul3A_128 : vector<512x512xf32> to vector<512x512xbf16>
      %convert_element_type3A_131 = arith.truncf %slice3A_129 : vector<512x64xf32> to vector<512x64xbf16>
      %dot_general3A_132 = arith.constant dense<0.000000e+00> : vector<512x64xf32>
      %dot_general3A_133 = tpu.matmul %convert_element_type3A_130, %convert_element_type3A_131, %dot_general3A_132 {dimension_numbers = #tpu.dot_dimension_numbers<[1], [0], [0], [1], [0, 0, 1, 1], [], []>, transpose_lhs_hint = false} : vector<512x512xbf16>, vector<512x64xbf16>, vector<512x64xf32> -> vector<512x64xf32>
      %slice3A_134 = vector.extract_strided_slice %add3A_98 {offsets = [0, 64], sizes = [512, 64], strides = [1, 1]} : vector<512x768xf32> to vector<512x64xf32>
      %slice3A_135 = vector.extract_strided_slice %add3A_104 {offsets = [0, 64], sizes = [512, 64], strides = [1, 1]} : vector<512x768xf32> to vector<512x64xf32>
      %convert_element_type3A_136 = arith.truncf %slice3A_134 : vector<512x64xf32> to vector<512x64xbf16>
      %convert_element_type3A_137 = arith.truncf %slice3A_135 : vector<512x64xf32> to vector<512x64xbf16>
      %dot_general3A_138 = arith.constant dense<0.000000e+00> : vector<512x512xf32>
      %dot_general3A_139 = tpu.matmul %convert_element_type3A_136, %convert_element_type3A_137, %dot_general3A_138 {dimension_numbers = #tpu.dot_dimension_numbers<[1], [1], [0], [0], [0, 0, 1, 0], [], []>, transpose_lhs_hint = false} : vector<512x64xbf16>, vector<512x64xbf16>, vector<512x512xf32> -> vector<512x512xf32>
      %mul3A_140 = arith.constant 1.250000e-01 : f32
      %mul3A_141 = vector.broadcast %mul3A_140 : f32 to vector<512x512xf32>
      %mul3A_142 = arith.mulf %dot_general3A_139, %mul3A_141 : vector<512x512xf32>
      %jit3A_143 = arith.constant -1.000000e+30 : f32
      %broadcast_in_dim3A_144 = vector.broadcast %jit3A_143 : f32 to vector<512x512xf32>
      %select_n3A_145 = arith.select %gt3A_112, %broadcast_in_dim3A_144, %mul3A_142 : vector<512x512xi1>, vector<512x512xf32>
      %reduce_max3A_146 = arith.constant dense<0xFF800000> : vector<512xf32>
      %reduce_max3A_147 = vector.multi_reduction <maximumf>, %select_n3A_145, %reduce_max3A_146 [1] : vector<512x512xf32> to vector<512xf32>
      %broadcast_in_dim3A_148 = vector.shape_cast %reduce_max3A_147 : vector<512xf32> to vector<512x1xf32>
      %sub3A_149 = vector.broadcast %broadcast_in_dim3A_148 : vector<512x1xf32> to vector<512x512xf32>
      %sub3A_150 = arith.subf %select_n3A_145, %sub3A_149 : vector<512x512xf32>
      %exp3A_151 = math.exp %sub3A_150 : vector<512x512xf32>
      %reduce_sum3A_152 = arith.constant dense<0.000000e+00> : vector<512xf32>
      %reduce_sum3A_153 = vector.multi_reduction <add>, %exp3A_151, %reduce_sum3A_152 [1] : vector<512x512xf32> to vector<512xf32>
      %broadcast_in_dim3A_154 = vector.shape_cast %reduce_sum3A_153 : vector<512xf32> to vector<512x1xf32>
      %div3A_155 = arith.constant 1.000000e+00 : f32
      %div3A_156 = vector.broadcast %div3A_155 : f32 to vector<512x1xf32>
      %div3A_157 = arith.divf %div3A_156, %broadcast_in_dim3A_154 : vector<512x1xf32>
      %mul3A_158 = vector.broadcast %div3A_157 : vector<512x1xf32> to vector<512x512xf32>
      %mul3A_159 = arith.mulf %exp3A_151, %mul3A_158 : vector<512x512xf32>
      %slice3A_160 = vector.extract_strided_slice %add3A_110 {offsets = [0, 64], sizes = [512, 64], strides = [1, 1]} : vector<512x768xf32> to vector<512x64xf32>
      %convert_element_type3A_161 = arith.truncf %mul3A_159 : vector<512x512xf32> to vector<512x512xbf16>
      %convert_element_type3A_162 = arith.truncf %slice3A_160 : vector<512x64xf32> to vector<512x64xbf16>
      %dot_general3A_163 = arith.constant dense<0.000000e+00> : vector<512x64xf32>
      %dot_general3A_164 = tpu.matmul %convert_element_type3A_161, %convert_element_type3A_162, %dot_general3A_163 {dimension_numbers = #tpu.dot_dimension_numbers<[1], [0], [0], [1], [0, 0, 1, 1], [], []>, transpose_lhs_hint = false} : vector<512x512xbf16>, vector<512x64xbf16>, vector<512x64xf32> -> vector<512x64xf32>
      %slice3A_165 = vector.extract_strided_slice %add3A_98 {offsets = [0, 128], sizes = [512, 64], strides = [1, 1]} : vector<512x768xf32> to vector<512x64xf32>
      %slice3A_166 = vector.extract_strided_slice %add3A_104 {offsets = [0, 128], sizes = [512, 64], strides = [1, 1]} : vector<512x768xf32> to vector<512x64xf32>
      %convert_element_type3A_167 = arith.truncf %slice3A_165 : vector<512x64xf32> to vector<512x64xbf16>
      %convert_element_type3A_168 = arith.truncf %slice3A_166 : vector<512x64xf32> to vector<512x64xbf16>
      %dot_general3A_169 = arith.constant dense<0.000000e+00> : vector<512x512xf32>
      %dot_general3A_170 = tpu.matmul %convert_element_type3A_167, %convert_element_type3A_168, %dot_general3A_169 {dimension_numbers = #tpu.dot_dimension_numbers<[1], [1], [0], [0], [0, 0, 1, 0], [], []>, transpose_lhs_hint = false} : vector<512x64xbf16>, vector<512x64xbf16>, vector<512x512xf32> -> vector<512x512xf32>
      %mul3A_171 = arith.constant 1.250000e-01 : f32
      %mul3A_172 = vector.broadcast %mul3A_171 : f32 to vector<512x512xf32>
      %mul3A_173 = arith.mulf %dot_general3A_170, %mul3A_172 : vector<512x512xf32>
      %jit3A_174 = arith.constant -1.000000e+30 : f32
      %broadcast_in_dim3A_175 = vector.broadcast %jit3A_174 : f32 to vector<512x512xf32>
      %select_n3A_176 = arith.select %gt3A_112, %broadcast_in_dim3A_175, %mul3A_173 : vector<512x512xi1>, vector<512x512xf32>
      %reduce_max3A_177 = arith.constant dense<0xFF800000> : vector<512xf32>
      %reduce_max3A_178 = vector.multi_reduction <maximumf>, %select_n3A_176, %reduce_max3A_177 [1] : vector<512x512xf32> to vector<512xf32>
      %broadcast_in_dim3A_179 = vector.shape_cast %reduce_max3A_178 : vector<512xf32> to vector<512x1xf32>
      %sub3A_180 = vector.broadcast %broadcast_in_dim3A_179 : vector<512x1xf32> to vector<512x512xf32>
      %sub3A_181 = arith.subf %select_n3A_176, %sub3A_180 : vector<512x512xf32>
      %exp3A_182 = math.exp %sub3A_181 : vector<512x512xf32>
      %reduce_sum3A_183 = arith.constant dense<0.000000e+00> : vector<512xf32>
      %reduce_sum3A_184 = vector.multi_reduction <add>, %exp3A_182, %reduce_sum3A_183 [1] : vector<512x512xf32> to vector<512xf32>
      %broadcast_in_dim3A_185 = vector.shape_cast %reduce_sum3A_184 : vector<512xf32> to vector<512x1xf32>
      %div3A_186 = arith.constant 1.000000e+00 : f32
      %div3A_187 = vector.broadcast %div3A_186 : f32 to vector<512x1xf32>
      %div3A_188 = arith.divf %div3A_187, %broadcast_in_dim3A_185 : vector<512x1xf32>
      %mul3A_189 = vector.broadcast %div3A_188 : vector<512x1xf32> to vector<512x512xf32>
      %mul3A_190 = arith.mulf %exp3A_182, %mul3A_189 : vector<512x512xf32>
      %slice3A_191 = vector.extract_strided_slice %add3A_110 {offsets = [0, 128], sizes = [512, 64], strides = [1, 1]} : vector<512x768xf32> to vector<512x64xf32>
      %convert_element_type3A_192 = arith.truncf %mul3A_190 : vector<512x512xf32> to vector<512x512xbf16>
      %convert_element_type3A_193 = arith.truncf %slice3A_191 : vector<512x64xf32> to vector<512x64xbf16>
      %dot_general3A_194 = arith.constant dense<0.000000e+00> : vector<512x64xf32>
      %dot_general3A_195 = tpu.matmul %convert_element_type3A_192, %convert_element_type3A_193, %dot_general3A_194 {dimension_numbers = #tpu.dot_dimension_numbers<[1], [0], [0], [1], [0, 0, 1, 1], [], []>, transpose_lhs_hint = false} : vector<512x512xbf16>, vector<512x64xbf16>, vector<512x64xf32> -> vector<512x64xf32>
      %slice3A_196 = vector.extract_strided_slice %add3A_98 {offsets = [0, 192], sizes = [512, 64], strides = [1, 1]} : vector<512x768xf32> to vector<512x64xf32>
      %slice3A_197 = vector.extract_strided_slice %add3A_104 {offsets = [0, 192], sizes = [512, 64], strides = [1, 1]} : vector<512x768xf32> to vector<512x64xf32>
      %convert_element_type3A_198 = arith.truncf %slice3A_196 : vector<512x64xf32> to vector<512x64xbf16>
      %convert_element_type3A_199 = arith.truncf %slice3A_197 : vector<512x64xf32> to vector<512x64xbf16>
      %dot_general3A_200 = arith.constant dense<0.000000e+00> : vector<512x512xf32>
      %dot_general3A_201 = tpu.matmul %convert_element_type3A_198, %convert_element_type3A_199, %dot_general3A_200 {dimension_numbers = #tpu.dot_dimension_numbers<[1], [1], [0], [0], [0, 0, 1, 0], [], []>, transpose_lhs_hint = false} : vector<512x64xbf16>, vector<512x64xbf16>, vector<512x512xf32> -> vector<512x512xf32>
      %mul3A_202 = arith.constant 1.250000e-01 : f32
      %mul3A_203 = vector.broadcast %mul3A_202 : f32 to vector<512x512xf32>
      %mul3A_204 = arith.mulf %dot_general3A_201, %mul3A_203 : vector<512x512xf32>
      %jit3A_205 = arith.constant -1.000000e+30 : f32
      %broadcast_in_dim3A_206 = vector.broadcast %jit3A_205 : f32 to vector<512x512xf32>
      %select_n3A_207 = arith.select %gt3A_112, %broadcast_in_dim3A_206, %mul3A_204 : vector<512x512xi1>, vector<512x512xf32>
      %reduce_max3A_208 = arith.constant dense<0xFF800000> : vector<512xf32>
      %reduce_max3A_209 = vector.multi_reduction <maximumf>, %select_n3A_207, %reduce_max3A_208 [1] : vector<512x512xf32> to vector<512xf32>
      %broadcast_in_dim3A_210 = vector.shape_cast %reduce_max3A_209 : vector<512xf32> to vector<512x1xf32>
      %sub3A_211 = vector.broadcast %broadcast_in_dim3A_210 : vector<512x1xf32> to vector<512x512xf32>
      %sub3A_212 = arith.subf %select_n3A_207, %sub3A_211 : vector<512x512xf32>
      %exp3A_213 = math.exp %sub3A_212 : vector<512x512xf32>
      %reduce_sum3A_214 = arith.constant dense<0.000000e+00> : vector<512xf32>
      %reduce_sum3A_215 = vector.multi_reduction <add>, %exp3A_213, %reduce_sum3A_214 [1] : vector<512x512xf32> to vector<512xf32>
      %broadcast_in_dim3A_216 = vector.shape_cast %reduce_sum3A_215 : vector<512xf32> to vector<512x1xf32>
      %div3A_217 = arith.constant 1.000000e+00 : f32
      %div3A_218 = vector.broadcast %div3A_217 : f32 to vector<512x1xf32>
      %div3A_219 = arith.divf %div3A_218, %broadcast_in_dim3A_216 : vector<512x1xf32>
      %mul3A_220 = vector.broadcast %div3A_219 : vector<512x1xf32> to vector<512x512xf32>
      %mul3A_221 = arith.mulf %exp3A_213, %mul3A_220 : vector<512x512xf32>
      %slice3A_222 = vector.extract_strided_slice %add3A_110 {offsets = [0, 192], sizes = [512, 64], strides = [1, 1]} : vector<512x768xf32> to vector<512x64xf32>
      %convert_element_type3A_223 = arith.truncf %mul3A_221 : vector<512x512xf32> to vector<512x512xbf16>
      %convert_element_type3A_224 = arith.truncf %slice3A_222 : vector<512x64xf32> to vector<512x64xbf16>
      %dot_general3A_225 = arith.constant dense<0.000000e+00> : vector<512x64xf32>
      %dot_general3A_226 = tpu.matmul %convert_element_type3A_223, %convert_element_type3A_224, %dot_general3A_225 {dimension_numbers = #tpu.dot_dimension_numbers<[1], [0], [0], [1], [0, 0, 1, 1], [], []>, transpose_lhs_hint = false} : vector<512x512xbf16>, vector<512x64xbf16>, vector<512x64xf32> -> vector<512x64xf32>
      %slice3A_227 = vector.extract_strided_slice %add3A_98 {offsets = [0, 256], sizes = [512, 64], strides = [1, 1]} : vector<512x768xf32> to vector<512x64xf32>
      %slice3A_228 = vector.extract_strided_slice %add3A_104 {offsets = [0, 256], sizes = [512, 64], strides = [1, 1]} : vector<512x768xf32> to vector<512x64xf32>
      %convert_element_type3A_229 = arith.truncf %slice3A_227 : vector<512x64xf32> to vector<512x64xbf16>
      %convert_element_type3A_230 = arith.truncf %slice3A_228 : vector<512x64xf32> to vector<512x64xbf16>
      %dot_general3A_231 = arith.constant dense<0.000000e+00> : vector<512x512xf32>
      %dot_general3A_232 = tpu.matmul %convert_element_type3A_229, %convert_element_type3A_230, %dot_general3A_231 {dimension_numbers = #tpu.dot_dimension_numbers<[1], [1], [0], [0], [0, 0, 1, 0], [], []>, transpose_lhs_hint = false} : vector<512x64xbf16>, vector<512x64xbf16>, vector<512x512xf32> -> vector<512x512xf32>
      %mul3A_233 = arith.constant 1.250000e-01 : f32
      %mul3A_234 = vector.broadcast %mul3A_233 : f32 to vector<512x512xf32>
      %mul3A_235 = arith.mulf %dot_general3A_232, %mul3A_234 : vector<512x512xf32>
      %jit3A_236 = arith.constant -1.000000e+30 : f32
      %broadcast_in_dim3A_237 = vector.broadcast %jit3A_236 : f32 to vector<512x512xf32>
      %select_n3A_238 = arith.select %gt3A_112, %broadcast_in_dim3A_237, %mul3A_235 : vector<512x512xi1>, vector<512x512xf32>
      %reduce_max3A_239 = arith.constant dense<0xFF800000> : vector<512xf32>
      %reduce_max3A_240 = vector.multi_reduction <maximumf>, %select_n3A_238, %reduce_max3A_239 [1] : vector<512x512xf32> to vector<512xf32>
      %broadcast_in_dim3A_241 = vector.shape_cast %reduce_max3A_240 : vector<512xf32> to vector<512x1xf32>
      %sub3A_242 = vector.broadcast %broadcast_in_dim3A_241 : vector<512x1xf32> to vector<512x512xf32>
      %sub3A_243 = arith.subf %select_n3A_238, %sub3A_242 : vector<512x512xf32>
      %exp3A_244 = math.exp %sub3A_243 : vector<512x512xf32>
      %reduce_sum3A_245 = arith.constant dense<0.000000e+00> : vector<512xf32>
      %reduce_sum3A_246 = vector.multi_reduction <add>, %exp3A_244, %reduce_sum3A_245 [1] : vector<512x512xf32> to vector<512xf32>
      %broadcast_in_dim3A_247 = vector.shape_cast %reduce_sum3A_246 : vector<512xf32> to vector<512x1xf32>
      %div3A_248 = arith.constant 1.000000e+00 : f32
      %div3A_249 = vector.broadcast %div3A_248 : f32 to vector<512x1xf32>
      %div3A_250 = arith.divf %div3A_249, %broadcast_in_dim3A_247 : vector<512x1xf32>
      %mul3A_251 = vector.broadcast %div3A_250 : vector<512x1xf32> to vector<512x512xf32>
      %mul3A_252 = arith.mulf %exp3A_244, %mul3A_251 : vector<512x512xf32>
      %slice3A_253 = vector.extract_strided_slice %add3A_110 {offsets = [0, 256], sizes = [512, 64], strides = [1, 1]} : vector<512x768xf32> to vector<512x64xf32>
      %convert_element_type3A_254 = arith.truncf %mul3A_252 : vector<512x512xf32> to vector<512x512xbf16>
      %convert_element_type3A_255 = arith.truncf %slice3A_253 : vector<512x64xf32> to vector<512x64xbf16>
      %dot_general3A_256 = arith.constant dense<0.000000e+00> : vector<512x64xf32>
      %dot_general3A_257 = tpu.matmul %convert_element_type3A_254, %convert_element_type3A_255, %dot_general3A_256 {dimension_numbers = #tpu.dot_dimension_numbers<[1], [0], [0], [1], [0, 0, 1, 1], [], []>, transpose_lhs_hint = false} : vector<512x512xbf16>, vector<512x64xbf16>, vector<512x64xf32> -> vector<512x64xf32>
      %slice3A_258 = vector.extract_strided_slice %add3A_98 {offsets = [0, 320], sizes = [512, 64], strides = [1, 1]} : vector<512x768xf32> to vector<512x64xf32>
      %slice3A_259 = vector.extract_strided_slice %add3A_104 {offsets = [0, 320], sizes = [512, 64], strides = [1, 1]} : vector<512x768xf32> to vector<512x64xf32>
      %convert_element_type3A_260 = arith.truncf %slice3A_258 : vector<512x64xf32> to vector<512x64xbf16>
      %convert_element_type3A_261 = arith.truncf %slice3A_259 : vector<512x64xf32> to vector<512x64xbf16>
      %dot_general3A_262 = arith.constant dense<0.000000e+00> : vector<512x512xf32>
      %dot_general3A_263 = tpu.matmul %convert_element_type3A_260, %convert_element_type3A_261, %dot_general3A_262 {dimension_numbers = #tpu.dot_dimension_numbers<[1], [1], [0], [0], [0, 0, 1, 0], [], []>, transpose_lhs_hint = false} : vector<512x64xbf16>, vector<512x64xbf16>, vector<512x512xf32> -> vector<512x512xf32>
      %mul3A_264 = arith.constant 1.250000e-01 : f32
      %mul3A_265 = vector.broadcast %mul3A_264 : f32 to vector<512x512xf32>
      %mul3A_266 = arith.mulf %dot_general3A_263, %mul3A_265 : vector<512x512xf32>
      %jit3A_267 = arith.constant -1.000000e+30 : f32
      %broadcast_in_dim3A_268 = vector.broadcast %jit3A_267 : f32 to vector<512x512xf32>
      %select_n3A_269 = arith.select %gt3A_112, %broadcast_in_dim3A_268, %mul3A_266 : vector<512x512xi1>, vector<512x512xf32>
      %reduce_max3A_270 = arith.constant dense<0xFF800000> : vector<512xf32>
      %reduce_max3A_271 = vector.multi_reduction <maximumf>, %select_n3A_269, %reduce_max3A_270 [1] : vector<512x512xf32> to vector<512xf32>
      %broadcast_in_dim3A_272 = vector.shape_cast %reduce_max3A_271 : vector<512xf32> to vector<512x1xf32>
      %sub3A_273 = vector.broadcast %broadcast_in_dim3A_272 : vector<512x1xf32> to vector<512x512xf32>
      %sub3A_274 = arith.subf %select_n3A_269, %sub3A_273 : vector<512x512xf32>
      %exp3A_275 = math.exp %sub3A_274 : vector<512x512xf32>
      %reduce_sum3A_276 = arith.constant dense<0.000000e+00> : vector<512xf32>
      %reduce_sum3A_277 = vector.multi_reduction <add>, %exp3A_275, %reduce_sum3A_276 [1] : vector<512x512xf32> to vector<512xf32>
      %broadcast_in_dim3A_278 = vector.shape_cast %reduce_sum3A_277 : vector<512xf32> to vector<512x1xf32>
      %div3A_279 = arith.constant 1.000000e+00 : f32
      %div3A_280 = vector.broadcast %div3A_279 : f32 to vector<512x1xf32>
      %div3A_281 = arith.divf %div3A_280, %broadcast_in_dim3A_278 : vector<512x1xf32>
      %mul3A_282 = vector.broadcast %div3A_281 : vector<512x1xf32> to vector<512x512xf32>
      %mul3A_283 = arith.mulf %exp3A_275, %mul3A_282 : vector<512x512xf32>
      %slice3A_284 = vector.extract_strided_slice %add3A_110 {offsets = [0, 320], sizes = [512, 64], strides = [1, 1]} : vector<512x768xf32> to vector<512x64xf32>
      %convert_element_type3A_285 = arith.truncf %mul3A_283 : vector<512x512xf32> to vector<512x512xbf16>
      %convert_element_type3A_286 = arith.truncf %slice3A_284 : vector<512x64xf32> to vector<512x64xbf16>
      %dot_general3A_287 = arith.constant dense<0.000000e+00> : vector<512x64xf32>
      %dot_general3A_288 = tpu.matmul %convert_element_type3A_285, %convert_element_type3A_286, %dot_general3A_287 {dimension_numbers = #tpu.dot_dimension_numbers<[1], [0], [0], [1], [0, 0, 1, 1], [], []>, transpose_lhs_hint = false} : vector<512x512xbf16>, vector<512x64xbf16>, vector<512x64xf32> -> vector<512x64xf32>
      %slice3A_289 = vector.extract_strided_slice %add3A_98 {offsets = [0, 384], sizes = [512, 64], strides = [1, 1]} : vector<512x768xf32> to vector<512x64xf32>
      %slice3A_290 = vector.extract_strided_slice %add3A_104 {offsets = [0, 384], sizes = [512, 64], strides = [1, 1]} : vector<512x768xf32> to vector<512x64xf32>
      %convert_element_type3A_291 = arith.truncf %slice3A_289 : vector<512x64xf32> to vector<512x64xbf16>
      %convert_element_type3A_292 = arith.truncf %slice3A_290 : vector<512x64xf32> to vector<512x64xbf16>
      %dot_general3A_293 = arith.constant dense<0.000000e+00> : vector<512x512xf32>
      %dot_general3A_294 = tpu.matmul %convert_element_type3A_291, %convert_element_type3A_292, %dot_general3A_293 {dimension_numbers = #tpu.dot_dimension_numbers<[1], [1], [0], [0], [0, 0, 1, 0], [], []>, transpose_lhs_hint = false} : vector<512x64xbf16>, vector<512x64xbf16>, vector<512x512xf32> -> vector<512x512xf32>
      %mul3A_295 = arith.constant 1.250000e-01 : f32
      %mul3A_296 = vector.broadcast %mul3A_295 : f32 to vector<512x512xf32>
      %mul3A_297 = arith.mulf %dot_general3A_294, %mul3A_296 : vector<512x512xf32>
      %jit3A_298 = arith.constant -1.000000e+30 : f32
      %broadcast_in_dim3A_299 = vector.broadcast %jit3A_298 : f32 to vector<512x512xf32>
      %select_n3A_300 = arith.select %gt3A_112, %broadcast_in_dim3A_299, %mul3A_297 : vector<512x512xi1>, vector<512x512xf32>
      %reduce_max3A_301 = arith.constant dense<0xFF800000> : vector<512xf32>
      %reduce_max3A_302 = vector.multi_reduction <maximumf>, %select_n3A_300, %reduce_max3A_301 [1] : vector<512x512xf32> to vector<512xf32>
      %broadcast_in_dim3A_303 = vector.shape_cast %reduce_max3A_302 : vector<512xf32> to vector<512x1xf32>
      %sub3A_304 = vector.broadcast %broadcast_in_dim3A_303 : vector<512x1xf32> to vector<512x512xf32>
      %sub3A_305 = arith.subf %select_n3A_300, %sub3A_304 : vector<512x512xf32>
      %exp3A_306 = math.exp %sub3A_305 : vector<512x512xf32>
      %reduce_sum3A_307 = arith.constant dense<0.000000e+00> : vector<512xf32>
      %reduce_sum3A_308 = vector.multi_reduction <add>, %exp3A_306, %reduce_sum3A_307 [1] : vector<512x512xf32> to vector<512xf32>
      %broadcast_in_dim3A_309 = vector.shape_cast %reduce_sum3A_308 : vector<512xf32> to vector<512x1xf32>
      %div3A_310 = arith.constant 1.000000e+00 : f32
      %div3A_311 = vector.broadcast %div3A_310 : f32 to vector<512x1xf32>
      %div3A_312 = arith.divf %div3A_311, %broadcast_in_dim3A_309 : vector<512x1xf32>
      %mul3A_313 = vector.broadcast %div3A_312 : vector<512x1xf32> to vector<512x512xf32>
      %mul3A_314 = arith.mulf %exp3A_306, %mul3A_313 : vector<512x512xf32>
      %slice3A_315 = vector.extract_strided_slice %add3A_110 {offsets = [0, 384], sizes = [512, 64], strides = [1, 1]} : vector<512x768xf32> to vector<512x64xf32>
      %convert_element_type3A_316 = arith.truncf %mul3A_314 : vector<512x512xf32> to vector<512x512xbf16>
      %convert_element_type3A_317 = arith.truncf %slice3A_315 : vector<512x64xf32> to vector<512x64xbf16>
      %dot_general3A_318 = arith.constant dense<0.000000e+00> : vector<512x64xf32>
      %dot_general3A_319 = tpu.matmul %convert_element_type3A_316, %convert_element_type3A_317, %dot_general3A_318 {dimension_numbers = #tpu.dot_dimension_numbers<[1], [0], [0], [1], [0, 0, 1, 1], [], []>, transpose_lhs_hint = false} : vector<512x512xbf16>, vector<512x64xbf16>, vector<512x64xf32> -> vector<512x64xf32>
      %slice3A_320 = vector.extract_strided_slice %add3A_98 {offsets = [0, 448], sizes = [512, 64], strides = [1, 1]} : vector<512x768xf32> to vector<512x64xf32>
      %slice3A_321 = vector.extract_strided_slice %add3A_104 {offsets = [0, 448], sizes = [512, 64], strides = [1, 1]} : vector<512x768xf32> to vector<512x64xf32>
      %convert_element_type3A_322 = arith.truncf %slice3A_320 : vector<512x64xf32> to vector<512x64xbf16>
      %convert_element_type3A_323 = arith.truncf %slice3A_321 : vector<512x64xf32> to vector<512x64xbf16>
      %dot_general3A_324 = arith.constant dense<0.000000e+00> : vector<512x512xf32>
      %dot_general3A_325 = tpu.matmul %convert_element_type3A_322, %convert_element_type3A_323, %dot_general3A_324 {dimension_numbers = #tpu.dot_dimension_numbers<[1], [1], [0], [0], [0, 0, 1, 0], [], []>, transpose_lhs_hint = false} : vector<512x64xbf16>, vector<512x64xbf16>, vector<512x512xf32> -> vector<512x512xf32>
      %mul3A_326 = arith.constant 1.250000e-01 : f32
      %mul3A_327 = vector.broadcast %mul3A_326 : f32 to vector<512x512xf32>
      %mul3A_328 = arith.mulf %dot_general3A_325, %mul3A_327 : vector<512x512xf32>
      %jit3A_329 = arith.constant -1.000000e+30 : f32
      %broadcast_in_dim3A_330 = vector.broadcast %jit3A_329 : f32 to vector<512x512xf32>
      %select_n3A_331 = arith.select %gt3A_112, %broadcast_in_dim3A_330, %mul3A_328 : vector<512x512xi1>, vector<512x512xf32>
      %reduce_max3A_332 = arith.constant dense<0xFF800000> : vector<512xf32>
      %reduce_max3A_333 = vector.multi_reduction <maximumf>, %select_n3A_331, %reduce_max3A_332 [1] : vector<512x512xf32> to vector<512xf32>
      %broadcast_in_dim3A_334 = vector.shape_cast %reduce_max3A_333 : vector<512xf32> to vector<512x1xf32>
      %sub3A_335 = vector.broadcast %broadcast_in_dim3A_334 : vector<512x1xf32> to vector<512x512xf32>
      %sub3A_336 = arith.subf %select_n3A_331, %sub3A_335 : vector<512x512xf32>
      %exp3A_337 = math.exp %sub3A_336 : vector<512x512xf32>
      %reduce_sum3A_338 = arith.constant dense<0.000000e+00> : vector<512xf32>
      %reduce_sum3A_339 = vector.multi_reduction <add>, %exp3A_337, %reduce_sum3A_338 [1] : vector<512x512xf32> to vector<512xf32>
      %broadcast_in_dim3A_340 = vector.shape_cast %reduce_sum3A_339 : vector<512xf32> to vector<512x1xf32>
      %div3A_341 = arith.constant 1.000000e+00 : f32
      %div3A_342 = vector.broadcast %div3A_341 : f32 to vector<512x1xf32>
      %div3A_343 = arith.divf %div3A_342, %broadcast_in_dim3A_340 : vector<512x1xf32>
      %mul3A_344 = vector.broadcast %div3A_343 : vector<512x1xf32> to vector<512x512xf32>
      %mul3A_345 = arith.mulf %exp3A_337, %mul3A_344 : vector<512x512xf32>
      %slice3A_346 = vector.extract_strided_slice %add3A_110 {offsets = [0, 448], sizes = [512, 64], strides = [1, 1]} : vector<512x768xf32> to vector<512x64xf32>
      %convert_element_type3A_347 = arith.truncf %mul3A_345 : vector<512x512xf32> to vector<512x512xbf16>
      %convert_element_type3A_348 = arith.truncf %slice3A_346 : vector<512x64xf32> to vector<512x64xbf16>
      %dot_general3A_349 = arith.constant dense<0.000000e+00> : vector<512x64xf32>
      %dot_general3A_350 = tpu.matmul %convert_element_type3A_347, %convert_element_type3A_348, %dot_general3A_349 {dimension_numbers = #tpu.dot_dimension_numbers<[1], [0], [0], [1], [0, 0, 1, 1], [], []>, transpose_lhs_hint = false} : vector<512x512xbf16>, vector<512x64xbf16>, vector<512x64xf32> -> vector<512x64xf32>
      %slice3A_351 = vector.extract_strided_slice %add3A_98 {offsets = [0, 512], sizes = [512, 64], strides = [1, 1]} : vector<512x768xf32> to vector<512x64xf32>
      %slice3A_352 = vector.extract_strided_slice %add3A_104 {offsets = [0, 512], sizes = [512, 64], strides = [1, 1]} : vector<512x768xf32> to vector<512x64xf32>
      %convert_element_type3A_353 = arith.truncf %slice3A_351 : vector<512x64xf32> to vector<512x64xbf16>
      %convert_element_type3A_354 = arith.truncf %slice3A_352 : vector<512x64xf32> to vector<512x64xbf16>
      %dot_general3A_355 = arith.constant dense<0.000000e+00> : vector<512x512xf32>
      %dot_general3A_356 = tpu.matmul %convert_element_type3A_353, %convert_element_type3A_354, %dot_general3A_355 {dimension_numbers = #tpu.dot_dimension_numbers<[1], [1], [0], [0], [0, 0, 1, 0], [], []>, transpose_lhs_hint = false} : vector<512x64xbf16>, vector<512x64xbf16>, vector<512x512xf32> -> vector<512x512xf32>
      %mul3A_357 = arith.constant 1.250000e-01 : f32
      %mul3A_358 = vector.broadcast %mul3A_357 : f32 to vector<512x512xf32>
      %mul3A_359 = arith.mulf %dot_general3A_356, %mul3A_358 : vector<512x512xf32>
      %jit3A_360 = arith.constant -1.000000e+30 : f32
      %broadcast_in_dim3A_361 = vector.broadcast %jit3A_360 : f32 to vector<512x512xf32>
      %select_n3A_362 = arith.select %gt3A_112, %broadcast_in_dim3A_361, %mul3A_359 : vector<512x512xi1>, vector<512x512xf32>
      %reduce_max3A_363 = arith.constant dense<0xFF800000> : vector<512xf32>
      %reduce_max3A_364 = vector.multi_reduction <maximumf>, %select_n3A_362, %reduce_max3A_363 [1] : vector<512x512xf32> to vector<512xf32>
      %broadcast_in_dim3A_365 = vector.shape_cast %reduce_max3A_364 : vector<512xf32> to vector<512x1xf32>
      %sub3A_366 = vector.broadcast %broadcast_in_dim3A_365 : vector<512x1xf32> to vector<512x512xf32>
      %sub3A_367 = arith.subf %select_n3A_362, %sub3A_366 : vector<512x512xf32>
      %exp3A_368 = math.exp %sub3A_367 : vector<512x512xf32>
      %reduce_sum3A_369 = arith.constant dense<0.000000e+00> : vector<512xf32>
      %reduce_sum3A_370 = vector.multi_reduction <add>, %exp3A_368, %reduce_sum3A_369 [1] : vector<512x512xf32> to vector<512xf32>
      %broadcast_in_dim3A_371 = vector.shape_cast %reduce_sum3A_370 : vector<512xf32> to vector<512x1xf32>
      %div3A_372 = arith.constant 1.000000e+00 : f32
      %div3A_373 = vector.broadcast %div3A_372 : f32 to vector<512x1xf32>
      %div3A_374 = arith.divf %div3A_373, %broadcast_in_dim3A_371 : vector<512x1xf32>
      %mul3A_375 = vector.broadcast %div3A_374 : vector<512x1xf32> to vector<512x512xf32>
      %mul3A_376 = arith.mulf %exp3A_368, %mul3A_375 : vector<512x512xf32>
      %slice3A_377 = vector.extract_strided_slice %add3A_110 {offsets = [0, 512], sizes = [512, 64], strides = [1, 1]} : vector<512x768xf32> to vector<512x64xf32>
      %convert_element_type3A_378 = arith.truncf %mul3A_376 : vector<512x512xf32> to vector<512x512xbf16>
      %convert_element_type3A_379 = arith.truncf %slice3A_377 : vector<512x64xf32> to vector<512x64xbf16>
      %dot_general3A_380 = arith.constant dense<0.000000e+00> : vector<512x64xf32>
      %dot_general3A_381 = tpu.matmul %convert_element_type3A_378, %convert_element_type3A_379, %dot_general3A_380 {dimension_numbers = #tpu.dot_dimension_numbers<[1], [0], [0], [1], [0, 0, 1, 1], [], []>, transpose_lhs_hint = false} : vector<512x512xbf16>, vector<512x64xbf16>, vector<512x64xf32> -> vector<512x64xf32>
      %slice3A_382 = vector.extract_strided_slice %add3A_98 {offsets = [0, 576], sizes = [512, 64], strides = [1, 1]} : vector<512x768xf32> to vector<512x64xf32>
      %slice3A_383 = vector.extract_strided_slice %add3A_104 {offsets = [0, 576], sizes = [512, 64], strides = [1, 1]} : vector<512x768xf32> to vector<512x64xf32>
      %convert_element_type3A_384 = arith.truncf %slice3A_382 : vector<512x64xf32> to vector<512x64xbf16>
      %convert_element_type3A_385 = arith.truncf %slice3A_383 : vector<512x64xf32> to vector<512x64xbf16>
      %dot_general3A_386 = arith.constant dense<0.000000e+00> : vector<512x512xf32>
      %dot_general3A_387 = tpu.matmul %convert_element_type3A_384, %convert_element_type3A_385, %dot_general3A_386 {dimension_numbers = #tpu.dot_dimension_numbers<[1], [1], [0], [0], [0, 0, 1, 0], [], []>, transpose_lhs_hint = false} : vector<512x64xbf16>, vector<512x64xbf16>, vector<512x512xf32> -> vector<512x512xf32>
      %mul3A_388 = arith.constant 1.250000e-01 : f32
      %mul3A_389 = vector.broadcast %mul3A_388 : f32 to vector<512x512xf32>
      %mul3A_390 = arith.mulf %dot_general3A_387, %mul3A_389 : vector<512x512xf32>
      %jit3A_391 = arith.constant -1.000000e+30 : f32
      %broadcast_in_dim3A_392 = vector.broadcast %jit3A_391 : f32 to vector<512x512xf32>
      %select_n3A_393 = arith.select %gt3A_112, %broadcast_in_dim3A_392, %mul3A_390 : vector<512x512xi1>, vector<512x512xf32>
      %reduce_max3A_394 = arith.constant dense<0xFF800000> : vector<512xf32>
      %reduce_max3A_395 = vector.multi_reduction <maximumf>, %select_n3A_393, %reduce_max3A_394 [1] : vector<512x512xf32> to vector<512xf32>
      %broadcast_in_dim3A_396 = vector.shape_cast %reduce_max3A_395 : vector<512xf32> to vector<512x1xf32>
      %sub3A_397 = vector.broadcast %broadcast_in_dim3A_396 : vector<512x1xf32> to vector<512x512xf32>
      %sub3A_398 = arith.subf %select_n3A_393, %sub3A_397 : vector<512x512xf32>
      %exp3A_399 = math.exp %sub3A_398 : vector<512x512xf32>
      %reduce_sum3A_400 = arith.constant dense<0.000000e+00> : vector<512xf32>
      %reduce_sum3A_401 = vector.multi_reduction <add>, %exp3A_399, %reduce_sum3A_400 [1] : vector<512x512xf32> to vector<512xf32>
      %broadcast_in_dim3A_402 = vector.shape_cast %reduce_sum3A_401 : vector<512xf32> to vector<512x1xf32>
      %div3A_403 = arith.constant 1.000000e+00 : f32
      %div3A_404 = vector.broadcast %div3A_403 : f32 to vector<512x1xf32>
      %div3A_405 = arith.divf %div3A_404, %broadcast_in_dim3A_402 : vector<512x1xf32>
      %mul3A_406 = vector.broadcast %div3A_405 : vector<512x1xf32> to vector<512x512xf32>
      %mul3A_407 = arith.mulf %exp3A_399, %mul3A_406 : vector<512x512xf32>
      %slice3A_408 = vector.extract_strided_slice %add3A_110 {offsets = [0, 576], sizes = [512, 64], strides = [1, 1]} : vector<512x768xf32> to vector<512x64xf32>
      %convert_element_type3A_409 = arith.truncf %mul3A_407 : vector<512x512xf32> to vector<512x512xbf16>
      %convert_element_type3A_410 = arith.truncf %slice3A_408 : vector<512x64xf32> to vector<512x64xbf16>
      %dot_general3A_411 = arith.constant dense<0.000000e+00> : vector<512x64xf32>
      %dot_general3A_412 = tpu.matmul %convert_element_type3A_409, %convert_element_type3A_410, %dot_general3A_411 {dimension_numbers = #tpu.dot_dimension_numbers<[1], [0], [0], [1], [0, 0, 1, 1], [], []>, transpose_lhs_hint = false} : vector<512x512xbf16>, vector<512x64xbf16>, vector<512x64xf32> -> vector<512x64xf32>
      %slice3A_413 = vector.extract_strided_slice %add3A_98 {offsets = [0, 640], sizes = [512, 64], strides = [1, 1]} : vector<512x768xf32> to vector<512x64xf32>
      %slice3A_414 = vector.extract_strided_slice %add3A_104 {offsets = [0, 640], sizes = [512, 64], strides = [1, 1]} : vector<512x768xf32> to vector<512x64xf32>
      %convert_element_type3A_415 = arith.truncf %slice3A_413 : vector<512x64xf32> to vector<512x64xbf16>
      %convert_element_type3A_416 = arith.truncf %slice3A_414 : vector<512x64xf32> to vector<512x64xbf16>
      %dot_general3A_417 = arith.constant dense<0.000000e+00> : vector<512x512xf32>
      %dot_general3A_418 = tpu.matmul %convert_element_type3A_415, %convert_element_type3A_416, %dot_general3A_417 {dimension_numbers = #tpu.dot_dimension_numbers<[1], [1], [0], [0], [0, 0, 1, 0], [], []>, transpose_lhs_hint = false} : vector<512x64xbf16>, vector<512x64xbf16>, vector<512x512xf32> -> vector<512x512xf32>
      %mul3A_419 = arith.constant 1.250000e-01 : f32
      %mul3A_420 = vector.broadcast %mul3A_419 : f32 to vector<512x512xf32>
      %mul3A_421 = arith.mulf %dot_general3A_418, %mul3A_420 : vector<512x512xf32>
      %jit3A_422 = arith.constant -1.000000e+30 : f32
      %broadcast_in_dim3A_423 = vector.broadcast %jit3A_422 : f32 to vector<512x512xf32>
      %select_n3A_424 = arith.select %gt3A_112, %broadcast_in_dim3A_423, %mul3A_421 : vector<512x512xi1>, vector<512x512xf32>
      %reduce_max3A_425 = arith.constant dense<0xFF800000> : vector<512xf32>
      %reduce_max3A_426 = vector.multi_reduction <maximumf>, %select_n3A_424, %reduce_max3A_425 [1] : vector<512x512xf32> to vector<512xf32>
      %broadcast_in_dim3A_427 = vector.shape_cast %reduce_max3A_426 : vector<512xf32> to vector<512x1xf32>
      %sub3A_428 = vector.broadcast %broadcast_in_dim3A_427 : vector<512x1xf32> to vector<512x512xf32>
      %sub3A_429 = arith.subf %select_n3A_424, %sub3A_428 : vector<512x512xf32>
      %exp3A_430 = math.exp %sub3A_429 : vector<512x512xf32>
      %reduce_sum3A_431 = arith.constant dense<0.000000e+00> : vector<512xf32>
      %reduce_sum3A_432 = vector.multi_reduction <add>, %exp3A_430, %reduce_sum3A_431 [1] : vector<512x512xf32> to vector<512xf32>
      %broadcast_in_dim3A_433 = vector.shape_cast %reduce_sum3A_432 : vector<512xf32> to vector<512x1xf32>
      %div3A_434 = arith.constant 1.000000e+00 : f32
      %div3A_435 = vector.broadcast %div3A_434 : f32 to vector<512x1xf32>
      %div3A_436 = arith.divf %div3A_435, %broadcast_in_dim3A_433 : vector<512x1xf32>
      %mul3A_437 = vector.broadcast %div3A_436 : vector<512x1xf32> to vector<512x512xf32>
      %mul3A_438 = arith.mulf %exp3A_430, %mul3A_437 : vector<512x512xf32>
      %slice3A_439 = vector.extract_strided_slice %add3A_110 {offsets = [0, 640], sizes = [512, 64], strides = [1, 1]} : vector<512x768xf32> to vector<512x64xf32>
      %convert_element_type3A_440 = arith.truncf %mul3A_438 : vector<512x512xf32> to vector<512x512xbf16>
      %convert_element_type3A_441 = arith.truncf %slice3A_439 : vector<512x64xf32> to vector<512x64xbf16>
      %dot_general3A_442 = arith.constant dense<0.000000e+00> : vector<512x64xf32>
      %dot_general3A_443 = tpu.matmul %convert_element_type3A_440, %convert_element_type3A_441, %dot_general3A_442 {dimension_numbers = #tpu.dot_dimension_numbers<[1], [0], [0], [1], [0, 0, 1, 1], [], []>, transpose_lhs_hint = false} : vector<512x512xbf16>, vector<512x64xbf16>, vector<512x64xf32> -> vector<512x64xf32>
      %slice3A_444 = vector.extract_strided_slice %add3A_98 {offsets = [0, 704], sizes = [512, 64], strides = [1, 1]} : vector<512x768xf32> to vector<512x64xf32>
      %slice3A_445 = vector.extract_strided_slice %add3A_104 {offsets = [0, 704], sizes = [512, 64], strides = [1, 1]} : vector<512x768xf32> to vector<512x64xf32>
      %convert_element_type3A_446 = arith.truncf %slice3A_444 : vector<512x64xf32> to vector<512x64xbf16>
      %convert_element_type3A_447 = arith.truncf %slice3A_445 : vector<512x64xf32> to vector<512x64xbf16>
      %dot_general3A_448 = arith.constant dense<0.000000e+00> : vector<512x512xf32>
      %dot_general3A_449 = tpu.matmul %convert_element_type3A_446, %convert_element_type3A_447, %dot_general3A_448 {dimension_numbers = #tpu.dot_dimension_numbers<[1], [1], [0], [0], [0, 0, 1, 0], [], []>, transpose_lhs_hint = false} : vector<512x64xbf16>, vector<512x64xbf16>, vector<512x512xf32> -> vector<512x512xf32>
      %mul3A_450 = arith.constant 1.250000e-01 : f32
      %mul3A_451 = vector.broadcast %mul3A_450 : f32 to vector<512x512xf32>
      %mul3A_452 = arith.mulf %dot_general3A_449, %mul3A_451 : vector<512x512xf32>
      %jit3A_453 = arith.constant -1.000000e+30 : f32
      %broadcast_in_dim3A_454 = vector.broadcast %jit3A_453 : f32 to vector<512x512xf32>
      %select_n3A_455 = arith.select %gt3A_112, %broadcast_in_dim3A_454, %mul3A_452 : vector<512x512xi1>, vector<512x512xf32>
      %reduce_max3A_456 = arith.constant dense<0xFF800000> : vector<512xf32>
      %reduce_max3A_457 = vector.multi_reduction <maximumf>, %select_n3A_455, %reduce_max3A_456 [1] : vector<512x512xf32> to vector<512xf32>
      %broadcast_in_dim3A_458 = vector.shape_cast %reduce_max3A_457 : vector<512xf32> to vector<512x1xf32>
      %sub3A_459 = vector.broadcast %broadcast_in_dim3A_458 : vector<512x1xf32> to vector<512x512xf32>
      %sub3A_460 = arith.subf %select_n3A_455, %sub3A_459 : vector<512x512xf32>
      %exp3A_461 = math.exp %sub3A_460 : vector<512x512xf32>
      %reduce_sum3A_462 = arith.constant dense<0.000000e+00> : vector<512xf32>
      %reduce_sum3A_463 = vector.multi_reduction <add>, %exp3A_461, %reduce_sum3A_462 [1] : vector<512x512xf32> to vector<512xf32>
      %broadcast_in_dim3A_464 = vector.shape_cast %reduce_sum3A_463 : vector<512xf32> to vector<512x1xf32>
      %div3A_465 = arith.constant 1.000000e+00 : f32
      %div3A_466 = vector.broadcast %div3A_465 : f32 to vector<512x1xf32>
      %div3A_467 = arith.divf %div3A_466, %broadcast_in_dim3A_464 : vector<512x1xf32>
      %mul3A_468 = vector.broadcast %div3A_467 : vector<512x1xf32> to vector<512x512xf32>
      %mul3A_469 = arith.mulf %exp3A_461, %mul3A_468 : vector<512x512xf32>
      %slice3A_470 = vector.extract_strided_slice %add3A_110 {offsets = [0, 704], sizes = [512, 64], strides = [1, 1]} : vector<512x768xf32> to vector<512x64xf32>
      %convert_element_type3A_471 = arith.truncf %mul3A_469 : vector<512x512xf32> to vector<512x512xbf16>
      %convert_element_type3A_472 = arith.truncf %slice3A_470 : vector<512x64xf32> to vector<512x64xbf16>
      %dot_general3A_473 = arith.constant dense<0.000000e+00> : vector<512x64xf32>
      %dot_general3A_474 = tpu.matmul %convert_element_type3A_471, %convert_element_type3A_472, %dot_general3A_473 {dimension_numbers = #tpu.dot_dimension_numbers<[1], [0], [0], [1], [0, 0, 1, 1], [], []>, transpose_lhs_hint = false} : vector<512x512xbf16>, vector<512x64xbf16>, vector<512x64xf32> -> vector<512x64xf32>
      %concatenate3A = tpu.concatenate %dot_general3A_133, %dot_general3A_164, %dot_general3A_195, %dot_general3A_226, %dot_general3A_257, %dot_general3A_288, %dot_general3A_319, %dot_general3A_350, %dot_general3A_381, %dot_general3A_412, %dot_general3A_443, %dot_general3A_474 in 1 : vector<512x64xf32>, vector<512x64xf32>, vector<512x64xf32>, vector<512x64xf32>, vector<512x64xf32>, vector<512x64xf32>, vector<512x64xf32>, vector<512x64xf32>, vector<512x64xf32>, vector<512x64xf32>, vector<512x64xf32>, vector<512x64xf32> -> vector<512x768xf32>
      %convert_element_type3A_475 = arith.truncf %concatenate3A : vector<512x768xf32> to vector<512x768xbf16>
      %convert_element_type3A_476 = arith.truncf %get3A_91 : vector<768x768xf32> to vector<768x768xbf16>
      %dot_general3A_477 = arith.constant dense<0.000000e+00> : vector<512x768xf32>
      %dot_general3A_478 = tpu.matmul %convert_element_type3A_475, %convert_element_type3A_476, %dot_general3A_477 {dimension_numbers = #tpu.dot_dimension_numbers<[1], [1], [0], [0], [0, 0, 1, 0], [], []>, transpose_lhs_hint = false} : vector<512x768xbf16>, vector<768x768xbf16>, vector<512x768xf32> -> vector<512x768xf32>
      %add3A_479 = vector.broadcast %get3A_94 : vector<1x768xf32> to vector<512x768xf32>
      %add3A_480 = arith.addf %dot_general3A_478, %add3A_479 : vector<512x768xf32>
      %add3A_481 = arith.addf %get3A_62, %add3A_480 : vector<512x768xf32>
      %get3A_482 = arith.constant 0 : index
      %get3A_483 = arith.constant 0 : index
      %get3A_484 = vector.load %arg30[%get3A_482, %get3A_483] : memref<1x768xf32, #tpu.memory_space<vmem>>, vector<1x768xf32>
      %get3A_485 = arith.constant 0 : index
      %get3A_486 = arith.constant 0 : index
      %get3A_487 = vector.load %arg31[%get3A_485, %get3A_486] : memref<1x768xf32, #tpu.memory_space<vmem>>, vector<1x768xf32>
      %reduce_sum3A_488 = arith.constant dense<0.000000e+00> : vector<512xf32>
      %reduce_sum3A_489 = vector.multi_reduction <add>, %add3A_481, %reduce_sum3A_488 [1] : vector<512x768xf32> to vector<512xf32>
      %broadcast_in_dim3A_490 = vector.shape_cast %reduce_sum3A_489 : vector<512xf32> to vector<512x1xf32>
      %div3A_491 = arith.constant 7.680000e+02 : f32
      %div3A_492 = vector.broadcast %div3A_491 : f32 to vector<512x1xf32>
      %div3A_493 = arith.divf %broadcast_in_dim3A_490, %div3A_492 : vector<512x1xf32>
      %sub3A_494 = vector.broadcast %div3A_493 : vector<512x1xf32> to vector<512x768xf32>
      %sub3A_495 = arith.subf %add3A_481, %sub3A_494 : vector<512x768xf32>
      %integer_pow3A = arith.mulf %sub3A_495, %sub3A_495 : vector<512x768xf32>
      %reduce_sum3A_496 = arith.constant dense<0.000000e+00> : vector<512xf32>
      %reduce_sum3A_497 = vector.multi_reduction <add>, %integer_pow3A, %reduce_sum3A_496 [1] : vector<512x768xf32> to vector<512xf32>
      %broadcast_in_dim3A_498 = vector.shape_cast %reduce_sum3A_497 : vector<512xf32> to vector<512x1xf32>
      %div3A_499 = arith.constant 7.680000e+02 : f32
      %div3A_500 = vector.broadcast %div3A_499 : f32 to vector<512x1xf32>
      %div3A_501 = arith.divf %broadcast_in_dim3A_498, %div3A_500 : vector<512x1xf32>
      %sub3A_502 = vector.broadcast %div3A_493 : vector<512x1xf32> to vector<512x768xf32>
      %sub3A_503 = arith.subf %add3A_481, %sub3A_502 : vector<512x768xf32>
      %add3A_504 = arith.constant 9.99999974E-6 : f32
      %add3A_505 = vector.broadcast %add3A_504 : f32 to vector<512x1xf32>
      %add3A_506 = arith.addf %div3A_501, %add3A_505 : vector<512x1xf32>
      %rsqrt3A = math.rsqrt %add3A_506 : vector<512x1xf32>
      %mul3A_507 = vector.broadcast %rsqrt3A : vector<512x1xf32> to vector<512x768xf32>
      %mul3A_508 = arith.mulf %sub3A_503, %mul3A_507 : vector<512x768xf32>
      %mul3A_509 = vector.broadcast %get3A_484 : vector<1x768xf32> to vector<512x768xf32>
      %mul3A_510 = arith.mulf %mul3A_508, %mul3A_509 : vector<512x768xf32>
      %add3A_511 = vector.broadcast %get3A_487 : vector<1x768xf32> to vector<512x768xf32>
      %add3A_512 = arith.addf %mul3A_510, %add3A_511 : vector<512x768xf32>
      %swap3A = arith.constant 0 : index
      %swap3A_513 = arith.constant 0 : index
      %swap3A_514 = vector.load %arg35[%swap3A, %swap3A_513] : memref<512x768xf32, #tpu.memory_space<vmem>>, vector<512x768xf32>
      tpu.vector_store %arg35[%swap3A, %swap3A_513], %add3A_512 {strides = array<i32>} : memref<512x768xf32, #tpu.memory_space<vmem>>, vector<512x768xf32>,
    } else {
    }
    return
  }
  func.func @transform_0(%arg0: i32) -> (i32, i32) {
    %c0_i32 = arith.constant 0 : i32
    %c0_i32_0 = arith.constant 0 : i32
    %c0_i32_1 = arith.constant 0 : i32
    return %c0_i32, %c0_i32_0 : i32, i32
  }
  func.func @transform_1(%arg0: i32) -> (i32, i32) {
    %c0_i32 = arith.constant 0 : i32
    %c0_i32_0 = arith.constant 0 : i32
    %c0_i32_1 = arith.constant 0 : i32
    return %c0_i32, %c0_i32_0 : i32, i32
  }
  func.func @transform_2(%arg0: i32) -> (i32, i32) {
    %c0_i32 = arith.constant 0 : i32
    %c0_i32_0 = arith.constant 0 : i32
    %c0_i32_1 = arith.constant 0 : i32
    return %c0_i32, %c0_i32_0 : i32, i32
  }
  func.func @transform_3(%arg0: i32) -> (i32, i32) {
    %c0_i32 = arith.constant 0 : i32
    %c0_i32_0 = arith.constant 0 : i32
    %c0_i32_1 = arith.constant 0 : i32
    return %c0_i32, %c0_i32_0 : i32, i32
  }
  func.func @transform_4(%arg0: i32) -> (i32, i32) {
    %c0_i32 = arith.constant 0 : i32
    %c0_i32_0 = arith.constant 0 : i32
    %c0_i32_1 = arith.constant 0 : i32
    return %c0_i32, %c0_i32_0 : i32, i32
  }
  func.func @transform_5(%arg0: i32) -> (i32, i32) {
    %c0_i32 = arith.constant 0 : i32
    %c0_i32_0 = arith.constant 0 : i32
    %c0_i32_1 = arith.constant 0 : i32
    return %c0_i32, %c0_i32_0 : i32, i32
  }
  func.func @transform_6(%arg0: i32) -> (i32, i32) {
    %c0_i32 = arith.constant 0 : i32
    %c0_i32_0 = arith.constant 0 : i32
    %c0_i32_1 = arith.constant 0 : i32
    return %c0_i32, %c0_i32_0 : i32, i32
  }
  func.func @transform_7(%arg0: i32) -> (i32, i32) {
    %c0_i32 = arith.constant 0 : i32
    %c0_i32_0 = arith.constant 0 : i32
    %c0_i32_1 = arith.constant 0 : i32
    return %c0_i32, %c0_i32_0 : i32, i32
  }
  func.func @transform_8(%arg0: i32) -> (i32, i32) {
    %c0_i32 = arith.constant 0 : i32
    %c0_i32_0 = arith.constant 0 : i32
    %c0_i32_1 = arith.constant 0 : i32
    return %c0_i32, %c0_i32_0 : i32, i32
  }
  func.func @transform_9(%arg0: i32) -> (i32, i32) {
    %sub3A = arith.constant 0 : i32
    %sub3A_0 = arith.subi %arg0, %sub3A : i32
    %sub3A_1 = arith.constant 1 : i32
    %sub3A_2 = arith.subi %sub3A_0, %sub3A_1 : i32
    %jit3A = arith.constant 0 : i32
    %jit3A_3 = arith.constant 5 : i32
    %max3A = arith.maxsi %jit3A, %sub3A_2 : i32
    %min3A = arith.minsi %jit3A_3, %max3A : i32
    %c0_i32 = arith.constant 0 : i32
    %c0_i32_4 = arith.constant 0 : i32
    return %min3A, %c0_i32 : i32, i32
  }
  func.func @transform_10(%arg0: i32) -> (i32, i32) {
    %sub3A = arith.constant 0 : i32
    %sub3A_0 = arith.subi %arg0, %sub3A : i32
    %sub3A_1 = arith.constant 1 : i32
    %sub3A_2 = arith.subi %sub3A_0, %sub3A_1 : i32
    %jit3A = arith.constant 0 : i32
    %jit3A_3 = arith.constant 5 : i32
    %max3A = arith.maxsi %jit3A, %sub3A_2 : i32
    %min3A = arith.minsi %jit3A_3, %max3A : i32
    %c0_i32 = arith.constant 0 : i32
    %c0_i32_4 = arith.constant 0 : i32
    return %c0_i32, %min3A : i32, i32
  }
  func.func @transform_11(%arg0: i32) -> (i32, i32) {
    %sub3A = arith.constant 0 : i32
    %sub3A_0 = arith.subi %arg0, %sub3A : i32
    %sub3A_1 = arith.constant 1 : i32
    %sub3A_2 = arith.subi %sub3A_0, %sub3A_1 : i32
    %jit3A = arith.constant 0 : i32
    %jit3A_3 = arith.constant 5 : i32
    %max3A = arith.maxsi %jit3A, %sub3A_2 : i32
    %min3A = arith.minsi %jit3A_3, %max3A : i32
    %c0_i32 = arith.constant 0 : i32
    %c0_i32_4 = arith.constant 0 : i32
    return %c0_i32, %min3A : i32, i32
  }
  func.func @transform_12(%arg0: i32) -> (i32, i32) {
    %c0_i32 = arith.constant 0 : i32
    %c0_i32_0 = arith.constant 0 : i32
    %c0_i32_1 = arith.constant 0 : i32
    return %c0_i32, %c0_i32_0 : i32, i32
  }
  func.func @transform_13(%arg0: i32) -> (i32, i32) {
    %c0_i32 = arith.constant 0 : i32
    %c0_i32_0 = arith.constant 0 : i32
    %c0_i32_1 = arith.constant 0 : i32
    return %c0_i32, %c0_i32_0 : i32, i32
  }
  func.func @transform_14(%arg0: i32) -> (i32, i32) {
    %c0_i32 = arith.constant 0 : i32
    %c0_i32_0 = arith.constant 0 : i32
    %c0_i32_1 = arith.constant 0 : i32
    return %c0_i32, %c0_i32_0 : i32, i32
  }
  func.func @transform_15(%arg0: i32) -> (i32, i32) {
    %c0_i32 = arith.constant 0 : i32
    %c0_i32_0 = arith.constant 0 : i32
    %c0_i32_1 = arith.constant 0 : i32
    return %c0_i32, %c0_i32_0 : i32, i32
  }
  func.func @transform_16(%arg0: i32) -> (i32, i32) {
    %c0_i32 = arith.constant 0 : i32
    %c0_i32_0 = arith.constant 0 : i32
    %c0_i32_1 = arith.constant 0 : i32
    return %c0_i32, %c0_i32_0 : i32, i32
  }
  func.func @transform_21(%arg0: i32) -> (i32, i32) {
    %c0_i32 = arith.constant 0 : i32
    %c0_i32_0 = arith.constant 0 : i32
    %c0_i32_1 = arith.constant 0 : i32
    return %c0_i32, %c0_i32_0 : i32, i32
  }
  func.func @transform_22(%arg0: i32) -> (i32, i32) {
    %c0_i32 = arith.constant 0 : i32
    %c0_i32_0 = arith.constant 0 : i32
    %c0_i32_1 = arith.constant 0 : i32
    return %c0_i32, %c0_i32_0 : i32, i32
  }
  func.func @transform_23(%arg0: i32) -> (i32, i32) {
    %c0_i32 = arith.constant 0 : i32
    %c0_i32_0 = arith.constant 0 : i32
    %c0_i32_1 = arith.constant 0 : i32
    return %c0_i32, %c0_i32_0 : i32, i32
  }
  func.func @transform_24(%arg0: i32) -> (i32, i32) {
    %c0_i32 = arith.constant 0 : i32
    %c0_i32_0 = arith.constant 0 : i32
    %c0_i32_1 = arith.constant 0 : i32
    return %c0_i32, %c0_i32_0 : i32, i32
  }
  func.func @transform_25(%arg0: i32) -> (i32, i32) {
    %sub3A = arith.constant 7 : i32
    %sub3A_0 = arith.subi %arg0, %sub3A : i32
    %sub3A_1 = arith.constant 1 : i32
    %sub3A_2 = arith.subi %sub3A_0, %sub3A_1 : i32
    %jit3A = arith.constant 0 : i32
    %jit3A_3 = arith.constant 5 : i32
    %max3A = arith.maxsi %jit3A, %sub3A_2 : i32
    %min3A = arith.minsi %jit3A_3, %max3A : i32
    %c0_i32 = arith.constant 0 : i32
    %c0_i32_4 = arith.constant 0 : i32
    return %min3A, %c0_i32 : i32, i32
  }
  func.func @transform_26(%arg0: i32) -> (i32, i32) {
    %sub3A = arith.constant 7 : i32
    %sub3A_0 = arith.subi %arg0, %sub3A : i32
    %sub3A_1 = arith.constant 1 : i32
    %sub3A_2 = arith.subi %sub3A_0, %sub3A_1 : i32
    %jit3A = arith.constant 0 : i32
    %jit3A_3 = arith.constant 5 : i32
    %max3A = arith.maxsi %jit3A, %sub3A_2 : i32
    %min3A = arith.minsi %jit3A_3, %max3A : i32
    %c0_i32 = arith.constant 0 : i32
    %c0_i32_4 = arith.constant 0 : i32
    return %c0_i32, %min3A : i32, i32
  }
  func.func @transform_27(%arg0: i32) -> (i32, i32) {
    %sub3A = arith.constant 7 : i32
    %sub3A_0 = arith.subi %arg0, %sub3A : i32
    %sub3A_1 = arith.constant 1 : i32
    %sub3A_2 = arith.subi %sub3A_0, %sub3A_1 : i32
    %jit3A = arith.constant 0 : i32
    %jit3A_3 = arith.constant 5 : i32
    %max3A = arith.maxsi %jit3A, %sub3A_2 : i32
    %min3A = arith.minsi %jit3A_3, %max3A : i32
    %c0_i32 = arith.constant 0 : i32
    %c0_i32_4 = arith.constant 0 : i32
    return %c0_i32, %min3A : i32, i32
  }
  func.func @transform_28(%arg0: i32) -> (i32, i32) {
    %c0_i32 = arith.constant 0 : i32
    %c0_i32_0 = arith.constant 0 : i32
    %c0_i32_1 = arith.constant 0 : i32
    return %c0_i32, %c0_i32_0 : i32, i32
  }
  func.func @transform_29(%arg0: i32) -> (i32, i32) {
    %c0_i32 = arith.constant 0 : i32
    %c0_i32_0 = arith.constant 0 : i32
    %c0_i32_1 = arith.constant 0 : i32
    return %c0_i32, %c0_i32_0 : i32, i32
  }
  func.func @transform_30(%arg0: i32) -> (i32, i32) {
    %c0_i32 = arith.constant 0 : i32
    %c0_i32_0 = arith.constant 0 : i32
    %c0_i32_1 = arith.constant 0 : i32
    return %c0_i32, %c0_i32_0 : i32, i32
  }
  func.func @transform_31(%arg0: i32) -> (i32, i32) {
    %c0_i32 = arith.constant 0 : i32
    %c0_i32_0 = arith.constant 0 : i32
    %c0_i32_1 = arith.constant 0 : i32
    return %c0_i32, %c0_i32_0 : i32, i32
  }
  func.func @transform_32(%arg0: i32) -> (i32, i32) {
    %c0_i32 = arith.constant 0 : i32
    %c0_i32_0 = arith.constant 0 : i32
    %c0_i32_1 = arith.constant 0 : i32
    return %c0_i32, %c0_i32_0 : i32, i32
  }
  func.func @transform_33(%arg0: i32) -> (i32, i32) {
    %c0_i32 = arith.constant 0 : i32
    %c0_i32_0 = arith.constant 0 : i32
    %c0_i32_1 = arith.constant 0 : i32
    return %c0_i32, %c0_i32_0 : i32, i32
  }
}

module attributes {stable_mosaic.version = 14 : i64} {
  func.func @_head_body(%arg0: i32, %arg1: memref<1x768xf32, #tpu.memory_space<vmem>>, %arg2: memref<1536x768xf32, #tpu.memory_space<vmem>>, %arg3: memref<1x1536xf32, #tpu.memory_space<vmem>>, %arg4: memref<3200x768xf32, #tpu.memory_space<vmem>>, %arg5: memref<192x768xf32, #tpu.memory_space<vmem>>, %arg6: memref<1x192xf32, #tpu.memory_space<vmem>>, %arg7: memref<16x192xf32, #tpu.memory_space<vmem>>, %arg8: memref<1x16xf32, #tpu.memory_space<vmem>>, %arg9: memref<16x3200xf32, #tpu.memory_space<vmem>>, %arg10: memref<1x16xf32, #tpu.memory_space<vmem>>, %arg11: memref<1x12288xf32, #tpu.memory_space<vmem>>, %arg12: memref<16x768xf32, #tpu.memory_space<vmem>>) attributes {dimension_semantics = [#tpu.dimension_semantics<arbitrary>], iteration_bounds = array<i64: 18>, scalar_prefetch = 0 : i64, scratch_operands = 2 : i64, tpu.core_type = #tpu.core_type<tc>, window_params = [{pipeline_mode = #tpu.pipeline_mode<synchronous>, transform_indices = @transform_0, window_bounds = array<i64: 1, 768>}, {transform_indices = @transform_1, window_bounds = array<i64: 1536, 768>}, {transform_indices = @transform_2, window_bounds = array<i64: 1, 1536>}, {transform_indices = @transform_3, window_bounds = array<i64: 3200, 768>}, {pipeline_mode = #tpu.pipeline_mode<synchronous>, transform_indices = @transform_4, window_bounds = array<i64: 192, 768>}, {pipeline_mode = #tpu.pipeline_mode<synchronous>, transform_indices = @transform_5, window_bounds = array<i64: 1, 192>}, {pipeline_mode = #tpu.pipeline_mode<synchronous>, transform_indices = @transform_6, window_bounds = array<i64: 16, 192>}, {pipeline_mode = #tpu.pipeline_mode<synchronous>, transform_indices = @transform_7, window_bounds = array<i64: 1, 16>}, {transform_indices = @transform_8, window_bounds = array<i64: 16, 3200>}, {pipeline_mode = #tpu.pipeline_mode<synchronous>, transform_indices = @transform_9, window_bounds = array<i64: 1, 16>}]} {
    %lt3A = arith.constant 8 : i32
    %lt3A_0 = arith.cmpi slt, %arg0, %lt3A : i32
    %convert_element_type3A = arith.extui %lt3A_0 : i1 to i32
    %cond3A = arith.constant 0 : i32
    %cond3A_1 = arith.cmpi ne, %convert_element_type3A, %cond3A : i32
    scf.if %cond3A_1 {
      %get3A = arith.constant 0 : index
      %get3A_15 = arith.constant 0 : index
      %get3A_16 = vector.load %arg1[%get3A, %get3A_15] : memref<1x768xf32, #tpu.memory_space<vmem>>, vector<1x768xf32>
      %get3A_17 = arith.constant 0 : index
      %get3A_18 = arith.constant 0 : index
      %get3A_19 = vector.load %arg2[%get3A_17, %get3A_18] : memref<1536x768xf32, #tpu.memory_space<vmem>>, vector<1536x768xf32>
      %convert_element_type3A_20 = arith.truncf %get3A_16 : vector<1x768xf32> to vector<1x768xbf16>
      %convert_element_type3A_21 = arith.truncf %get3A_19 : vector<1536x768xf32> to vector<1536x768xbf16>
      %dot_general3A = arith.constant dense<0.000000e+00> : vector<1x1536xf32>
      %dot_general3A_22 = tpu.matmul %convert_element_type3A_20, %convert_element_type3A_21, %dot_general3A {dimension_numbers = #tpu.dot_dimension_numbers<[1], [1], [0], [0], [0, 0, 1, 0], [], []>, transpose_lhs_hint = false} : vector<1x768xbf16>, vector<1536x768xbf16>, vector<1x1536xf32> -> vector<1x1536xf32>
      %get3A_23 = arith.constant 0 : index
      %get3A_24 = arith.constant 0 : index
      %get3A_25 = vector.load %arg3[%get3A_23, %get3A_24] : memref<1x1536xf32, #tpu.memory_space<vmem>>, vector<1x1536xf32>
      %add3A = arith.addf %dot_general3A_22, %get3A_25 : vector<1x1536xf32>
      %mul3A = arith.constant 1536 : i32
      %mul3A_26 = arith.muli %arg0, %mul3A : i32
      %swap3A = arith.constant 0 : index
      %swap3A_27 = arith.index_cast %mul3A_26 : i32 to index
      %swap3A_28 = vector.load %arg11[%swap3A, %swap3A_27] : memref<1x12288xf32, #tpu.memory_space<vmem>>, vector<1x1536xf32>
      tpu.vector_store %arg11[%swap3A, %swap3A_27], %add3A {strides = array<i32>} : memref<1x12288xf32, #tpu.memory_space<vmem>>, vector<1x1536xf32>,
    } else {
    }
    %eq3A = arith.constant 8 : i32
    %eq3A_2 = arith.cmpi eq, %arg0, %eq3A : i32
    %convert_element_type3A_3 = arith.extui %eq3A_2 : i1 to i32
    %cond3A_4 = arith.constant 0 : i32
    %cond3A_5 = arith.cmpi ne, %convert_element_type3A_3, %cond3A_4 : i32
    scf.if %cond3A_5 {
      %get3A = arith.constant 0 : index
      %get3A_15 = arith.constant 0 : index
      %get3A_16 = vector.load %arg11[%get3A, %get3A_15] : memref<1x12288xf32, #tpu.memory_space<vmem>>, vector<1x12288xf32>
      %reshape3A = vector.shape_cast %get3A_16 : vector<1x12288xf32> to vector<16x768xf32>
      %swap3A = arith.constant 0 : index
      %swap3A_17 = arith.constant 0 : index
      %swap3A_18 = vector.load %arg12[%swap3A, %swap3A_17] : memref<16x768xf32, #tpu.memory_space<vmem>>, vector<16x768xf32>
      tpu.vector_store %arg12[%swap3A, %swap3A_17], %reshape3A {strides = array<i32>} : memref<16x768xf32, #tpu.memory_space<vmem>>, vector<16x768xf32>,
    } else {
    }
    %ge3A = arith.constant 8 : i32
    %ge3A_6 = arith.cmpi sge, %arg0, %ge3A : i32
    %convert_element_type3A_7 = arith.extui %ge3A_6 : i1 to i32
    %cond3A_8 = arith.constant 0 : i32
    %cond3A_9 = arith.cmpi ne, %convert_element_type3A_7, %cond3A_8 : i32
    scf.if %cond3A_9 {
      %get3A = arith.constant 0 : index
      %get3A_15 = arith.constant 0 : index
      %get3A_16 = vector.load %arg12[%get3A, %get3A_15] : memref<16x768xf32, #tpu.memory_space<vmem>>, vector<16x768xf32>
      %get3A_17 = arith.constant 0 : index
      %get3A_18 = arith.constant 0 : index
      %get3A_19 = vector.load %arg4[%get3A_17, %get3A_18] : memref<3200x768xf32, #tpu.memory_space<vmem>>, vector<3200x768xf32>
      %convert_element_type3A_20 = arith.truncf %get3A_16 : vector<16x768xf32> to vector<16x768xbf16>
      %convert_element_type3A_21 = arith.truncf %get3A_19 : vector<3200x768xf32> to vector<3200x768xbf16>
      %dot_general3A = arith.constant dense<0.000000e+00> : vector<16x3200xf32>
      %dot_general3A_22 = tpu.matmul %convert_element_type3A_20, %convert_element_type3A_21, %dot_general3A {dimension_numbers = #tpu.dot_dimension_numbers<[1], [1], [0], [0], [0, 0, 1, 0], [], []>, transpose_lhs_hint = false} : vector<16x768xbf16>, vector<3200x768xbf16>, vector<16x3200xf32> -> vector<16x3200xf32>
      %swap3A = arith.constant 0 : index
      %swap3A_23 = arith.constant 0 : index
      %swap3A_24 = vector.load %arg9[%swap3A, %swap3A_23] : memref<16x3200xf32, #tpu.memory_space<vmem>>, vector<16x3200xf32>
      tpu.vector_store %arg9[%swap3A, %swap3A_23], %dot_general3A_22 {strides = array<i32>} : memref<16x3200xf32, #tpu.memory_space<vmem>>, vector<16x3200xf32>,
    } else {
    }
    %eq3A_10 = arith.constant 17 : i32
    %eq3A_11 = arith.cmpi eq, %arg0, %eq3A_10 : i32
    %convert_element_type3A_12 = arith.extui %eq3A_11 : i1 to i32
    %cond3A_13 = arith.constant 0 : i32
    %cond3A_14 = arith.cmpi ne, %convert_element_type3A_12, %cond3A_13 : i32
    scf.if %cond3A_14 {
      %get3A = arith.constant 0 : index
      %get3A_15 = arith.constant 0 : index
      %get3A_16 = vector.load %arg1[%get3A, %get3A_15] : memref<1x768xf32, #tpu.memory_space<vmem>>, vector<1x768xf32>
      %get3A_17 = arith.constant 0 : index
      %get3A_18 = arith.constant 0 : index
      %get3A_19 = vector.load %arg5[%get3A_17, %get3A_18] : memref<192x768xf32, #tpu.memory_space<vmem>>, vector<192x768xf32>
      %convert_element_type3A_20 = arith.truncf %get3A_16 : vector<1x768xf32> to vector<1x768xbf16>
      %convert_element_type3A_21 = arith.truncf %get3A_19 : vector<192x768xf32> to vector<192x768xbf16>
      %dot_general3A = arith.constant dense<0.000000e+00> : vector<1x192xf32>
      %dot_general3A_22 = tpu.matmul %convert_element_type3A_20, %convert_element_type3A_21, %dot_general3A {dimension_numbers = #tpu.dot_dimension_numbers<[1], [1], [0], [0], [0, 0, 1, 0], [], []>, transpose_lhs_hint = false} : vector<1x768xbf16>, vector<192x768xbf16>, vector<1x192xf32> -> vector<1x192xf32>
      %get3A_23 = arith.constant 0 : index
      %get3A_24 = arith.constant 0 : index
      %get3A_25 = vector.load %arg6[%get3A_23, %get3A_24] : memref<1x192xf32, #tpu.memory_space<vmem>>, vector<1x192xf32>
      %add3A = arith.addf %dot_general3A_22, %get3A_25 : vector<1x192xf32>
      %max3A = arith.constant 0.000000e+00 : f32
      %max3A_26 = vector.broadcast %max3A : f32 to vector<1x192xf32>
      %max3A_27 = arith.maximumf %add3A, %max3A_26 : vector<1x192xf32>
      %get3A_28 = arith.constant 0 : index
      %get3A_29 = arith.constant 0 : index
      %get3A_30 = vector.load %arg7[%get3A_28, %get3A_29] : memref<16x192xf32, #tpu.memory_space<vmem>>, vector<16x192xf32>
      %convert_element_type3A_31 = arith.truncf %max3A_27 : vector<1x192xf32> to vector<1x192xbf16>
      %convert_element_type3A_32 = arith.truncf %get3A_30 : vector<16x192xf32> to vector<16x192xbf16>
      %dot_general3A_33 = arith.constant dense<0.000000e+00> : vector<1x16xf32>
      %dot_general3A_34 = tpu.matmul %convert_element_type3A_31, %convert_element_type3A_32, %dot_general3A_33 {dimension_numbers = #tpu.dot_dimension_numbers<[1], [1], [0], [0], [0, 0, 1, 0], [], []>, transpose_lhs_hint = false} : vector<1x192xbf16>, vector<16x192xbf16>, vector<1x16xf32> -> vector<1x16xf32>
      %get3A_35 = arith.constant 0 : index
      %get3A_36 = arith.constant 0 : index
      %get3A_37 = vector.load %arg8[%get3A_35, %get3A_36] : memref<1x16xf32, #tpu.memory_space<vmem>>, vector<1x16xf32>
      %add3A_38 = arith.addf %dot_general3A_34, %get3A_37 : vector<1x16xf32>
      %logistic3A = arith.negf %add3A_38 : vector<1x16xf32>
      %logistic3A_39 = math.exp %logistic3A : vector<1x16xf32>
      %logistic3A_40 = arith.constant 1.000000e+00 : f32
      %logistic3A_41 = vector.broadcast %logistic3A_40 : f32 to vector<1x16xf32>
      %logistic3A_42 = arith.addf %logistic3A_41, %logistic3A_39 : vector<1x16xf32>
      %logistic3A_43 = arith.divf %logistic3A_41, %logistic3A_42 : vector<1x16xf32>
      %swap3A = arith.constant 0 : index
      %swap3A_44 = arith.constant 0 : index
      %swap3A_45 = vector.load %arg10[%swap3A, %swap3A_44] : memref<1x16xf32, #tpu.memory_space<vmem>>, vector<1x16xf32>
      tpu.vector_store %arg10[%swap3A, %swap3A_44], %logistic3A_43 {strides = array<i32>} : memref<1x16xf32, #tpu.memory_space<vmem>>, vector<1x16xf32>,
    } else {
    }
    return
  }
  func.func @transform_0(%arg0: i32) -> (i32, i32) {
    %c0_i32 = arith.constant 0 : i32
    %c0_i32_0 = arith.constant 0 : i32
    %c0_i32_1 = arith.constant 0 : i32
    return %c0_i32, %c0_i32_0 : i32, i32
  }
  func.func @transform_1(%arg0: i32) -> (i32, i32) {
    %jit3A = arith.constant 0 : i32
    %jit3A_0 = arith.constant 7 : i32
    %max3A = arith.maxsi %jit3A, %arg0 : i32
    %min3A = arith.minsi %jit3A_0, %max3A : i32
    %c0_i32 = arith.constant 0 : i32
    %c0_i32_1 = arith.constant 0 : i32
    return %min3A, %c0_i32 : i32, i32
  }
  func.func @transform_2(%arg0: i32) -> (i32, i32) {
    %jit3A = arith.constant 0 : i32
    %jit3A_0 = arith.constant 7 : i32
    %max3A = arith.maxsi %jit3A, %arg0 : i32
    %min3A = arith.minsi %jit3A_0, %max3A : i32
    %c0_i32 = arith.constant 0 : i32
    %c0_i32_1 = arith.constant 0 : i32
    return %c0_i32, %min3A : i32, i32
  }
  func.func @transform_3(%arg0: i32) -> (i32, i32) {
    %sub3A = arith.constant 8 : i32
    %sub3A_0 = arith.subi %arg0, %sub3A : i32
    %jit3A = arith.constant 0 : i32
    %jit3A_1 = arith.constant 9 : i32
    %max3A = arith.maxsi %jit3A, %sub3A_0 : i32
    %min3A = arith.minsi %jit3A_1, %max3A : i32
    %c0_i32 = arith.constant 0 : i32
    %c0_i32_2 = arith.constant 0 : i32
    return %min3A, %c0_i32 : i32, i32
  }
  func.func @transform_4(%arg0: i32) -> (i32, i32) {
    %c0_i32 = arith.constant 0 : i32
    %c0_i32_0 = arith.constant 0 : i32
    %c0_i32_1 = arith.constant 0 : i32
    return %c0_i32, %c0_i32_0 : i32, i32
  }
  func.func @transform_5(%arg0: i32) -> (i32, i32) {
    %c0_i32 = arith.constant 0 : i32
    %c0_i32_0 = arith.constant 0 : i32
    %c0_i32_1 = arith.constant 0 : i32
    return %c0_i32, %c0_i32_0 : i32, i32
  }
  func.func @transform_6(%arg0: i32) -> (i32, i32) {
    %c0_i32 = arith.constant 0 : i32
    %c0_i32_0 = arith.constant 0 : i32
    %c0_i32_1 = arith.constant 0 : i32
    return %c0_i32, %c0_i32_0 : i32, i32
  }
  func.func @transform_7(%arg0: i32) -> (i32, i32) {
    %c0_i32 = arith.constant 0 : i32
    %c0_i32_0 = arith.constant 0 : i32
    %c0_i32_1 = arith.constant 0 : i32
    return %c0_i32, %c0_i32_0 : i32, i32
  }
  func.func @transform_8(%arg0: i32) -> (i32, i32) {
    %sub3A = arith.constant 8 : i32
    %sub3A_0 = arith.subi %arg0, %sub3A : i32
    %jit3A = arith.constant 0 : i32
    %jit3A_1 = arith.constant 9 : i32
    %max3A = arith.maxsi %jit3A, %sub3A_0 : i32
    %min3A = arith.minsi %jit3A_1, %max3A : i32
    %c0_i32 = arith.constant 0 : i32
    %c0_i32_2 = arith.constant 0 : i32
    return %c0_i32, %min3A : i32, i32
  }
  func.func @transform_9(%arg0: i32) -> (i32, i32) {
    %c0_i32 = arith.constant 0 : i32
    %c0_i32_0 = arith.constant 0 : i32
    %c0_i32_1 = arith.constant 0 : i32
    return %c0_i32, %c0_i32_0 : i32, i32
  }
}

</mosaic_0001>

<sc_bundles>
// kernel: kernel.7.cloned.1.call-start
scs
__scs_entry_jumppad:
0x0: {  	(pc) =	sbr.rel $0x88, $3  }
0x1: {  	(tag) =	ssettag $0x0;
	lr =	simm.s32 $0x1  }
0x2: {  	[smem:$0x3F55] =	sst lr;
	_ =	strace $0xD0000000  }
0x3: {  	_ = 	snop  }
0x4: {  	_ = 	snop  }
0x5: {  	_ = 	snop  }
0x6: {  	_ = 	snop  }
0x7: {  	_ = 	snop  }
__scs_overlays_trampoline_lowered:
0x8: {  	[smem:$0x3F64] =	sst s0  }
0x9: {  	[smem:$0x3F65] =	sst s1  }
0xa: {  	[smem:$0x3F66] =	sst s2  }
0xb: {  	[smem:$0x3F67] =	sst s3  }
0xc: {  	[smem:$0x3F68] =	sst s4  }
0xd: {  	[smem:$0x3F69] =	sst s5  }
0xe: {  	[smem:$0x3F6A] =	sst s6  }
0xf: {  	[smem:$0x3F6B] =	sst s7  }
0x10: {  	[smem:$0x3F6C] =	sst s8  }
0x11: {  	[smem:$0x3F6D] =	sst s9;
	s0 =	simm.s32 @!p0 $0x0  }
0x12: {  	s1 =	sld [smem:$0x3F53];
	s0 =	simm.s32 @p0 $0x1  }
0x13: {  	[smem:$0x3F6E] =	sst s0;
	s0 =	simm.s32 @!p1 $0x0  }
0x14: {  	s2 =	sld [smem:$0x3F52];
	s0 =	simm.s32 @p1 $0x1  }
0x15: {  	[smem:$0x3F6F] =	sst s0;
	s0 =	simm.s32 @!p2 $0x0  }
0x16: {  	s3 =	sld [smem:$0x3FDB];
	s0 =	simm.s32 @p2 $0x1  }
0x17: {  	s4 =	simm.s32 $0x1BF5;
	[smem:$0x3F71] =	sst s0  }
0x18: {  	s0 =	sld [smem:$0x3F54];
	_ =	swait.ge [sflag:s4], $0x0  }
0x19: {  	s7 =	sld [smem:$0x3F55]  }
0x1a: {  	s8 =	sadd.s32 $0xFFFFE003, lr  }
0x1b: {  	s9 =	sadd.s32 $0xFFFFFEF7, lr;
	s5 =	simm.s32 $0xFFFFFFFF;
	p2 =	slt.u32 s8, $0xFFFFF086  }
0x1c: {  	p1 =	slt.u32 s9, $0xF7A;
	s5 =	simm.s32 @!p2 $0x0  }
0x1d: {  	s5 =	simm.s32 @p1 $0x1;
	p0 =	seq.s32 s7, s2  }
0x1e: {  	s7 =	smul.u32 @!p0 $0xF7A, s2;
	p2 =	seq.s32 @!p0 s5, $0x0  }
0x1f: {  	s9 =	smul.u32 $0xF7A, s1;
	s8 =	simm.s32 @!p0 $0x1BF5;
	p2 =	por !p2, p0  }
0x20: {  	[sflag:s8] =	ssyncset.s32 @!p0 $0xFFFFF086;
	s6 =	sadd.s32 @!p0 s3, s7;
	s7 =	simm.s32 @!p0 $0x108  }
0x21: {  	s3 =	sadd.s32 s3, s9;
	s6 =	sadd.s32 @!p0 $0x88, s6;
	s7 =	simm.s32 @p2 $0x1082  }
0x22: {  	[simem:s7], [sflag:s8] =	dma.local @!p0 [hbm:s6], $0xF7A  }
0x23: {  	s9 =	sor.u32 $0xD0000000, s2;
	s6 =	simm.s32 $0x108;
	_ =	swait.ge @!p0 [sflag:s8], $0x0  }
0x24: {  	s3 =	sadd.s32 $0x88, s3;
	s6 =	simm.s32 @!p1 $0x1082;
	[sflag:s4] =	ssyncset.s32 $0xFFFFF086  }
0x25: {  	[simem:s6], [sflag:s4] =	dma.local [hbm:s3], $0xF7A  }
0x26: {  	[smem:$0x3F55] =	sst s1;
	(tag) =	ssettag s2;
	_ =	strace s9  }
0x27: {  	s1 =	sld [smem:$0x3F65]  }
0x28: {  	s2 =	sld [smem:$0x3F66]  }
0x29: {  	s4 =	sld [smem:$0x3F68]  }
0x2a: {  	p0 =	seq.s32 s5, $0x0;
	s5 =	sld [smem:$0x3F69]  }
0x2b: {  	s6 =	sld [smem:$0x3F6A]  }
0x2c: {  	s7 =	sld [smem:$0x3F6B]  }
0x2d: {  	s3 =	simm.s32 $0x108;
	s8 =	sld [smem:$0x3F6C]  }
0x2e: {  	s3 =	simm.s32 @!p0 $0x1082;
	s9 =	sld [smem:$0x3F6D]  }
0x2f: {  	lr =	sadd.s32 s0, s3;
	s0 =	sld [smem:$0x3F64]  }
0x30: {  	s3 =	sld [smem:$0x3F67]  }
0x31: {  	[smem:$0x3F70] =	sst s10  }
0x32: {  	s10 =	sld [smem:$0x3F6E];
	_ =	sdelay $0x3  }
0x33: {  	p0 =	seq.s32 s10, $0x1;
	s10 =	sld [smem:$0x3F70];
	_ =	sdelay $0x3  }
0x34: {  	[smem:$0x3F70] =	sst s10  }
0x35: {  	s10 =	sld [smem:$0x3F6F];
	_ =	sdelay $0x3  }
0x36: {  	p1 =	seq.s32 s10, $0x1;
	s10 =	sld [smem:$0x3F70];
	_ =	sdelay $0x3  }
0x37: {  	[smem:$0x3F70] =	sst s10  }
0x38: {  	s10 =	sld [smem:$0x3F71]  }
0x39: {  	_ = 	snop;
	(pc) =	sbr.ind lr, $3  }
0x3a: {  	_ = 	snop  }
0x3b: {  	_ = 	snop  }
0x3c: {  	p2 =	seq.s32 s10, $0x1;
	s10 =	sld [smem:$0x3F70]  }
0x3d: {  	_ =	shalt  }
0x3e: {  	_ =	shalt  }
0x3f: {  	_ =	shalt  }
0x40: {  	_ =	shalt  }
0x41: {  	_ =	shalt  }
0x42: {  	_ =	shalt  }
0x43: {  	_ =	shalt  }
0x44: {  	_ =	shalt  }
0x45: {  	_ =	shalt  }
0x46: {  	_ =	shalt  }
0x47: {  	_ =	shalt  }
0x48: {  	_ =	shalt  }
0x49: {  	_ =	shalt  }
0x4a: {  	_ =	shalt  }
0x4b: {  	_ =	shalt  }
0x4c: {  	_ =	shalt  }
0x4d: {  	_ =	shalt  }
0x4e: {  	_ =	shalt  }
0x4f: {  	_ =	shalt  }
0x50: {  	_ =	shalt  }
0x51: {  	_ =	shalt  }
0x52: {  	_ =	shalt  }
0x53: {  	_ =	shalt  }
0x54: {  	_ =	shalt  }
0x55: {  	_ =	shalt  }
0x56: {  	_ =	shalt  }
0x57: {  	_ =	shalt  }
0x58: {  	_ =	shalt  }
0x59: {  	_ =	shalt  }
0x5a: {  	_ =	shalt  }
0x5b: {  	_ =	shalt  }
0x5c: {  	_ =	shalt  }
0x5d: {  	_ =	shalt  }
0x5e: {  	_ =	shalt  }
0x5f: {  	_ =	shalt  }
0x60: {  	_ =	shalt  }
0x61: {  	_ =	shalt  }
0x62: {  	_ =	shalt  }
0x63: {  	_ =	shalt  }
0x64: {  	_ =	shalt  }
0x65: {  	_ =	shalt  }
0x66: {  	_ =	shalt  }
0x67: {  	_ =	shalt  }
0x68: {  	_ =	shalt  }
0x69: {  	_ =	shalt  }
0x6a: {  	_ =	shalt  }
0x6b: {  	_ =	shalt  }
0x6c: {  	_ =	shalt  }
0x6d: {  	_ =	shalt  }
0x6e: {  	_ =	shalt  }
0x6f: {  	_ =	shalt  }
0x70: {  	_ =	shalt  }
0x71: {  	_ =	shalt  }
0x72: {  	_ =	shalt  }
0x73: {  	_ =	shalt  }
0x74: {  	_ =	shalt  }
0x75: {  	_ =	shalt  }
0x76: {  	_ =	shalt  }
0x77: {  	_ =	shalt  }
0x78: {  	_ =	shalt  }
0x79: {  	_ =	shalt  }
0x7a: {  	_ =	shalt  }
0x7b: {  	_ =	shalt  }
0x7c: {  	_ =	shalt  }
0x7d: {  	_ =	shalt  }
0x7e: {  	_ =	shalt  }
0x7f: {  	_ =	shalt  }
0x80: {  	_ =	shalt  }
0x81: {  	_ =	shalt  }
0x82: {  	_ =	shalt  }
0x83: {  	_ =	shalt  }
0x84: {  	_ =	shalt  }
0x85: {  	_ =	shalt  }
0x86: {  	_ =	shalt  }
0x87: {  	_ =	shalt  }
.Lfunc_end0:
.L_simem_size_0:
called_computation_lowered:
.L_overlay_start_0:
0x88: {  	s2 =	sld [smem:$0x3FD9]  }
0x89: {  	s3 =	sld [smem:$0x3FFE];
	_ =	sdelay $0x1  }
0x8a: {  	s1 =	srdreg.scid  }
0x8b: {  	s0 =	sand.u32 $0x1, s1  }
0x8c: {  	s15 =	sshll.u32 s0, $0xA;
	s2 =	sadd.s32 s3, s2  }
0x8d: {  	s2 =	sadd.s32 s2, s15  }
0x8e: {  	[smem:$0x3F7C] =	sst s2  }
0x8f: {  	_ = 	snop  }
0x90: {  	s2 =	sld [smem:$0x3FD0];
	_ =	sdelay $0x1  }
0x91: {  	s16 =	sld [smem:$0x3FC9]  }
0x92: {  	s5 =	simm.s32 $0xA;
	s6 =	simm.s32 $0x10;
	s4 =	sld [smem:$0x3F9A]  }
0x93: {  	[smem:s6], [sflag:s5] =	dma.local [hbm:s2], $0x1  }
0x94: {  	_ =	swait.eq [sflag:s5], $0x1  }
0x95: {  	[sflag:s5] =	ssyncset.done $0x0  }
0x96: {  	[sflag:s5] =	ssyncadd.s32 $0xFFFFFFFF  }
0x97: {  	s17 =	sld [smem:$0x10];
	(tm) =	ssettm $0x1  }
0x98: {  	s18 =	sld [smem:$0x3FFB];
	_ =	sdelay $0x3  }
0x99: {  	_ =	strace s18  }
0x9a: {  	s5 =	sld [smem:$0x3FFC];
	_ =	sdelay $0x3  }
0x9b: {  	_ =	strace s5  }
0x9c: {  	s5 =	sld [smem:$0x3FFD];
	_ =	sdelay $0x3  }
0x9d: {  	_ =	strace s5  }
0x9e: {  	_ =	strace $0x8FFFFFFF  }
0x9f: {  	s19 =	sld [smem:$0x3FDB];
	_ =	sdelay $0x1  }
0xa0: {  	s20 =	simm.s32 $_scs_section_size  }
0xa1: {  	s7 =	simm.s32 $_size__tile_overlayer_lowered;
	s8 =	simm.s32 $_tile_overlayer_lowered  }
0xa2: {  	s23 =	simm.s32 $0x1BFF;
	s22 =	sshll.u32 s8, $0x1;
	s5 =	sadd.s32 s20, s19  }
0xa3: {  	s9 =	simm.s32 $0x0;
	s21 =	sshll.u32 s7, $0x1;
	s7 =	sadd.s32 s22, s5  }
0xa4: {  	[timem:s9], [sflag:s23] =	dma.local [hbm:s7], s21  }
0xa5: {  	_ =	swait.ge [sflag:s23], s21  }
0xa6: {  	s6 =	ssub.s32 $0x0, s21;
	[sflag:s23] =	ssyncset.done $0x0  }
0xa7: {  	[sflag:s23] =	ssyncadd.s32 s6;
	_ =	sdelay $0x1  }
0xa8: {  	s24 =	simm.s32 $0x1B8B  }
0xa9: {  	_ =	swait.ge [sflag:s24], $0x1  }
0xaa: {  	[sflag:s24] =	ssyncset.done $0x0  }
0xab: {  	s25 =	simm.s32 $0x1B8E;
	[sflag:s24] =	ssyncadd.s32 $0xFFFFFFFF  }
0xac: {  	s26 =	simm.s32 $execute0_lowered;
	[smem:$0x3FD2] =	sst s25  }
0xad: {  	s6 =	sshll.u32 s26, $0x1;
	_ =	strace $0x80000046;
	[dreg:$0x1] =	wrdreg $0xFFFFFFFF  }
0xae: {  	s28 =	simm.s32 $_size_execute0_lowered;
	s5 =	sadd.s32 s5, s6;
	[dreg:$0x0] =	wrdreg $0x0  }
0xaf: {  	s6 =	sshll.u32 s28, $0x1;
	[dreg:$0x2] =	wrdreg s5  }
0xb0: {  	[dreg:$0x3] =	wrdreg s6  }
0xb1: {  	[dreg:$0x4] =	wrdreg $0xC0  }
0xb2: {  	_ =	task [dreg:s9], $0x5FFFF  }
0xb3: {  	[dreg:$0x1] =	wrdreg $0xFFFFFFFF  }
0xb4: {  	[dreg:$0x0] =	wrdreg $0x60  }
0xb5: {  	[dreg:$0x2] =	wrdreg s4  }
0xb6: {  	[dreg:$0x3] =	wrdreg s16  }
0xb7: {  	[dreg:$0x4] =	wrdreg s17  }
0xb8: {  	[dreg:$0x5] =	wrdreg $0x9  }
0xb9: {  	_ =	task.clear_ibuf [dreg:s9], $0x6FFFF;
	_ =	strace $0x90000046  }
0xba: {  	s29 =	simm.s32 $0x9;
	_ =	strace $0x80000048  }
0xbb: {  	_ =	swait.ge [sflag:s29], $0x1  }
0xbc: {  	[sflag:s29] =	ssyncadd.s32 $0xFFFFFFFF  }
0xbd: {  	_ =	strace $0x90000048  }
0xbe: {  	_ =	sfence  }
0xbf: {  	s30 =	sld [smem:$0x0];
	_ =	sdelay $0x2  }
0xc0: {  	s31 =	sshll.u32 s1, $0xD;
	s1 =	sshrl.u32 s1, $0x2  }
0xc1: {  	s3 =	sand.u32 $0x4000, s31;
	s1 =	sadd.s32 s1, s30  }
0xc2: {  	s0 =	sor.u32 s3, s0;
	s1 =	sshll.u32 s1, $0x11  }
0xc3: {  	s0 =	sor.u32 s1, s0  }
0xc4: {  	s0 =	sadd.s32 $0x8F2B, s0  }
0xc5: {  	[sflag:s0] =	ssyncadd.remote.s32 $0x1  }
0xc6: {  	_ =	sfence.sel $0xFFFF  }
0xc7: {  	[dreg:$0x0] =	wrdreg $0xFFFFFFFF;
	(pc) =	sbr.abs _section_cstart, $3  }
0xc8: {  	[dreg:$0x1] =	wrdreg $0xFFFFFFFF  }
0xc9: {  	_ =	task.clear_ibuf [dreg:s9], $0x2FFFF;
	_ =	strace $0x9FFFFFFF  }
0xca: {  	(tm) =	ssettm $0x7FFFFFFF  }
0xcb: {  	_ =	shalt  }
tec
execute0_lowered:
.L_overlay_start_1:
0x0: {  	(tag) =	ssettag $0x1  }
0x1: {  	s2 =	rddreg [dreg:$0x0]  }
0x2: {  	s4 =	rddreg [dreg:$0x1]  }
0x3: {  	s15 =	rddreg [dreg:$0x2];
	s3 =	srdreg.scid  }
0x4: {  	s0 =	rddreg [dreg:$0x3];
	s1 =	stileid.u32;
	s13 =	sand.u32 $0x1, s3  }
0x5: {  	s3 =	simm.s32 $0x0;
	s5 =	sshll.u32 s1, $0x2;
	s6 =	sshll.u32 s13, $0x1  }
0x6: {  	[smem:$0x7FF] =	sst s3;
	s16 =	sor.u32 s6, s5  }
0x7: {  	_ =	strace $0x80000047;
	s5 =	sadd.s32 s4, s16;
	s4 =	simm.s32 $0x2  }
0x8: {  	[tilespmem:s3], [sflag:$0x2] =	stream.linear.gather [hbm4b:s5+s3], $0x10, $0x38;
	[tilespmem:$0x3080] =	vst v63  }
0x9: {  	_ =	swait.ge [sflag:s4], $0x10  }
0xa: {  	[sflag:s4] =	ssyncset.done $0x0  }
0xb: {  	[sflag:s4] =	ssyncadd.s32 $0xFFFFFFF0  }
0xc: {  	v0 =	vld [tilespmem:$0x0];
	_ =	sdelay $0x4  }
0xd: {  	v1 =	vshrl.u32 v0, $0x3  }
0xe: {  	v1 =	vmul.u32 $0x30, v1  }
0xf: {  	v2 =	vlaneseq.u32;
	v3 =	vand.u32 $0x7, v0  }
0x10: {  	v4 =	vshrl.u32 v2, $0x3;
	v0 =	vand.u32 $0x7, v2;
	v3 =	vor.u32 v3, v1  }
0x11: {  	v1 =	vmul.u32 $0x8, v4;
	v63 =	vperm.xlane v3, v0;
	_ =	sdelay $0x1  }
0x12: {  	v4 =	vadd.s32 v1, v63;
	_ =	sdelay $0x2  }
0x13: {  	v2 =	vor.u32 $0x8, v2  }
0x14: {  	vm0 =	vmmov $0xffff;
	s6 =	simm.s32 $0x80;
	v3 =	vperm.xlane v3, v2  }
0x15: {  	[tilespmem:s6], [sflag:$0x1] =	stream.indirect_vreg.gather [hbm4b:s2+s3], $0x80, v4, vm0, $0xb8;
	[tilespmem:$0x3080] =	vst v63  }
0x16: {  	s8 =	simm.s32 $0x880;
	s7 =	sadd.s32 $0x100, s2;
	v3 =	vadd.s32 v1, v3  }
0x17: {  	[tilespmem:s8], [sflag:$0x1] =	stream.indirect_vreg.gather [hbm4b:s7+s3], $0x80, v4, vm0, $0xb8;
	[tilespmem:$0x3080] =	vst v63  }
0x18: {  	s10 =	simm.s32 $0x1080;
	s9 =	sadd.s32 $0x200, s2;
	s17 =	ssub.s32 $0x2, s13  }
0x19: {  	[tilespmem:s10], [sflag:$0x1] =	stream.indirect_vreg.gather [hbm4b:s9+s3], $0x80, v4, vm0, $0xb8;
	[tilespmem:$0x3080] =	vst v63  }
0x1a: {  	s11 =	simm.s32 $0x1880;
	s18 =	sshrl.u32 s17, $0x1  }
0x1b: {  	[tilespmem:s11], [sflag:$0x1] =	stream.indirect_vreg.gather [hbm4b:s2+s3], $0x80, v3, vm0, $0xb8;
	[tilespmem:$0x3080] =	vst v63  }
0x1c: {  	s12 =	simm.s32 $0x2080;
	s17 =	ssub.s32 s17, s18  }
0x1d: {  	[tilespmem:s12], [sflag:$0x1] =	stream.indirect_vreg.gather [hbm4b:s7+s3], $0x80, v3, vm0, $0xb8;
	[tilespmem:$0x3080] =	vst v63  }
0x1e: {  	s14 =	simm.s32 $0x1;
	s13 =	simm.s32 $0x2880;
	s31 =	smax.u32 s17, $0x1  }
0x1f: {  	[tilespmem:s13], [sflag:$0x1] =	stream.indirect_vreg.gather [hbm4b:s9+s3], $0x80, v3, vm0, $0xb8;
	[tilespmem:$0x3080] =	vst v63  }
0x20: {  	s16 =	smul.u32 $0x300, s16;
	p0 =	sne.s32 s31, $0x1;
	_ =	swait.ge [sflag:s14], $0x3000  }
.Ltmp0:
0x21: {  	[sflag:s14] =	ssyncset.done $0x0;
	(pc) =	sbr.rel @!p0 .LBB2_2-.Ltmp0, $4  }
0x22: {  	s15 =	sadd.s32 s15, s16;
	[sflag:s14] =	ssyncadd.s32 $0xFFFFD000  }
0x23: {  	[hbm4b:s15+s3] =	stream.linear.scatter [tilespmem:s6], [sflag:$0x2], $0x3000, $0x38;
	[tilespmem:$0x3080] =	vst v63  }
0x24: {  	_ =	swait.ge [sflag:s4], $0x3000  }
0x25: {  	s16 =	sadd.s32 $0xFFFFFFFF, s31;
	[sflag:s4] =	ssyncset.done $0x0  }
.LBB2_1:
0x26: {  	p0 =	sne.s32 s16, $0x1;
	s16 =	sadd.s32 $0xFFFFFFFF, s16;
	[sflag:s4] =	ssyncadd.s32 $0xFFFFD000  }
0x27: {  	[tilespmem:s3], [sflag:$0x2] =	stream.linear.gather [hbm4b:s5+s3], $0x10, $0x38;
	[tilespmem:$0x3080] =	vst v63  }
0x28: {  	_ =	swait.ge [sflag:s4], $0x10  }
0x29: {  	[sflag:s4] =	ssyncset.done $0x0  }
0x2a: {  	[sflag:s4] =	ssyncadd.s32 $0xFFFFFFF0  }
0x2b: {  	v3 =	vld [tilespmem:$0x0];
	_ =	sdelay $0x4  }
0x2c: {  	v4 =	vshrl.u32 v3, $0x3  }
0x2d: {  	v4 =	vmul.u32 $0x30, v4  }
0x2e: {  	v3 =	vand.u32 $0x7, v3  }
0x2f: {  	v3 =	vor.u32 v3, v4  }
0x30: {  	v4 =	vperm.xlane v3, v0;
	v3 =	vperm.xlane v3, v2;
	_ =	sdelay $0x1  }
0x31: {  	v4 =	vadd.s32 v1, v4;
	_ =	sdelay $0x4  }
0x32: {  	[tilespmem:s6], [sflag:$0x1] =	stream.indirect_vreg.gather [hbm4b:s2+s3], $0x80, v4, vm0, $0xb8;
	[tilespmem:$0x3080] =	vst v63  }
0x33: {  	v3 =	vadd.s32 v1, v3  }
0x34: {  	[tilespmem:s8], [sflag:$0x1] =	stream.indirect_vreg.gather [hbm4b:s7+s3], $0x80, v4, vm0, $0xb8;
	[tilespmem:$0x3080] =	vst v63  }
0x35: {  	_ = 	snop  }
0x36: {  	[tilespmem:s10], [sflag:$0x1] =	stream.indirect_vreg.gather [hbm4b:s9+s3], $0x80, v4, vm0, $0xb8;
	[tilespmem:$0x3080] =	vst v63  }
0x37: {  	_ = 	snop  }
0x38: {  	[tilespmem:s11], [sflag:$0x1] =	stream.indirect_vreg.gather [hbm4b:s2+s3], $0x80, v3, vm0, $0xb8;
	[tilespmem:$0x3080] =	vst v63  }
0x39: {  	_ = 	snop  }
0x3a: {  	[tilespmem:s12], [sflag:$0x1] =	stream.indirect_vreg.gather [hbm4b:s7+s3], $0x80, v3, vm0, $0xb8;
	[tilespmem:$0x3080] =	vst v63  }
0x3b: {  	_ = 	snop  }
0x3c: {  	[tilespmem:s13], [sflag:$0x1] =	stream.indirect_vreg.gather [hbm4b:s9+s3], $0x80, v3, vm0, $0xb8;
	[tilespmem:$0x3080] =	vst v63  }
0x3d: {  	_ =	swait.ge [sflag:s14], $0x3000  }
.Ltmp1:
0x3e: {  	[sflag:s14] =	ssyncset.done $0x0;
	(pc) =	sbr.rel @p0 .LBB2_1-.Ltmp1, $4  }
0x3f: {  	[sflag:s14] =	ssyncadd.s32 $0xFFFFD000  }
0x40: {  	[hbm4b:s15+s3] =	stream.linear.scatter [tilespmem:s6], [sflag:$0x2], $0x3000, $0x38;
	[tilespmem:$0x3080] =	vst v63  }
0x41: {  	_ =	swait.ge [sflag:s4], $0x3000  }
0x42: {  	[sflag:s4] =	ssyncset.done $0x0  }
.LBB2_2:
0x43: {  	[sflag:s4] =	ssyncadd.s32 $0xFFFFD000  }
0x44: {  	_ =	sfence.sel $0x180000  }
0x45: {  	[bflag:$0x0] =	sbarrier.arrive $0xFFFF  }
0x46: {  	p0 =	sne.s32 s1, $0x0;
	_ =	strace $0x90000047  }
0x47: {  	s0 =	sadd.s32 @!p0 $0x100000, s0;
	[bflag:$0x2] =	sbarrier.arrive $0xFFFF  }
0x48: {  	[sflag:s0] =	ssyncadd.tile.s32 @!p0 $0x1;
	_ =	shalt  }
.Lfunc_end2:
_tile_overlayer_lowered:
.L_overlay_start_2:
0x49: {  	(tag) =	ssettag $0x2  }
0x4a: {  	s0 =	rddreg [dreg:$0x0];
	s2 =	stileid.u32  }
0x4b: {  	s1 =	rddreg [dreg:$0x1];
	p0 =	sne.s32 s2, $0x0  }
0x4c: {  	s3 =	rddreg [dreg:$0x2];
	[bflag:$0x3] =	sbarrier.arrive $0xFFFF;
	s2 =	simm.s32 @!p0 $0x1C02  }
0x4d: {  	[timem:s3], [sflag:s2] =	dma.local @!p0 [hbm:s0], s1  }
0x4e: {  	s0 =	simm.s32 @!p0 $0x2  }
0x4f: {  	_ =	swait.ge @!p0 [sflag:s0], s1  }
0x50: {  	s1 =	ssub.s32 @!p0 $0x0, s1;
	[sflag:s0] =	ssyncset.done @!p0 $0x0  }
0x51: {  	[sflag:s0] =	ssyncadd.s32 @!p0 s1  }
0x52: {  	[bflag:$0x3] =	sbarrier.arrive $0xFFFF  }
0x53: {  	_ =	shalt  }

</sc_bundles>
